<compile_context>
chip_gen: v7x
topology: tpu7x:2x2x1
jax: 0.10.2.dev20260603
libtpu: 0.0.44.dev20260713+nightly
codegen_flags: <defaults>
</compile_context>

<pallas_src>
import functools

import jax
import jax.numpy as jnp
from jax import lax
from jax.experimental import pallas as pl
from jax.experimental.pallas import tpu as pltpu
from jax.experimental.pallas import tpu_sc as plsc

_N = 10000
_E = 320000
_DI = 128
_H = 256
_G4 = 4 * _H
_DO = 128

_NW = 32
_CHUNK = 128
_C = 79
_EPT = _C * _CHUNK
_EPAD = _NW * _EPT
_NPAD = 10240
_NPT = _NPAD // 16

_TB = 400
_NB = _N // _TB

_sc_mesh = plsc.VectorSubcoreMesh(core_axis_name="c", subcore_axis_name="s")


@functools.partial(
    pl.kernel,
    out_type=jax.ShapeDtypeStruct((2, _NPAD), jnp.float32),
    mesh=_sc_mesh,
    scratch_types=[
        pltpu.VMEM((_C, _CHUNK), jnp.int32),
        pltpu.VMEM((_C, _CHUNK), jnp.float32),
        pltpu.VMEM_SHARED((_NPAD,), jnp.float32),
        pltpu.SemaphoreType.DMA,
    ],
)
def _sc_deg(col_hbm, w_hbm, zeros_hbm, out_hbm, col_v, w_v, deg_sh, sem):
    cid = lax.axis_index("c")
    sid = lax.axis_index("s")
    wid = sid * 2 + cid
    base = sid * _NPT
    pltpu.sync_copy(zeros_hbm.at[pl.ds(base, _NPT)], deg_sh.at[pl.ds(base, _NPT)])
    plsc.subcore_barrier()
    pltpu.sync_copy(col_hbm.at[wid], col_v)
    pltpu.sync_copy(w_hbm.at[wid], w_v)

    def body(j, carry):
        pltpu.sync_copy(w_v.at[j], deg_sh.at[col_v.at[j]], add=True)
        return carry

    lax.fori_loop(0, _C, body, 0)
    plsc.subcore_barrier()
    pltpu.sync_copy(deg_sh.at[pl.ds(base, _NPT)], out_hbm.at[cid, pl.ds(base, _NPT)])


@functools.partial(
    pl.kernel,
    out_type=jax.ShapeDtypeStruct((2, _NPAD, _DI), jnp.float32),
    mesh=_sc_mesh,
    scratch_types=[
        pltpu.VMEM((_C, _CHUNK), jnp.int32),
        pltpu.VMEM((_C, _CHUNK), jnp.int32),
        pltpu.VMEM((_C, _CHUNK), jnp.float32),
        pltpu.VMEM((_CHUNK, _DI), jnp.float32),
        pltpu.VMEM_SHARED((_NPAD, _DI), jnp.float32),
        pltpu.SemaphoreType.DMA,
    ],
)
def _sc_msg(row_hbm, col_hbm, w_hbm, z_hbm, zeros_hbm, out_hbm,
            row_v, col_v, w_v, rows_v, agg_sh, sem):
    cid = lax.axis_index("c")
    sid = lax.axis_index("s")
    wid = sid * 2 + cid
    base = sid * _NPT
    pltpu.sync_copy(zeros_hbm.at[pl.ds(base, _NPT)], agg_sh.at[pl.ds(base, _NPT)])
    plsc.subcore_barrier()
    pltpu.sync_copy(row_hbm.at[wid], row_v)
    pltpu.sync_copy(col_hbm.at[wid], col_v)
    pltpu.sync_copy(w_hbm.at[wid], w_v)

    def chunk(j, carry):
        pltpu.async_copy(z_hbm.at[row_v.at[j]], rows_v, sem).wait()

        def group(k, c2):
            nv = w_v[j, pl.ds(k * 16, 16)]
            for l in range(16):
                s = nv[l]
                e = k * 16 + l
                for q in range(_DI // 16):
                    sl = pl.ds(q * 16, 16)
                    rows_v[e, sl] = rows_v[e, sl] * s
            return c2

        lax.fori_loop(0, _CHUNK // 16, group, 0)
        pltpu.sync_copy(rows_v, agg_sh.at[col_v.at[j]], add=True)
        return carry

    lax.fori_loop(0, _C, chunk, 0)
    plsc.subcore_barrier()
    pltpu.sync_copy(agg_sh.at[pl.ds(base, _NPT)], out_hbm.at[cid, pl.ds(base, _NPT)])


def _prep_body(deg_ref, x_ref, dinv_ref, z_ref):
    deg = deg_ref[0] + deg_ref[1] + 1.0
    dinv = lax.rsqrt(deg)
    dinv_ref[...] = dinv
    z_ref[...] = dinv * x_ref[...]


def _prep(deg_r, x):
    return pl.pallas_call(
        _prep_body,
        out_shape=(
            jax.ShapeDtypeStruct((_N, 1), jnp.float32),
            jax.ShapeDtypeStruct((_N, _DI), jnp.float32),
        ),
    )(deg_r, x)


def _mid_body(b0_ref, b1_ref, z_ref, dinv_ref, wg_ref, bg_ref, gam_ref, bet_ref,
              mu_ref, var_ref, wih_ref, bih_ref, bhh_ref, p_ref):
    agg = (b0_ref[...] + b1_ref[...] + z_ref[...]) * dinv_ref[...]
    h = jnp.dot(agg, wg_ref[...], preferred_element_type=jnp.float32) + bg_ref[...]
    h = jnp.maximum(h, 0.0)
    scale = gam_ref[...] * lax.rsqrt(var_ref[...] + 1e-5)
    hbn = (h - mu_ref[...]) * scale + bet_ref[...]
    p_ref[...] = (jnp.dot(hbn, wih_ref[...], preferred_element_type=jnp.float32)
                  + bih_ref[...] + bhh_ref[...])


def _mid(b0, b1, z, dinv, wg_t, bg, gam, bet, mu, var, wih_t, bih, bhh):
    row_spec = pl.BlockSpec((_TB, _DI), lambda i: (i, 0))
    full = lambda shape: pl.BlockSpec(shape, lambda i: tuple(0 for _ in shape))
    return pl.pallas_call(
        _mid_body,
        grid=(_NB,),
        in_specs=[
            row_spec, row_spec, row_spec,
            pl.BlockSpec((_TB, 1), lambda i: (i, 0)),
            full((_DI, _H)), full((1, _H)), full((1, _H)), full((1, _H)),
            full((1, _H)), full((1, _H)),
            full((_H, _G4)), full((1, _G4)), full((1, _G4)),
        ],
        out_specs=pl.BlockSpec((_TB, _G4), lambda i: (i, 0)),
        out_shape=jax.ShapeDtypeStruct((_N, _G4), jnp.float32),
    )(b0, b1, z, dinv, wg_t, bg, gam, bet, mu, var, wih_t, bih, bhh)


def _lstm_body(p_ref, whhb_ref, wfc_ref, bfc_ref, y_ref, h_s, c_s, seq_s):
    pid = pl.program_id(0)

    @pl.when(pid == 0)
    def _():
        h_s[...] = jnp.zeros_like(h_s)
        c_s[...] = jnp.zeros_like(c_s)

    whh = whhb_ref[...]

    def step(t, carry):
        hp, cp = carry
        hb = hp.astype(jnp.bfloat16)
        gates = p_ref[pl.ds(t, 1), :] + jnp.dot(
            hb, whh, preferred_element_type=jnp.float32)
        i = jax.nn.sigmoid(gates[:, 0:_H])
        f = jax.nn.sigmoid(gates[:, _H:2 * _H])
        g = jnp.tanh(gates[:, 2 * _H:3 * _H])
        o = jax.nn.sigmoid(gates[:, 3 * _H:4 * _H])
        c = f * cp + i * g
        h = o * jnp.tanh(c)
        seq_s[pl.ds(t, 1), :] = h
        return (h, c)

    h_fin, c_fin = lax.fori_loop(0, _TB, step, (h_s[...], c_s[...]),
                                 unroll=4)
    h_s[...] = h_fin
    c_s[...] = c_fin
    y = jnp.dot(seq_s[...], wfc_ref[...], preferred_element_type=jnp.float32) + bfc_ref[...]
    y_ref[...] = jnp.maximum(y, 0.0)


def _lstm(p, whh_b, wfc_t, bfc):
    return pl.pallas_call(
        _lstm_body,
        grid=(_NB,),
        in_specs=[
            pl.BlockSpec((_TB, _G4), lambda i: (i, 0)),
            pl.BlockSpec((_H, _G4), lambda i: (0, 0)),
            pl.BlockSpec((_H, _DO), lambda i: (0, 0)),
            pl.BlockSpec((1, _DO), lambda i: (0, 0)),
        ],
        out_specs=pl.BlockSpec((_TB, _DO), lambda i: (i, 0)),
        out_shape=jax.ShapeDtypeStruct((_N, _DO), jnp.float32),
        scratch_shapes=[
            pltpu.VMEM((1, _H), jnp.float32),
            pltpu.VMEM((1, _H), jnp.float32),
            pltpu.VMEM((_TB, _H), jnp.float32),
        ],
    )(p, whh_b, wfc_t, bfc)


def kernel(edge_index, x, edge_weight, W_gcn, b_gcn, bn_gamma, bn_beta,
           bn_mean, bn_var, W_ih, W_hh, b_ih, b_hh, W_fc, b_fc):
    row = edge_index[0]
    col = edge_index[1]
    pad = _EPAD - _E
    rowp = jnp.concatenate([row, jnp.zeros((pad,), row.dtype)]).reshape(_NW, _C, _CHUNK)
    colp = jnp.concatenate([col, jnp.zeros((pad,), col.dtype)]).reshape(_NW, _C, _CHUNK)
    wp = jnp.concatenate([edge_weight, jnp.zeros((pad,), edge_weight.dtype)]).reshape(_NW, _C, _CHUNK)
    zeros1 = jnp.zeros((_NPAD,), jnp.float32)
    zeros2 = jnp.zeros((_NPAD, _DI), jnp.float32)

    deg2 = _sc_deg(colp, wp, zeros1)
    deg_r = deg2[:, :_N].reshape(2, _N, 1)
    dinv, z = _prep(deg_r, x)
    buf = _sc_msg(rowp, colp, wp, z, zeros2)

    p = _mid(buf[0, :_N], buf[1, :_N], z, dinv,
             W_gcn.T, b_gcn.reshape(1, _H), bn_gamma.reshape(1, _H),
             bn_beta.reshape(1, _H), bn_mean.reshape(1, _H), bn_var.reshape(1, _H),
             W_ih.T, b_ih.reshape(1, _G4), b_hh.reshape(1, _G4))
    y = _lstm(p, W_hh.T.astype(jnp.bfloat16), W_fc.T, b_fc.reshape(1, _DO))
    return y

# --- scband reference (transcript-rebuilt; emitter-appended) ---
"""Pipeline reference for scband-gnnlstm-4389456577110 (READ-ONLY COPY).

The authoritative reference and input builder live on the scoring server;
editing this copy changes nothing except your own understanding.
"""

import jax, jax.numpy as jnp
import numpy as np

N = 10000
E = 320000
D_IN = 128
H = 256
D_OUT = 128


def setup_inputs(seed: int = 0):
    key = jax.random.key(seed)
    ks = jax.random.split(key, 16)
    x = jax.random.normal(ks[0], (N, D_IN), dtype=jnp.float32)
    edge_index = jax.random.randint(ks[1], (2, E), 0, N, dtype=jnp.int32)
    edge_weight = jax.random.uniform(ks[2], (E,), dtype=jnp.float32)
    W_gcn = jax.random.normal(ks[3], (H, D_IN), dtype=jnp.float32) * (1.0 / np.sqrt(D_IN))
    b_gcn = jnp.zeros((H,), dtype=jnp.float32)
    bn_gamma = jnp.ones((H,), dtype=jnp.float32)
    bn_beta = jnp.zeros((H,), dtype=jnp.float32)
    bn_mean = jnp.zeros((H,), dtype=jnp.float32)
    bn_var = jnp.ones((H,), dtype=jnp.float32)
    s = 1.0 / np.sqrt(H)
    W_ih = jax.random.uniform(ks[4], (4 * H, H), dtype=jnp.float32, minval=-s, maxval=s)
    W_hh = jax.random.uniform(ks[5], (4 * H, H), dtype=jnp.float32, minval=-s, maxval=s)
    b_ih = jax.random.uniform(ks[6], (4 * H,), dtype=jnp.float32, minval=-s, maxval=s)
    b_hh = jax.random.uniform(ks[7], (4 * H,), dtype=jnp.float32, minval=-s, maxval=s)
    W_fc = jax.random.uniform(ks[8], (D_OUT, H), dtype=jnp.float32, minval=-s, maxval=s)
    b_fc = jax.random.uniform(ks[9], (D_OUT,), dtype=jnp.float32, minval=-s, maxval=s)
    return {
        "edge_index": edge_index,
        "x": x,
        "edge_weight": edge_weight,
        "W_gcn": W_gcn,
        "b_gcn": b_gcn,
        "bn_gamma": bn_gamma,
        "bn_beta": bn_beta,
        "bn_mean": bn_mean,
        "bn_var": bn_var,
        "W_ih": W_ih,
        "W_hh": W_hh,
        "b_ih": b_ih,
        "b_hh": b_hh,
        "W_fc": W_fc,
        "b_fc": b_fc,
    }


def reference(edge_index, x, edge_weight, W_gcn, b_gcn, bn_gamma, bn_beta, bn_mean, bn_var, W_ih, W_hh, b_ih, b_hh, W_fc, b_fc):
    # GCNConv with edge weights, self-loops and symmetric normalization (PyG semantics)
    n = x.shape[0]
    row = edge_index[0]
    col = edge_index[1]
    loop = jnp.arange(n, dtype=edge_index.dtype)
    row2 = jnp.concatenate([row, loop])
    col2 = jnp.concatenate([col, loop])
    w2 = jnp.concatenate([edge_weight, jnp.ones((n,), dtype=edge_weight.dtype)])
    deg = jnp.zeros((n,), dtype=jnp.float32).at[col2].add(w2)
    dinv = jnp.where(deg > 0, 1.0 / jnp.sqrt(deg), 0.0)
    norm = dinv[row2] * w2 * dinv[col2]
    xw = x @ W_gcn.T
    msg = norm[:, None] * xw[row2]
    h = jnp.zeros((n, xw.shape[1]), dtype=jnp.float32).at[col2].add(msg) + b_gcn
    h = jax.nn.relu(h)
    # BatchNorm1d in eval mode (running stats); dropout is identity in eval
    h = (h - bn_mean) / jnp.sqrt(bn_var + 1e-5) * bn_gamma + bn_beta

    # LSTM over the node dimension as a length-N sequence with batch=1 (torch gate order i,f,g,o)
    def step(carry, xt):
        hp, cp = carry
        gates = W_ih @ xt + b_ih + W_hh @ hp + b_hh
        i, f, g, o = jnp.split(gates, 4)
        i = jax.nn.sigmoid(i)
        f = jax.nn.sigmoid(f)
        g = jnp.tanh(g)
        o = jax.nn.sigmoid(o)
        c = f * cp + i * g
        hn = o * jnp.tanh(c)
        return (hn, c), hn

    h0 = jnp.zeros((H,), dtype=jnp.float32)
    c0 = jnp.zeros((H,), dtype=jnp.float32)
    _, seq = jax.lax.scan(step, (h0, c0), h)
    y = seq @ W_fc.T + b_fc
    y = jax.nn.relu(y)
    return y

if __name__ == "__main__":
    import jax
    _d = setup_inputs()
    print(jax.jit(kernel)(*tuple(_d.values())))

</pallas_src>

<mosaic_0001>
#map = affine_map<(d0, d1) -> (0, 0, 0)>
#map1 = affine_map<(d0, d1) -> (0, 0)>
module attributes {stable_mosaic.version = 14 : i64} {
  func.func @_sc_msg(%arg0: i32, %arg1: i32, %arg2: memref<32x79x128xi32, #tpu.memory_space<hbm>>, %arg3: memref<32x79x128xi32, #tpu.memory_space<hbm>>, %arg4: memref<32x79x128xf32, #tpu.memory_space<hbm>>, %arg5: memref<10000x128xf32, #tpu.memory_space<hbm>>, %arg6: memref<10240x128xf32, #tpu.memory_space<hbm>>, %arg7: memref<2x10240x128xf32, #tpu.memory_space<hbm>>, %arg8: memref<79x128xi32, #tpu.memory_space<vmem>>, %arg9: memref<79x128xi32, #tpu.memory_space<vmem>>, %arg10: memref<79x128xf32, #tpu.memory_space<vmem>>, %arg11: memref<128x128xf32, #tpu.memory_space<vmem>>, %arg12: memref<10240x128xf32, #tpu.memory_space<vmem_shared>>, %arg13: memref<!tpu.dma_semaphore, #tpu.memory_space<semaphore_mem>>) attributes {dimension_semantics = [#tpu.dimension_semantics<core_parallel>, #tpu.dimension_semantics<subcore_parallel>], iteration_bounds = array<i64: 2, 16>, scalar_prefetch = 0 : i64, scratch_operands = 6 : i64, tpu.core_type = #tpu.core_type<sc_vector_subcore>, window_params = [{transform_indices = #map}, {transform_indices = #map}, {transform_indices = #map}, {transform_indices = #map1}, {transform_indices = #map1}, {transform_indices = #map}]} {
    %mul3A = arith.constant 2 : i32
    %mul3A_0 = arith.muli %arg1, %mul3A : i32
    %add3A = arith.addi %mul3A_0, %arg0 : i32
    %mul3A_1 = arith.constant 640 : i32
    %mul3A_2 = arith.muli %arg1, %mul3A_1 : i32
    "tpu.region"() ({
      %run_scoped3A = tpu.sem_alloc : memref<!tpu.dma_semaphore, #tpu.memory_space<semaphore_mem>>
      %dma_start3A = arith.constant 0 : i32
      %dma_start3A_9 = tpu.memref_slice %arg12[%mul3A_2, %dma_start3A] : memref<10240x128xf32, #tpu.memory_space<vmem_shared>> -> memref<640x128xf32, #tpu.memory_space<vmem_shared>>
      %dma_start3A_10 = arith.constant 0 : i32
      %dma_start3A_11 = tpu.memref_slice %arg6[%mul3A_2, %dma_start3A_10] : memref<10240x128xf32, #tpu.memory_space<hbm>> -> memref<640x128xf32, #tpu.memory_space<hbm>>
      tpu.enqueue_dma source(%dma_start3A_11 : memref<640x128xf32, #tpu.memory_space<hbm>>) target(%dma_start3A_9 : memref<640x128xf32, #tpu.memory_space<vmem_shared>>) target_semaphore(%run_scoped3A : memref<!tpu.dma_semaphore, #tpu.memory_space<semaphore_mem>>)
      %dma_wait3A = arith.constant 0 : i32
      %dma_wait3A_12 = tpu.memref_slice %arg12[%mul3A_2, %dma_wait3A] : memref<10240x128xf32, #tpu.memory_space<vmem_shared>> -> memref<640x128xf32, #tpu.memory_space<vmem_shared>>
      %dma_wait3A_13 = arith.constant 0 : i32
      %dma_wait3A_14 = tpu.memref_slice %arg6[%mul3A_2, %dma_wait3A_13] : memref<10240x128xf32, #tpu.memory_space<hbm>> -> memref<640x128xf32, #tpu.memory_space<hbm>>
      tpu.wait_dma2 semaphore(%run_scoped3A : memref<!tpu.dma_semaphore, #tpu.memory_space<semaphore_mem>>) src(%dma_wait3A_14 : memref<640x128xf32, #tpu.memory_space<hbm>>) dst(%dma_wait3A_12 : memref<640x128xf32, #tpu.memory_space<vmem_shared>>)
      tpu.yield
    }) : () -> ()
    %barrier3A = arith.constant 0 : index
    tpu.barrier barrier_id(%barrier3A)
    "tpu.region"() ({
      %run_scoped3A = tpu.sem_alloc : memref<!tpu.dma_semaphore, #tpu.memory_space<semaphore_mem>>
      %dma_start3A = arith.constant 0 : i32
      %dma_start3A_9 = arith.constant 0 : i32
      %dma_start3A_10 = tpu.memref_slice %arg2[%add3A, %dma_start3A, %dma_start3A_9] : memref<32x79x128xi32, #tpu.memory_space<hbm>> -> memref<1x79x128xi32, #tpu.memory_space<hbm>>
      %dma_start3A_11 = tpu.memref_squeeze %dma_start3A_10 : memref<1x79x128xi32, #tpu.memory_space<hbm>> -> memref<79x128xi32, #tpu.memory_space<hbm>>
      %dma_start3A_12 = arith.constant 0 : i32
      %dma_start3A_13 = arith.constant 0 : i32
      %dma_start3A_14 = tpu.memref_slice %arg2[%add3A, %dma_start3A_12, %dma_start3A_13] : memref<32x79x128xi32, #tpu.memory_space<hbm>> -> memref<1x79x128xi32, #tpu.memory_space<hbm>>
      %dma_start3A_15 = tpu.memref_squeeze %dma_start3A_14 : memref<1x79x128xi32, #tpu.memory_space<hbm>> -> memref<79x128xi32, #tpu.memory_space<hbm>>
      tpu.enqueue_dma source(%dma_start3A_15 : memref<79x128xi32, #tpu.memory_space<hbm>>) target(%arg8 : memref<79x128xi32, #tpu.memory_space<vmem>>) target_semaphore(%run_scoped3A : memref<!tpu.dma_semaphore, #tpu.memory_space<semaphore_mem>>)
      %dma_wait3A = arith.constant 0 : i32
      %dma_wait3A_16 = arith.constant 0 : i32
      %dma_wait3A_17 = tpu.memref_slice %arg2[%add3A, %dma_wait3A, %dma_wait3A_16] : memref<32x79x128xi32, #tpu.memory_space<hbm>> -> memref<1x79x128xi32, #tpu.memory_space<hbm>>
      %dma_wait3A_18 = tpu.memref_squeeze %dma_wait3A_17 : memref<1x79x128xi32, #tpu.memory_space<hbm>> -> memref<79x128xi32, #tpu.memory_space<hbm>>
      %dma_wait3A_19 = arith.constant 0 : i32
      %dma_wait3A_20 = arith.constant 0 : i32
      %dma_wait3A_21 = tpu.memref_slice %arg2[%add3A, %dma_wait3A_19, %dma_wait3A_20] : memref<32x79x128xi32, #tpu.memory_space<hbm>> -> memref<1x79x128xi32, #tpu.memory_space<hbm>>
      %dma_wait3A_22 = tpu.memref_squeeze %dma_wait3A_21 : memref<1x79x128xi32, #tpu.memory_space<hbm>> -> memref<79x128xi32, #tpu.memory_space<hbm>>
      tpu.wait_dma2 semaphore(%run_scoped3A : memref<!tpu.dma_semaphore, #tpu.memory_space<semaphore_mem>>) src(%dma_wait3A_22 : memref<79x128xi32, #tpu.memory_space<hbm>>) dst(%arg8 : memref<79x128xi32, #tpu.memory_space<vmem>>)
      tpu.yield
    }) : () -> ()
    "tpu.region"() ({
      %run_scoped3A = tpu.sem_alloc : memref<!tpu.dma_semaphore, #tpu.memory_space<semaphore_mem>>
      %dma_start3A = arith.constant 0 : i32
      %dma_start3A_9 = arith.constant 0 : i32
      %dma_start3A_10 = tpu.memref_slice %arg3[%add3A, %dma_start3A, %dma_start3A_9] : memref<32x79x128xi32, #tpu.memory_space<hbm>> -> memref<1x79x128xi32, #tpu.memory_space<hbm>>
      %dma_start3A_11 = tpu.memref_squeeze %dma_start3A_10 : memref<1x79x128xi32, #tpu.memory_space<hbm>> -> memref<79x128xi32, #tpu.memory_space<hbm>>
      %dma_start3A_12 = arith.constant 0 : i32
      %dma_start3A_13 = arith.constant 0 : i32
      %dma_start3A_14 = tpu.memref_slice %arg3[%add3A, %dma_start3A_12, %dma_start3A_13] : memref<32x79x128xi32, #tpu.memory_space<hbm>> -> memref<1x79x128xi32, #tpu.memory_space<hbm>>
      %dma_start3A_15 = tpu.memref_squeeze %dma_start3A_14 : memref<1x79x128xi32, #tpu.memory_space<hbm>> -> memref<79x128xi32, #tpu.memory_space<hbm>>
      tpu.enqueue_dma source(%dma_start3A_15 : memref<79x128xi32, #tpu.memory_space<hbm>>) target(%arg9 : memref<79x128xi32, #tpu.memory_space<vmem>>) target_semaphore(%run_scoped3A : memref<!tpu.dma_semaphore, #tpu.memory_space<semaphore_mem>>)
      %dma_wait3A = arith.constant 0 : i32
      %dma_wait3A_16 = arith.constant 0 : i32
      %dma_wait3A_17 = tpu.memref_slice %arg3[%add3A, %dma_wait3A, %dma_wait3A_16] : memref<32x79x128xi32, #tpu.memory_space<hbm>> -> memref<1x79x128xi32, #tpu.memory_space<hbm>>
      %dma_wait3A_18 = tpu.memref_squeeze %dma_wait3A_17 : memref<1x79x128xi32, #tpu.memory_space<hbm>> -> memref<79x128xi32, #tpu.memory_space<hbm>>
      %dma_wait3A_19 = arith.constant 0 : i32
      %dma_wait3A_20 = arith.constant 0 : i32
      %dma_wait3A_21 = tpu.memref_slice %arg3[%add3A, %dma_wait3A_19, %dma_wait3A_20] : memref<32x79x128xi32, #tpu.memory_space<hbm>> -> memref<1x79x128xi32, #tpu.memory_space<hbm>>
      %dma_wait3A_22 = tpu.memref_squeeze %dma_wait3A_21 : memref<1x79x128xi32, #tpu.memory_space<hbm>> -> memref<79x128xi32, #tpu.memory_space<hbm>>
      tpu.wait_dma2 semaphore(%run_scoped3A : memref<!tpu.dma_semaphore, #tpu.memory_space<semaphore_mem>>) src(%dma_wait3A_22 : memref<79x128xi32, #tpu.memory_space<hbm>>) dst(%arg9 : memref<79x128xi32, #tpu.memory_space<vmem>>)
      tpu.yield
    }) : () -> ()
    "tpu.region"() ({
      %run_scoped3A = tpu.sem_alloc : memref<!tpu.dma_semaphore, #tpu.memory_space<semaphore_mem>>
      %dma_start3A = arith.constant 0 : i32
      %dma_start3A_9 = arith.constant 0 : i32
      %dma_start3A_10 = tpu.memref_slice %arg4[%add3A, %dma_start3A, %dma_start3A_9] : memref<32x79x128xf32, #tpu.memory_space<hbm>> -> memref<1x79x128xf32, #tpu.memory_space<hbm>>
      %dma_start3A_11 = tpu.memref_squeeze %dma_start3A_10 : memref<1x79x128xf32, #tpu.memory_space<hbm>> -> memref<79x128xf32, #tpu.memory_space<hbm>>
      %dma_start3A_12 = arith.constant 0 : i32
      %dma_start3A_13 = arith.constant 0 : i32
      %dma_start3A_14 = tpu.memref_slice %arg4[%add3A, %dma_start3A_12, %dma_start3A_13] : memref<32x79x128xf32, #tpu.memory_space<hbm>> -> memref<1x79x128xf32, #tpu.memory_space<hbm>>
      %dma_start3A_15 = tpu.memref_squeeze %dma_start3A_14 : memref<1x79x128xf32, #tpu.memory_space<hbm>> -> memref<79x128xf32, #tpu.memory_space<hbm>>
      tpu.enqueue_dma source(%dma_start3A_15 : memref<79x128xf32, #tpu.memory_space<hbm>>) target(%arg10 : memref<79x128xf32, #tpu.memory_space<vmem>>) target_semaphore(%run_scoped3A : memref<!tpu.dma_semaphore, #tpu.memory_space<semaphore_mem>>)
      %dma_wait3A = arith.constant 0 : i32
      %dma_wait3A_16 = arith.constant 0 : i32
      %dma_wait3A_17 = tpu.memref_slice %arg4[%add3A, %dma_wait3A, %dma_wait3A_16] : memref<32x79x128xf32, #tpu.memory_space<hbm>> -> memref<1x79x128xf32, #tpu.memory_space<hbm>>
      %dma_wait3A_18 = tpu.memref_squeeze %dma_wait3A_17 : memref<1x79x128xf32, #tpu.memory_space<hbm>> -> memref<79x128xf32, #tpu.memory_space<hbm>>
      %dma_wait3A_19 = arith.constant 0 : i32
      %dma_wait3A_20 = arith.constant 0 : i32
      %dma_wait3A_21 = tpu.memref_slice %arg4[%add3A, %dma_wait3A_19, %dma_wait3A_20] : memref<32x79x128xf32, #tpu.memory_space<hbm>> -> memref<1x79x128xf32, #tpu.memory_space<hbm>>
      %dma_wait3A_22 = tpu.memref_squeeze %dma_wait3A_21 : memref<1x79x128xf32, #tpu.memory_space<hbm>> -> memref<79x128xf32, #tpu.memory_space<hbm>>
      tpu.wait_dma2 semaphore(%run_scoped3A : memref<!tpu.dma_semaphore, #tpu.memory_space<semaphore_mem>>) src(%dma_wait3A_22 : memref<79x128xf32, #tpu.memory_space<hbm>>) dst(%arg10 : memref<79x128xf32, #tpu.memory_space<vmem>>)
      tpu.yield
    }) : () -> ()
    %scan3A = arith.constant 0 : i32
    %scan3A_3 = arith.constant 0 : i32
    %scan3A_4 = arith.constant 79 : i32
    %scan3A_5 = arith.addi %scan3A_3, %scan3A_4 : i32
    %scan3A_6 = arith.constant 1 : i32
    scf.for %scan3A_9 = %scan3A_3 to %scan3A_5 step %scan3A_6  : i32 {
      %dma_start3A = arith.constant 0 : i32
      %dma_start3A_10 = tpu.memref_slice %arg8[%scan3A_9, %dma_start3A] : memref<79x128xi32, #tpu.memory_space<vmem>> -> memref<1x128xi32, #tpu.memory_space<vmem>>
      %dma_start3A_11 = tpu.memref_squeeze %dma_start3A_10 : memref<1x128xi32, #tpu.memory_space<vmem>> -> memref<128xi32, #tpu.memory_space<vmem>>
      %dma_start3A_12 = arith.constant 0 : i32
      %dma_start3A_13 = arith.constant 0 : i32
      %dma_start3A_14 = tpu.memref_slice %arg5[%dma_start3A_12, %dma_start3A_13] : memref<10000x128xf32, #tpu.memory_space<hbm>> -> memref<10000x128xf32, #tpu.memory_space<hbm>>
      tpu.enqueue_indirect_dma source(%dma_start3A_14 : memref<10000x128xf32, #tpu.memory_space<hbm>>) target(%arg11 : memref<128x128xf32, #tpu.memory_space<vmem>>) offsets(%dma_start3A_11 : memref<128xi32, #tpu.memory_space<vmem>>) semaphore(%arg13 : memref<!tpu.dma_semaphore, #tpu.memory_space<semaphore_mem>>)
      %dma_wait3A = arith.constant 0 : i32
      %dma_wait3A_15 = tpu.memref_slice %arg8[%scan3A_9, %dma_wait3A] : memref<79x128xi32, #tpu.memory_space<vmem>> -> memref<1x128xi32, #tpu.memory_space<vmem>>
      %dma_wait3A_16 = tpu.memref_squeeze %dma_wait3A_15 : memref<1x128xi32, #tpu.memory_space<vmem>> -> memref<128xi32, #tpu.memory_space<vmem>>
      %dma_wait3A_17 = arith.constant 0 : i32
      %dma_wait3A_18 = arith.constant 0 : i32
      %dma_wait3A_19 = tpu.memref_slice %arg5[%dma_wait3A_17, %dma_wait3A_18] : memref<10000x128xf32, #tpu.memory_space<hbm>> -> memref<10000x128xf32, #tpu.memory_space<hbm>>
      tpu.wait_indirect_dma semaphore(%arg13 : memref<!tpu.dma_semaphore, #tpu.memory_space<semaphore_mem>>) src(%dma_wait3A_19 : memref<10000x128xf32, #tpu.memory_space<hbm>>) dst(%arg11 : memref<128x128xf32, #tpu.memory_space<vmem>>)
      %scan3A_20 = arith.constant 0 : i32
      %scan3A_21 = arith.constant 0 : i32
      %scan3A_22 = arith.constant 8 : i32
      %scan3A_23 = arith.addi %scan3A_21, %scan3A_22 : i32
      %scan3A_24 = arith.constant 1 : i32
      scf.for %scan3A_26 = %scan3A_21 to %scan3A_23 step %scan3A_24  : i32 {
        %mul3A_27 = arith.constant 16 : i32
        %mul3A_28 = arith.muli %scan3A_26, %mul3A_27 : i32
        %get3A = arith.index_cast %scan3A_9 : i32 to index
        %get3A_29 = arith.index_cast %mul3A_28 : i32 to index
        %get3A_30 = tpu.vector_load %arg10[%get3A, %get3A_29] {strides = array<i32>} : memref<79x128xf32, #tpu.memory_space<vmem>>, vector<1x16xf32>,
        %get3A_31 = vector.shape_cast %get3A_30 : vector<1x16xf32> to vector<16xf32>
        %slice3A = vector.extract_strided_slice %get3A_31 {offsets = [0], sizes = [1], strides = [1]} : vector<16xf32> to vector<1xf32>
        %squeeze3A = vector.extract %slice3A[0] : f32 from vector<1xf32>
        %mul3A_32 = arith.constant 16 : i32
        %mul3A_33 = arith.muli %scan3A_26, %mul3A_32 : i32
        %add3A_34 = arith.constant 0 : i32
        %add3A_35 = arith.addi %mul3A_33, %add3A_34 : i32
        %get3A_36 = arith.index_cast %add3A_35 : i32 to index
        %get3A_37 = arith.constant 0 : index
        %get3A_38 = tpu.vector_load %arg11[%get3A_36, %get3A_37] {strides = array<i32>} : memref<128x128xf32, #tpu.memory_space<vmem>>, vector<1x16xf32>,
        %get3A_39 = vector.shape_cast %get3A_38 : vector<1x16xf32> to vector<16xf32>
        %mul3A_40 = vector.broadcast %squeeze3A : f32 to vector<16xf32>
        %mul3A_41 = arith.mulf %get3A_39, %mul3A_40 : vector<16xf32>
        %swap3A = arith.index_cast %add3A_35 : i32 to index
        %swap3A_42 = arith.constant 0 : index
        %swap3A_43 = tpu.vector_load %arg11[%swap3A, %swap3A_42] {strides = array<i32>} : memref<128x128xf32, #tpu.memory_space<vmem>>, vector<1x16xf32>,
        %swap3A_44 = vector.shape_cast %swap3A_43 : vector<1x16xf32> to vector<16xf32>
        %swap3A_45 = vector.shape_cast %mul3A_41 : vector<16xf32> to vector<1x16xf32>
        tpu.vector_store %arg11[%swap3A, %swap3A_42], %swap3A_45 {strides = array<i32>} : memref<128x128xf32, #tpu.memory_space<vmem>>, vector<1x16xf32>,
        %get3A_46 = arith.index_cast %add3A_35 : i32 to index
        %get3A_47 = arith.constant 16 : index
        %get3A_48 = tpu.vector_load %arg11[%get3A_46, %get3A_47] {strides = array<i32>} : memref<128x128xf32, #tpu.memory_space<vmem>>, vector<1x16xf32>,
        %get3A_49 = vector.shape_cast %get3A_48 : vector<1x16xf32> to vector<16xf32>
        %mul3A_50 = vector.broadcast %squeeze3A : f32 to vector<16xf32>
        %mul3A_51 = arith.mulf %get3A_49, %mul3A_50 : vector<16xf32>
        %swap3A_52 = arith.index_cast %add3A_35 : i32 to index
        %swap3A_53 = arith.constant 16 : index
        %swap3A_54 = tpu.vector_load %arg11[%swap3A_52, %swap3A_53] {strides = array<i32>} : memref<128x128xf32, #tpu.memory_space<vmem>>, vector<1x16xf32>,
        %swap3A_55 = vector.shape_cast %swap3A_54 : vector<1x16xf32> to vector<16xf32>
        %swap3A_56 = vector.shape_cast %mul3A_51 : vector<16xf32> to vector<1x16xf32>
        tpu.vector_store %arg11[%swap3A_52, %swap3A_53], %swap3A_56 {strides = array<i32>} : memref<128x128xf32, #tpu.memory_space<vmem>>, vector<1x16xf32>,
        %get3A_57 = arith.index_cast %add3A_35 : i32 to index
        %get3A_58 = arith.constant 32 : index
        %get3A_59 = tpu.vector_load %arg11[%get3A_57, %get3A_58] {strides = array<i32>} : memref<128x128xf32, #tpu.memory_space<vmem>>, vector<1x16xf32>,
        %get3A_60 = vector.shape_cast %get3A_59 : vector<1x16xf32> to vector<16xf32>
        %mul3A_61 = vector.broadcast %squeeze3A : f32 to vector<16xf32>
        %mul3A_62 = arith.mulf %get3A_60, %mul3A_61 : vector<16xf32>
        %swap3A_63 = arith.index_cast %add3A_35 : i32 to index
        %swap3A_64 = arith.constant 32 : index
        %swap3A_65 = tpu.vector_load %arg11[%swap3A_63, %swap3A_64] {strides = array<i32>} : memref<128x128xf32, #tpu.memory_space<vmem>>, vector<1x16xf32>,
        %swap3A_66 = vector.shape_cast %swap3A_65 : vector<1x16xf32> to vector<16xf32>
        %swap3A_67 = vector.shape_cast %mul3A_62 : vector<16xf32> to vector<1x16xf32>
        tpu.vector_store %arg11[%swap3A_63, %swap3A_64], %swap3A_67 {strides = array<i32>} : memref<128x128xf32, #tpu.memory_space<vmem>>, vector<1x16xf32>,
        %get3A_68 = arith.index_cast %add3A_35 : i32 to index
        %get3A_69 = arith.constant 48 : index
        %get3A_70 = tpu.vector_load %arg11[%get3A_68, %get3A_69] {strides = array<i32>} : memref<128x128xf32, #tpu.memory_space<vmem>>, vector<1x16xf32>,
        %get3A_71 = vector.shape_cast %get3A_70 : vector<1x16xf32> to vector<16xf32>
        %mul3A_72 = vector.broadcast %squeeze3A : f32 to vector<16xf32>
        %mul3A_73 = arith.mulf %get3A_71, %mul3A_72 : vector<16xf32>
        %swap3A_74 = arith.index_cast %add3A_35 : i32 to index
        %swap3A_75 = arith.constant 48 : index
        %swap3A_76 = tpu.vector_load %arg11[%swap3A_74, %swap3A_75] {strides = array<i32>} : memref<128x128xf32, #tpu.memory_space<vmem>>, vector<1x16xf32>,
        %swap3A_77 = vector.shape_cast %swap3A_76 : vector<1x16xf32> to vector<16xf32>
        %swap3A_78 = vector.shape_cast %mul3A_73 : vector<16xf32> to vector<1x16xf32>
        tpu.vector_store %arg11[%swap3A_74, %swap3A_75], %swap3A_78 {strides = array<i32>} : memref<128x128xf32, #tpu.memory_space<vmem>>, vector<1x16xf32>,
        %get3A_79 = arith.index_cast %add3A_35 : i32 to index
        %get3A_80 = arith.constant 64 : index
        %get3A_81 = tpu.vector_load %arg11[%get3A_79, %get3A_80] {strides = array<i32>} : memref<128x128xf32, #tpu.memory_space<vmem>>, vector<1x16xf32>,
        %get3A_82 = vector.shape_cast %get3A_81 : vector<1x16xf32> to vector<16xf32>
        %mul3A_83 = vector.broadcast %squeeze3A : f32 to vector<16xf32>
        %mul3A_84 = arith.mulf %get3A_82, %mul3A_83 : vector<16xf32>
        %swap3A_85 = arith.index_cast %add3A_35 : i32 to index
        %swap3A_86 = arith.constant 64 : index
        %swap3A_87 = tpu.vector_load %arg11[%swap3A_85, %swap3A_86] {strides = array<i32>} : memref<128x128xf32, #tpu.memory_space<vmem>>, vector<1x16xf32>,
        %swap3A_88 = vector.shape_cast %swap3A_87 : vector<1x16xf32> to vector<16xf32>
        %swap3A_89 = vector.shape_cast %mul3A_84 : vector<16xf32> to vector<1x16xf32>
        tpu.vector_store %arg11[%swap3A_85, %swap3A_86], %swap3A_89 {strides = array<i32>} : memref<128x128xf32, #tpu.memory_space<vmem>>, vector<1x16xf32>,
        %get3A_90 = arith.index_cast %add3A_35 : i32 to index
        %get3A_91 = arith.constant 80 : index
        %get3A_92 = tpu.vector_load %arg11[%get3A_90, %get3A_91] {strides = array<i32>} : memref<128x128xf32, #tpu.memory_space<vmem>>, vector<1x16xf32>,
        %get3A_93 = vector.shape_cast %get3A_92 : vector<1x16xf32> to vector<16xf32>
        %mul3A_94 = vector.broadcast %squeeze3A : f32 to vector<16xf32>
        %mul3A_95 = arith.mulf %get3A_93, %mul3A_94 : vector<16xf32>
        %swap3A_96 = arith.index_cast %add3A_35 : i32 to index
        %swap3A_97 = arith.constant 80 : index
        %swap3A_98 = tpu.vector_load %arg11[%swap3A_96, %swap3A_97] {strides = array<i32>} : memref<128x128xf32, #tpu.memory_space<vmem>>, vector<1x16xf32>,
        %swap3A_99 = vector.shape_cast %swap3A_98 : vector<1x16xf32> to vector<16xf32>
        %swap3A_100 = vector.shape_cast %mul3A_95 : vector<16xf32> to vector<1x16xf32>
        tpu.vector_store %arg11[%swap3A_96, %swap3A_97], %swap3A_100 {strides = array<i32>} : memref<128x128xf32, #tpu.memory_space<vmem>>, vector<1x16xf32>,
        %get3A_101 = arith.index_cast %add3A_35 : i32 to index
        %get3A_102 = arith.constant 96 : index
        %get3A_103 = tpu.vector_load %arg11[%get3A_101, %get3A_102] {strides = array<i32>} : memref<128x128xf32, #tpu.memory_space<vmem>>, vector<1x16xf32>,
        %get3A_104 = vector.shape_cast %get3A_103 : vector<1x16xf32> to vector<16xf32>
        %mul3A_105 = vector.broadcast %squeeze3A : f32 to vector<16xf32>
        %mul3A_106 = arith.mulf %get3A_104, %mul3A_105 : vector<16xf32>
        %swap3A_107 = arith.index_cast %add3A_35 : i32 to index
        %swap3A_108 = arith.constant 96 : index
        %swap3A_109 = tpu.vector_load %arg11[%swap3A_107, %swap3A_108] {strides = array<i32>} : memref<128x128xf32, #tpu.memory_space<vmem>>, vector<1x16xf32>,
        %swap3A_110 = vector.shape_cast %swap3A_109 : vector<1x16xf32> to vector<16xf32>
        %swap3A_111 = vector.shape_cast %mul3A_106 : vector<16xf32> to vector<1x16xf32>
        tpu.vector_store %arg11[%swap3A_107, %swap3A_108], %swap3A_111 {strides = array<i32>} : memref<128x128xf32, #tpu.memory_space<vmem>>, vector<1x16xf32>,
        %get3A_112 = arith.index_cast %add3A_35 : i32 to index
        %get3A_113 = arith.constant 112 : index
        %get3A_114 = tpu.vector_load %arg11[%get3A_112, %get3A_113] {strides = array<i32>} : memref<128x128xf32, #tpu.memory_space<vmem>>, vector<1x16xf32>,
        %get3A_115 = vector.shape_cast %get3A_114 : vector<1x16xf32> to vector<16xf32>
        %mul3A_116 = vector.broadcast %squeeze3A : f32 to vector<16xf32>
        %mul3A_117 = arith.mulf %get3A_115, %mul3A_116 : vector<16xf32>
        %swap3A_118 = arith.index_cast %add3A_35 : i32 to index
        %swap3A_119 = arith.constant 112 : index
        %swap3A_120 = tpu.vector_load %arg11[%swap3A_118, %swap3A_119] {strides = array<i32>} : memref<128x128xf32, #tpu.memory_space<vmem>>, vector<1x16xf32>,
        %swap3A_121 = vector.shape_cast %swap3A_120 : vector<1x16xf32> to vector<16xf32>
        %swap3A_122 = vector.shape_cast %mul3A_117 : vector<16xf32> to vector<1x16xf32>
        tpu.vector_store %arg11[%swap3A_118, %swap3A_119], %swap3A_122 {strides = array<i32>} : memref<128x128xf32, #tpu.memory_space<vmem>>, vector<1x16xf32>,
        %slice3A_123 = vector.extract_strided_slice %get3A_31 {offsets = [1], sizes = [1], strides = [1]} : vector<16xf32> to vector<1xf32>
        %squeeze3A_124 = vector.extract %slice3A_123[0] : f32 from vector<1xf32>
        %mul3A_125 = arith.constant 16 : i32
        %mul3A_126 = arith.muli %scan3A_26, %mul3A_125 : i32
        %add3A_127 = arith.constant 1 : i32
        %add3A_128 = arith.addi %mul3A_126, %add3A_127 : i32
        %get3A_129 = arith.index_cast %add3A_128 : i32 to index
        %get3A_130 = arith.constant 0 : index
        %get3A_131 = tpu.vector_load %arg11[%get3A_129, %get3A_130] {strides = array<i32>} : memref<128x128xf32, #tpu.memory_space<vmem>>, vector<1x16xf32>,
        %get3A_132 = vector.shape_cast %get3A_131 : vector<1x16xf32> to vector<16xf32>
        %mul3A_133 = vector.broadcast %squeeze3A_124 : f32 to vector<16xf32>
        %mul3A_134 = arith.mulf %get3A_132, %mul3A_133 : vector<16xf32>
        %swap3A_135 = arith.index_cast %add3A_128 : i32 to index
        %swap3A_136 = arith.constant 0 : index
        %swap3A_137 = tpu.vector_load %arg11[%swap3A_135, %swap3A_136] {strides = array<i32>} : memref<128x128xf32, #tpu.memory_space<vmem>>, vector<1x16xf32>,
        %swap3A_138 = vector.shape_cast %swap3A_137 : vector<1x16xf32> to vector<16xf32>
        %swap3A_139 = vector.shape_cast %mul3A_134 : vector<16xf32> to vector<1x16xf32>
        tpu.vector_store %arg11[%swap3A_135, %swap3A_136], %swap3A_139 {strides = array<i32>} : memref<128x128xf32, #tpu.memory_space<vmem>>, vector<1x16xf32>,
        %get3A_140 = arith.index_cast %add3A_128 : i32 to index
        %get3A_141 = arith.constant 16 : index
        %get3A_142 = tpu.vector_load %arg11[%get3A_140, %get3A_141] {strides = array<i32>} : memref<128x128xf32, #tpu.memory_space<vmem>>, vector<1x16xf32>,
        %get3A_143 = vector.shape_cast %get3A_142 : vector<1x16xf32> to vector<16xf32>
        %mul3A_144 = vector.broadcast %squeeze3A_124 : f32 to vector<16xf32>
        %mul3A_145 = arith.mulf %get3A_143, %mul3A_144 : vector<16xf32>
        %swap3A_146 = arith.index_cast %add3A_128 : i32 to index
        %swap3A_147 = arith.constant 16 : index
        %swap3A_148 = tpu.vector_load %arg11[%swap3A_146, %swap3A_147] {strides = array<i32>} : memref<128x128xf32, #tpu.memory_space<vmem>>, vector<1x16xf32>,
        %swap3A_149 = vector.shape_cast %swap3A_148 : vector<1x16xf32> to vector<16xf32>
        %swap3A_150 = vector.shape_cast %mul3A_145 : vector<16xf32> to vector<1x16xf32>
        tpu.vector_store %arg11[%swap3A_146, %swap3A_147], %swap3A_150 {strides = array<i32>} : memref<128x128xf32, #tpu.memory_space<vmem>>, vector<1x16xf32>,
        %get3A_151 = arith.index_cast %add3A_128 : i32 to index
        %get3A_152 = arith.constant 32 : index
        %get3A_153 = tpu.vector_load %arg11[%get3A_151, %get3A_152] {strides = array<i32>} : memref<128x128xf32, #tpu.memory_space<vmem>>, vector<1x16xf32>,
        %get3A_154 = vector.shape_cast %get3A_153 : vector<1x16xf32> to vector<16xf32>
        %mul3A_155 = vector.broadcast %squeeze3A_124 : f32 to vector<16xf32>
        %mul3A_156 = arith.mulf %get3A_154, %mul3A_155 : vector<16xf32>
        %swap3A_157 = arith.index_cast %add3A_128 : i32 to index
        %swap3A_158 = arith.constant 32 : index
        %swap3A_159 = tpu.vector_load %arg11[%swap3A_157, %swap3A_158] {strides = array<i32>} : memref<128x128xf32, #tpu.memory_space<vmem>>, vector<1x16xf32>,
        %swap3A_160 = vector.shape_cast %swap3A_159 : vector<1x16xf32> to vector<16xf32>
        %swap3A_161 = vector.shape_cast %mul3A_156 : vector<16xf32> to vector<1x16xf32>
        tpu.vector_store %arg11[%swap3A_157, %swap3A_158], %swap3A_161 {strides = array<i32>} : memref<128x128xf32, #tpu.memory_space<vmem>>, vector<1x16xf32>,
        %get3A_162 = arith.index_cast %add3A_128 : i32 to index
        %get3A_163 = arith.constant 48 : index
        %get3A_164 = tpu.vector_load %arg11[%get3A_162, %get3A_163] {strides = array<i32>} : memref<128x128xf32, #tpu.memory_space<vmem>>, vector<1x16xf32>,
        %get3A_165 = vector.shape_cast %get3A_164 : vector<1x16xf32> to vector<16xf32>
        %mul3A_166 = vector.broadcast %squeeze3A_124 : f32 to vector<16xf32>
        %mul3A_167 = arith.mulf %get3A_165, %mul3A_166 : vector<16xf32>
        %swap3A_168 = arith.index_cast %add3A_128 : i32 to index
        %swap3A_169 = arith.constant 48 : index
        %swap3A_170 = tpu.vector_load %arg11[%swap3A_168, %swap3A_169] {strides = array<i32>} : memref<128x128xf32, #tpu.memory_space<vmem>>, vector<1x16xf32>,
        %swap3A_171 = vector.shape_cast %swap3A_170 : vector<1x16xf32> to vector<16xf32>
        %swap3A_172 = vector.shape_cast %mul3A_167 : vector<16xf32> to vector<1x16xf32>
        tpu.vector_store %arg11[%swap3A_168, %swap3A_169], %swap3A_172 {strides = array<i32>} : memref<128x128xf32, #tpu.memory_space<vmem>>, vector<1x16xf32>,
        %get3A_173 = arith.index_cast %add3A_128 : i32 to index
        %get3A_174 = arith.constant 64 : index
        %get3A_175 = tpu.vector_load %arg11[%get3A_173, %get3A_174] {strides = array<i32>} : memref<128x128xf32, #tpu.memory_space<vmem>>, vector<1x16xf32>,
        %get3A_176 = vector.shape_cast %get3A_175 : vector<1x16xf32> to vector<16xf32>
        %mul3A_177 = vector.broadcast %squeeze3A_124 : f32 to vector<16xf32>
        %mul3A_178 = arith.mulf %get3A_176, %mul3A_177 : vector<16xf32>
        %swap3A_179 = arith.index_cast %add3A_128 : i32 to index
        %swap3A_180 = arith.constant 64 : index
        %swap3A_181 = tpu.vector_load %arg11[%swap3A_179, %swap3A_180] {strides = array<i32>} : memref<128x128xf32, #tpu.memory_space<vmem>>, vector<1x16xf32>,
        %swap3A_182 = vector.shape_cast %swap3A_181 : vector<1x16xf32> to vector<16xf32>
        %swap3A_183 = vector.shape_cast %mul3A_178 : vector<16xf32> to vector<1x16xf32>
        tpu.vector_store %arg11[%swap3A_179, %swap3A_180], %swap3A_183 {strides = array<i32>} : memref<128x128xf32, #tpu.memory_space<vmem>>, vector<1x16xf32>,
        %get3A_184 = arith.index_cast %add3A_128 : i32 to index
        %get3A_185 = arith.constant 80 : index
        %get3A_186 = tpu.vector_load %arg11[%get3A_184, %get3A_185] {strides = array<i32>} : memref<128x128xf32, #tpu.memory_space<vmem>>, vector<1x16xf32>,
        %get3A_187 = vector.shape_cast %get3A_186 : vector<1x16xf32> to vector<16xf32>
        %mul3A_188 = vector.broadcast %squeeze3A_124 : f32 to vector<16xf32>
        %mul3A_189 = arith.mulf %get3A_187, %mul3A_188 : vector<16xf32>
        %swap3A_190 = arith.index_cast %add3A_128 : i32 to index
        %swap3A_191 = arith.constant 80 : index
        %swap3A_192 = tpu.vector_load %arg11[%swap3A_190, %swap3A_191] {strides = array<i32>} : memref<128x128xf32, #tpu.memory_space<vmem>>, vector<1x16xf32>,
        %swap3A_193 = vector.shape_cast %swap3A_192 : vector<1x16xf32> to vector<16xf32>
        %swap3A_194 = vector.shape_cast %mul3A_189 : vector<16xf32> to vector<1x16xf32>
        tpu.vector_store %arg11[%swap3A_190, %swap3A_191], %swap3A_194 {strides = array<i32>} : memref<128x128xf32, #tpu.memory_space<vmem>>, vector<1x16xf32>,
        %get3A_195 = arith.index_cast %add3A_128 : i32 to index
        %get3A_196 = arith.constant 96 : index
        %get3A_197 = tpu.vector_load %arg11[%get3A_195, %get3A_196] {strides = array<i32>} : memref<128x128xf32, #tpu.memory_space<vmem>>, vector<1x16xf32>,
        %get3A_198 = vector.shape_cast %get3A_197 : vector<1x16xf32> to vector<16xf32>
        %mul3A_199 = vector.broadcast %squeeze3A_124 : f32 to vector<16xf32>
        %mul3A_200 = arith.mulf %get3A_198, %mul3A_199 : vector<16xf32>
        %swap3A_201 = arith.index_cast %add3A_128 : i32 to index
        %swap3A_202 = arith.constant 96 : index
        %swap3A_203 = tpu.vector_load %arg11[%swap3A_201, %swap3A_202] {strides = array<i32>} : memref<128x128xf32, #tpu.memory_space<vmem>>, vector<1x16xf32>,
        %swap3A_204 = vector.shape_cast %swap3A_203 : vector<1x16xf32> to vector<16xf32>
        %swap3A_205 = vector.shape_cast %mul3A_200 : vector<16xf32> to vector<1x16xf32>
        tpu.vector_store %arg11[%swap3A_201, %swap3A_202], %swap3A_205 {strides = array<i32>} : memref<128x128xf32, #tpu.memory_space<vmem>>, vector<1x16xf32>,
        %get3A_206 = arith.index_cast %add3A_128 : i32 to index
        %get3A_207 = arith.constant 112 : index
        %get3A_208 = tpu.vector_load %arg11[%get3A_206, %get3A_207] {strides = array<i32>} : memref<128x128xf32, #tpu.memory_space<vmem>>, vector<1x16xf32>,
        %get3A_209 = vector.shape_cast %get3A_208 : vector<1x16xf32> to vector<16xf32>
        %mul3A_210 = vector.broadcast %squeeze3A_124 : f32 to vector<16xf32>
        %mul3A_211 = arith.mulf %get3A_209, %mul3A_210 : vector<16xf32>
        %swap3A_212 = arith.index_cast %add3A_128 : i32 to index
        %swap3A_213 = arith.constant 112 : index
        %swap3A_214 = tpu.vector_load %arg11[%swap3A_212, %swap3A_213] {strides = array<i32>} : memref<128x128xf32, #tpu.memory_space<vmem>>, vector<1x16xf32>,
        %swap3A_215 = vector.shape_cast %swap3A_214 : vector<1x16xf32> to vector<16xf32>
        %swap3A_216 = vector.shape_cast %mul3A_211 : vector<16xf32> to vector<1x16xf32>
        tpu.vector_store %arg11[%swap3A_212, %swap3A_213], %swap3A_216 {strides = array<i32>} : memref<128x128xf32, #tpu.memory_space<vmem>>, vector<1x16xf32>,
        %slice3A_217 = vector.extract_strided_slice %get3A_31 {offsets = [2], sizes = [1], strides = [1]} : vector<16xf32> to vector<1xf32>
        %squeeze3A_218 = vector.extract %slice3A_217[0] : f32 from vector<1xf32>
        %mul3A_219 = arith.constant 16 : i32
        %mul3A_220 = arith.muli %scan3A_26, %mul3A_219 : i32
        %add3A_221 = arith.constant 2 : i32
        %add3A_222 = arith.addi %mul3A_220, %add3A_221 : i32
        %get3A_223 = arith.index_cast %add3A_222 : i32 to index
        %get3A_224 = arith.constant 0 : index
        %get3A_225 = tpu.vector_load %arg11[%get3A_223, %get3A_224] {strides = array<i32>} : memref<128x128xf32, #tpu.memory_space<vmem>>, vector<1x16xf32>,
        %get3A_226 = vector.shape_cast %get3A_225 : vector<1x16xf32> to vector<16xf32>
        %mul3A_227 = vector.broadcast %squeeze3A_218 : f32 to vector<16xf32>
        %mul3A_228 = arith.mulf %get3A_226, %mul3A_227 : vector<16xf32>
        %swap3A_229 = arith.index_cast %add3A_222 : i32 to index
        %swap3A_230 = arith.constant 0 : index
        %swap3A_231 = tpu.vector_load %arg11[%swap3A_229, %swap3A_230] {strides = array<i32>} : memref<128x128xf32, #tpu.memory_space<vmem>>, vector<1x16xf32>,
        %swap3A_232 = vector.shape_cast %swap3A_231 : vector<1x16xf32> to vector<16xf32>
        %swap3A_233 = vector.shape_cast %mul3A_228 : vector<16xf32> to vector<1x16xf32>
        tpu.vector_store %arg11[%swap3A_229, %swap3A_230], %swap3A_233 {strides = array<i32>} : memref<128x128xf32, #tpu.memory_space<vmem>>, vector<1x16xf32>,
        %get3A_234 = arith.index_cast %add3A_222 : i32 to index
        %get3A_235 = arith.constant 16 : index
        %get3A_236 = tpu.vector_load %arg11[%get3A_234, %get3A_235] {strides = array<i32>} : memref<128x128xf32, #tpu.memory_space<vmem>>, vector<1x16xf32>,
        %get3A_237 = vector.shape_cast %get3A_236 : vector<1x16xf32> to vector<16xf32>
        %mul3A_238 = vector.broadcast %squeeze3A_218 : f32 to vector<16xf32>
        %mul3A_239 = arith.mulf %get3A_237, %mul3A_238 : vector<16xf32>
        %swap3A_240 = arith.index_cast %add3A_222 : i32 to index
        %swap3A_241 = arith.constant 16 : index
        %swap3A_242 = tpu.vector_load %arg11[%swap3A_240, %swap3A_241] {strides = array<i32>} : memref<128x128xf32, #tpu.memory_space<vmem>>, vector<1x16xf32>,
        %swap3A_243 = vector.shape_cast %swap3A_242 : vector<1x16xf32> to vector<16xf32>
        %swap3A_244 = vector.shape_cast %mul3A_239 : vector<16xf32> to vector<1x16xf32>
        tpu.vector_store %arg11[%swap3A_240, %swap3A_241], %swap3A_244 {strides = array<i32>} : memref<128x128xf32, #tpu.memory_space<vmem>>, vector<1x16xf32>,
        %get3A_245 = arith.index_cast %add3A_222 : i32 to index
        %get3A_246 = arith.constant 32 : index
        %get3A_247 = tpu.vector_load %arg11[%get3A_245, %get3A_246] {strides = array<i32>} : memref<128x128xf32, #tpu.memory_space<vmem>>, vector<1x16xf32>,
        %get3A_248 = vector.shape_cast %get3A_247 : vector<1x16xf32> to vector<16xf32>
        %mul3A_249 = vector.broadcast %squeeze3A_218 : f32 to vector<16xf32>
        %mul3A_250 = arith.mulf %get3A_248, %mul3A_249 : vector<16xf32>
        %swap3A_251 = arith.index_cast %add3A_222 : i32 to index
        %swap3A_252 = arith.constant 32 : index
        %swap3A_253 = tpu.vector_load %arg11[%swap3A_251, %swap3A_252] {strides = array<i32>} : memref<128x128xf32, #tpu.memory_space<vmem>>, vector<1x16xf32>,
        %swap3A_254 = vector.shape_cast %swap3A_253 : vector<1x16xf32> to vector<16xf32>
        %swap3A_255 = vector.shape_cast %mul3A_250 : vector<16xf32> to vector<1x16xf32>
        tpu.vector_store %arg11[%swap3A_251, %swap3A_252], %swap3A_255 {strides = array<i32>} : memref<128x128xf32, #tpu.memory_space<vmem>>, vector<1x16xf32>,
        %get3A_256 = arith.index_cast %add3A_222 : i32 to index
        %get3A_257 = arith.constant 48 : index
        %get3A_258 = tpu.vector_load %arg11[%get3A_256, %get3A_257] {strides = array<i32>} : memref<128x128xf32, #tpu.memory_space<vmem>>, vector<1x16xf32>,
        %get3A_259 = vector.shape_cast %get3A_258 : vector<1x16xf32> to vector<16xf32>
        %mul3A_260 = vector.broadcast %squeeze3A_218 : f32 to vector<16xf32>
        %mul3A_261 = arith.mulf %get3A_259, %mul3A_260 : vector<16xf32>
        %swap3A_262 = arith.index_cast %add3A_222 : i32 to index
        %swap3A_263 = arith.constant 48 : index
        %swap3A_264 = tpu.vector_load %arg11[%swap3A_262, %swap3A_263] {strides = array<i32>} : memref<128x128xf32, #tpu.memory_space<vmem>>, vector<1x16xf32>,
        %swap3A_265 = vector.shape_cast %swap3A_264 : vector<1x16xf32> to vector<16xf32>
        %swap3A_266 = vector.shape_cast %mul3A_261 : vector<16xf32> to vector<1x16xf32>
        tpu.vector_store %arg11[%swap3A_262, %swap3A_263], %swap3A_266 {strides = array<i32>} : memref<128x128xf32, #tpu.memory_space<vmem>>, vector<1x16xf32>,
        %get3A_267 = arith.index_cast %add3A_222 : i32 to index
        %get3A_268 = arith.constant 64 : index
        %get3A_269 = tpu.vector_load %arg11[%get3A_267, %get3A_268] {strides = array<i32>} : memref<128x128xf32, #tpu.memory_space<vmem>>, vector<1x16xf32>,
        %get3A_270 = vector.shape_cast %get3A_269 : vector<1x16xf32> to vector<16xf32>
        %mul3A_271 = vector.broadcast %squeeze3A_218 : f32 to vector<16xf32>
        %mul3A_272 = arith.mulf %get3A_270, %mul3A_271 : vector<16xf32>
        %swap3A_273 = arith.index_cast %add3A_222 : i32 to index
        %swap3A_274 = arith.constant 64 : index
        %swap3A_275 = tpu.vector_load %arg11[%swap3A_273, %swap3A_274] {strides = array<i32>} : memref<128x128xf32, #tpu.memory_space<vmem>>, vector<1x16xf32>,
        %swap3A_276 = vector.shape_cast %swap3A_275 : vector<1x16xf32> to vector<16xf32>
        %swap3A_277 = vector.shape_cast %mul3A_272 : vector<16xf32> to vector<1x16xf32>
        tpu.vector_store %arg11[%swap3A_273, %swap3A_274], %swap3A_277 {strides = array<i32>} : memref<128x128xf32, #tpu.memory_space<vmem>>, vector<1x16xf32>,
        %get3A_278 = arith.index_cast %add3A_222 : i32 to index
        %get3A_279 = arith.constant 80 : index
        %get3A_280 = tpu.vector_load %arg11[%get3A_278, %get3A_279] {strides = array<i32>} : memref<128x128xf32, #tpu.memory_space<vmem>>, vector<1x16xf32>,
        %get3A_281 = vector.shape_cast %get3A_280 : vector<1x16xf32> to vector<16xf32>
        %mul3A_282 = vector.broadcast %squeeze3A_218 : f32 to vector<16xf32>
        %mul3A_283 = arith.mulf %get3A_281, %mul3A_282 : vector<16xf32>
        %swap3A_284 = arith.index_cast %add3A_222 : i32 to index
        %swap3A_285 = arith.constant 80 : index
        %swap3A_286 = tpu.vector_load %arg11[%swap3A_284, %swap3A_285] {strides = array<i32>} : memref<128x128xf32, #tpu.memory_space<vmem>>, vector<1x16xf32>,
        %swap3A_287 = vector.shape_cast %swap3A_286 : vector<1x16xf32> to vector<16xf32>
        %swap3A_288 = vector.shape_cast %mul3A_283 : vector<16xf32> to vector<1x16xf32>
        tpu.vector_store %arg11[%swap3A_284, %swap3A_285], %swap3A_288 {strides = array<i32>} : memref<128x128xf32, #tpu.memory_space<vmem>>, vector<1x16xf32>,
        %get3A_289 = arith.index_cast %add3A_222 : i32 to index
        %get3A_290 = arith.constant 96 : index
        %get3A_291 = tpu.vector_load %arg11[%get3A_289, %get3A_290] {strides = array<i32>} : memref<128x128xf32, #tpu.memory_space<vmem>>, vector<1x16xf32>,
        %get3A_292 = vector.shape_cast %get3A_291 : vector<1x16xf32> to vector<16xf32>
        %mul3A_293 = vector.broadcast %squeeze3A_218 : f32 to vector<16xf32>
        %mul3A_294 = arith.mulf %get3A_292, %mul3A_293 : vector<16xf32>
        %swap3A_295 = arith.index_cast %add3A_222 : i32 to index
        %swap3A_296 = arith.constant 96 : index
        %swap3A_297 = tpu.vector_load %arg11[%swap3A_295, %swap3A_296] {strides = array<i32>} : memref<128x128xf32, #tpu.memory_space<vmem>>, vector<1x16xf32>,
        %swap3A_298 = vector.shape_cast %swap3A_297 : vector<1x16xf32> to vector<16xf32>
        %swap3A_299 = vector.shape_cast %mul3A_294 : vector<16xf32> to vector<1x16xf32>
        tpu.vector_store %arg11[%swap3A_295, %swap3A_296], %swap3A_299 {strides = array<i32>} : memref<128x128xf32, #tpu.memory_space<vmem>>, vector<1x16xf32>,
        %get3A_300 = arith.index_cast %add3A_222 : i32 to index
        %get3A_301 = arith.constant 112 : index
        %get3A_302 = tpu.vector_load %arg11[%get3A_300, %get3A_301] {strides = array<i32>} : memref<128x128xf32, #tpu.memory_space<vmem>>, vector<1x16xf32>,
        %get3A_303 = vector.shape_cast %get3A_302 : vector<1x16xf32> to vector<16xf32>
        %mul3A_304 = vector.broadcast %squeeze3A_218 : f32 to vector<16xf32>
        %mul3A_305 = arith.mulf %get3A_303, %mul3A_304 : vector<16xf32>
        %swap3A_306 = arith.index_cast %add3A_222 : i32 to index
        %swap3A_307 = arith.constant 112 : index
        %swap3A_308 = tpu.vector_load %arg11[%swap3A_306, %swap3A_307] {strides = array<i32>} : memref<128x128xf32, #tpu.memory_space<vmem>>, vector<1x16xf32>,
        %swap3A_309 = vector.shape_cast %swap3A_308 : vector<1x16xf32> to vector<16xf32>
        %swap3A_310 = vector.shape_cast %mul3A_305 : vector<16xf32> to vector<1x16xf32>
        tpu.vector_store %arg11[%swap3A_306, %swap3A_307], %swap3A_310 {strides = array<i32>} : memref<128x128xf32, #tpu.memory_space<vmem>>, vector<1x16xf32>,
        %slice3A_311 = vector.extract_strided_slice %get3A_31 {offsets = [3], sizes = [1], strides = [1]} : vector<16xf32> to vector<1xf32>
        %squeeze3A_312 = vector.extract %slice3A_311[0] : f32 from vector<1xf32>
        %mul3A_313 = arith.constant 16 : i32
        %mul3A_314 = arith.muli %scan3A_26, %mul3A_313 : i32
        %add3A_315 = arith.constant 3 : i32
        %add3A_316 = arith.addi %mul3A_314, %add3A_315 : i32
        %get3A_317 = arith.index_cast %add3A_316 : i32 to index
        %get3A_318 = arith.constant 0 : index
        %get3A_319 = tpu.vector_load %arg11[%get3A_317, %get3A_318] {strides = array<i32>} : memref<128x128xf32, #tpu.memory_space<vmem>>, vector<1x16xf32>,
        %get3A_320 = vector.shape_cast %get3A_319 : vector<1x16xf32> to vector<16xf32>
        %mul3A_321 = vector.broadcast %squeeze3A_312 : f32 to vector<16xf32>
        %mul3A_322 = arith.mulf %get3A_320, %mul3A_321 : vector<16xf32>
        %swap3A_323 = arith.index_cast %add3A_316 : i32 to index
        %swap3A_324 = arith.constant 0 : index
        %swap3A_325 = tpu.vector_load %arg11[%swap3A_323, %swap3A_324] {strides = array<i32>} : memref<128x128xf32, #tpu.memory_space<vmem>>, vector<1x16xf32>,
        %swap3A_326 = vector.shape_cast %swap3A_325 : vector<1x16xf32> to vector<16xf32>
        %swap3A_327 = vector.shape_cast %mul3A_322 : vector<16xf32> to vector<1x16xf32>
        tpu.vector_store %arg11[%swap3A_323, %swap3A_324], %swap3A_327 {strides = array<i32>} : memref<128x128xf32, #tpu.memory_space<vmem>>, vector<1x16xf32>,
        %get3A_328 = arith.index_cast %add3A_316 : i32 to index
        %get3A_329 = arith.constant 16 : index
        %get3A_330 = tpu.vector_load %arg11[%get3A_328, %get3A_329] {strides = array<i32>} : memref<128x128xf32, #tpu.memory_space<vmem>>, vector<1x16xf32>,
        %get3A_331 = vector.shape_cast %get3A_330 : vector<1x16xf32> to vector<16xf32>
        %mul3A_332 = vector.broadcast %squeeze3A_312 : f32 to vector<16xf32>
        %mul3A_333 = arith.mulf %get3A_331, %mul3A_332 : vector<16xf32>
        %swap3A_334 = arith.index_cast %add3A_316 : i32 to index
        %swap3A_335 = arith.constant 16 : index
        %swap3A_336 = tpu.vector_load %arg11[%swap3A_334, %swap3A_335] {strides = array<i32>} : memref<128x128xf32, #tpu.memory_space<vmem>>, vector<1x16xf32>,
        %swap3A_337 = vector.shape_cast %swap3A_336 : vector<1x16xf32> to vector<16xf32>
        %swap3A_338 = vector.shape_cast %mul3A_333 : vector<16xf32> to vector<1x16xf32>
        tpu.vector_store %arg11[%swap3A_334, %swap3A_335], %swap3A_338 {strides = array<i32>} : memref<128x128xf32, #tpu.memory_space<vmem>>, vector<1x16xf32>,
        %get3A_339 = arith.index_cast %add3A_316 : i32 to index
        %get3A_340 = arith.constant 32 : index
        %get3A_341 = tpu.vector_load %arg11[%get3A_339, %get3A_340] {strides = array<i32>} : memref<128x128xf32, #tpu.memory_space<vmem>>, vector<1x16xf32>,
        %get3A_342 = vector.shape_cast %get3A_341 : vector<1x16xf32> to vector<16xf32>
        %mul3A_343 = vector.broadcast %squeeze3A_312 : f32 to vector<16xf32>
        %mul3A_344 = arith.mulf %get3A_342, %mul3A_343 : vector<16xf32>
        %swap3A_345 = arith.index_cast %add3A_316 : i32 to index
        %swap3A_346 = arith.constant 32 : index
        %swap3A_347 = tpu.vector_load %arg11[%swap3A_345, %swap3A_346] {strides = array<i32>} : memref<128x128xf32, #tpu.memory_space<vmem>>, vector<1x16xf32>,
        %swap3A_348 = vector.shape_cast %swap3A_347 : vector<1x16xf32> to vector<16xf32>
        %swap3A_349 = vector.shape_cast %mul3A_344 : vector<16xf32> to vector<1x16xf32>
        tpu.vector_store %arg11[%swap3A_345, %swap3A_346], %swap3A_349 {strides = array<i32>} : memref<128x128xf32, #tpu.memory_space<vmem>>, vector<1x16xf32>,
        %get3A_350 = arith.index_cast %add3A_316 : i32 to index
        %get3A_351 = arith.constant 48 : index
        %get3A_352 = tpu.vector_load %arg11[%get3A_350, %get3A_351] {strides = array<i32>} : memref<128x128xf32, #tpu.memory_space<vmem>>, vector<1x16xf32>,
        %get3A_353 = vector.shape_cast %get3A_352 : vector<1x16xf32> to vector<16xf32>
        %mul3A_354 = vector.broadcast %squeeze3A_312 : f32 to vector<16xf32>
        %mul3A_355 = arith.mulf %get3A_353, %mul3A_354 : vector<16xf32>
        %swap3A_356 = arith.index_cast %add3A_316 : i32 to index
        %swap3A_357 = arith.constant 48 : index
        %swap3A_358 = tpu.vector_load %arg11[%swap3A_356, %swap3A_357] {strides = array<i32>} : memref<128x128xf32, #tpu.memory_space<vmem>>, vector<1x16xf32>,
        %swap3A_359 = vector.shape_cast %swap3A_358 : vector<1x16xf32> to vector<16xf32>
        %swap3A_360 = vector.shape_cast %mul3A_355 : vector<16xf32> to vector<1x16xf32>
        tpu.vector_store %arg11[%swap3A_356, %swap3A_357], %swap3A_360 {strides = array<i32>} : memref<128x128xf32, #tpu.memory_space<vmem>>, vector<1x16xf32>,
        %get3A_361 = arith.index_cast %add3A_316 : i32 to index
        %get3A_362 = arith.constant 64 : index
        %get3A_363 = tpu.vector_load %arg11[%get3A_361, %get3A_362] {strides = array<i32>} : memref<128x128xf32, #tpu.memory_space<vmem>>, vector<1x16xf32>,
        %get3A_364 = vector.shape_cast %get3A_363 : vector<1x16xf32> to vector<16xf32>
        %mul3A_365 = vector.broadcast %squeeze3A_312 : f32 to vector<16xf32>
        %mul3A_366 = arith.mulf %get3A_364, %mul3A_365 : vector<16xf32>
        %swap3A_367 = arith.index_cast %add3A_316 : i32 to index
        %swap3A_368 = arith.constant 64 : index
        %swap3A_369 = tpu.vector_load %arg11[%swap3A_367, %swap3A_368] {strides = array<i32>} : memref<128x128xf32, #tpu.memory_space<vmem>>, vector<1x16xf32>,
        %swap3A_370 = vector.shape_cast %swap3A_369 : vector<1x16xf32> to vector<16xf32>
        %swap3A_371 = vector.shape_cast %mul3A_366 : vector<16xf32> to vector<1x16xf32>
        tpu.vector_store %arg11[%swap3A_367, %swap3A_368], %swap3A_371 {strides = array<i32>} : memref<128x128xf32, #tpu.memory_space<vmem>>, vector<1x16xf32>,
        %get3A_372 = arith.index_cast %add3A_316 : i32 to index
        %get3A_373 = arith.constant 80 : index
        %get3A_374 = tpu.vector_load %arg11[%get3A_372, %get3A_373] {strides = array<i32>} : memref<128x128xf32, #tpu.memory_space<vmem>>, vector<1x16xf32>,
        %get3A_375 = vector.shape_cast %get3A_374 : vector<1x16xf32> to vector<16xf32>
        %mul3A_376 = vector.broadcast %squeeze3A_312 : f32 to vector<16xf32>
        %mul3A_377 = arith.mulf %get3A_375, %mul3A_376 : vector<16xf32>
        %swap3A_378 = arith.index_cast %add3A_316 : i32 to index
        %swap3A_379 = arith.constant 80 : index
        %swap3A_380 = tpu.vector_load %arg11[%swap3A_378, %swap3A_379] {strides = array<i32>} : memref<128x128xf32, #tpu.memory_space<vmem>>, vector<1x16xf32>,
        %swap3A_381 = vector.shape_cast %swap3A_380 : vector<1x16xf32> to vector<16xf32>
        %swap3A_382 = vector.shape_cast %mul3A_377 : vector<16xf32> to vector<1x16xf32>
        tpu.vector_store %arg11[%swap3A_378, %swap3A_379], %swap3A_382 {strides = array<i32>} : memref<128x128xf32, #tpu.memory_space<vmem>>, vector<1x16xf32>,
        %get3A_383 = arith.index_cast %add3A_316 : i32 to index
        %get3A_384 = arith.constant 96 : index
        %get3A_385 = tpu.vector_load %arg11[%get3A_383, %get3A_384] {strides = array<i32>} : memref<128x128xf32, #tpu.memory_space<vmem>>, vector<1x16xf32>,
        %get3A_386 = vector.shape_cast %get3A_385 : vector<1x16xf32> to vector<16xf32>
        %mul3A_387 = vector.broadcast %squeeze3A_312 : f32 to vector<16xf32>
        %mul3A_388 = arith.mulf %get3A_386, %mul3A_387 : vector<16xf32>
        %swap3A_389 = arith.index_cast %add3A_316 : i32 to index
        %swap3A_390 = arith.constant 96 : index
        %swap3A_391 = tpu.vector_load %arg11[%swap3A_389, %swap3A_390] {strides = array<i32>} : memref<128x128xf32, #tpu.memory_space<vmem>>, vector<1x16xf32>,
        %swap3A_392 = vector.shape_cast %swap3A_391 : vector<1x16xf32> to vector<16xf32>
        %swap3A_393 = vector.shape_cast %mul3A_388 : vector<16xf32> to vector<1x16xf32>
        tpu.vector_store %arg11[%swap3A_389, %swap3A_390], %swap3A_393 {strides = array<i32>} : memref<128x128xf32, #tpu.memory_space<vmem>>, vector<1x16xf32>,
        %get3A_394 = arith.index_cast %add3A_316 : i32 to index
        %get3A_395 = arith.constant 112 : index
        %get3A_396 = tpu.vector_load %arg11[%get3A_394, %get3A_395] {strides = array<i32>} : memref<128x128xf32, #tpu.memory_space<vmem>>, vector<1x16xf32>,
        %get3A_397 = vector.shape_cast %get3A_396 : vector<1x16xf32> to vector<16xf32>
        %mul3A_398 = vector.broadcast %squeeze3A_312 : f32 to vector<16xf32>
        %mul3A_399 = arith.mulf %get3A_397, %mul3A_398 : vector<16xf32>
        %swap3A_400 = arith.index_cast %add3A_316 : i32 to index
        %swap3A_401 = arith.constant 112 : index
        %swap3A_402 = tpu.vector_load %arg11[%swap3A_400, %swap3A_401] {strides = array<i32>} : memref<128x128xf32, #tpu.memory_space<vmem>>, vector<1x16xf32>,
        %swap3A_403 = vector.shape_cast %swap3A_402 : vector<1x16xf32> to vector<16xf32>
        %swap3A_404 = vector.shape_cast %mul3A_399 : vector<16xf32> to vector<1x16xf32>
        tpu.vector_store %arg11[%swap3A_400, %swap3A_401], %swap3A_404 {strides = array<i32>} : memref<128x128xf32, #tpu.memory_space<vmem>>, vector<1x16xf32>,
        %slice3A_405 = vector.extract_strided_slice %get3A_31 {offsets = [4], sizes = [1], strides = [1]} : vector<16xf32> to vector<1xf32>
        %squeeze3A_406 = vector.extract %slice3A_405[0] : f32 from vector<1xf32>
        %mul3A_407 = arith.constant 16 : i32
        %mul3A_408 = arith.muli %scan3A_26, %mul3A_407 : i32
        %add3A_409 = arith.constant 4 : i32
        %add3A_410 = arith.addi %mul3A_408, %add3A_409 : i32
        %get3A_411 = arith.index_cast %add3A_410 : i32 to index
        %get3A_412 = arith.constant 0 : index
        %get3A_413 = tpu.vector_load %arg11[%get3A_411, %get3A_412] {strides = array<i32>} : memref<128x128xf32, #tpu.memory_space<vmem>>, vector<1x16xf32>,
        %get3A_414 = vector.shape_cast %get3A_413 : vector<1x16xf32> to vector<16xf32>
        %mul3A_415 = vector.broadcast %squeeze3A_406 : f32 to vector<16xf32>
        %mul3A_416 = arith.mulf %get3A_414, %mul3A_415 : vector<16xf32>
        %swap3A_417 = arith.index_cast %add3A_410 : i32 to index
        %swap3A_418 = arith.constant 0 : index
        %swap3A_419 = tpu.vector_load %arg11[%swap3A_417, %swap3A_418] {strides = array<i32>} : memref<128x128xf32, #tpu.memory_space<vmem>>, vector<1x16xf32>,
        %swap3A_420 = vector.shape_cast %swap3A_419 : vector<1x16xf32> to vector<16xf32>
        %swap3A_421 = vector.shape_cast %mul3A_416 : vector<16xf32> to vector<1x16xf32>
        tpu.vector_store %arg11[%swap3A_417, %swap3A_418], %swap3A_421 {strides = array<i32>} : memref<128x128xf32, #tpu.memory_space<vmem>>, vector<1x16xf32>,
        %get3A_422 = arith.index_cast %add3A_410 : i32 to index
        %get3A_423 = arith.constant 16 : index
        %get3A_424 = tpu.vector_load %arg11[%get3A_422, %get3A_423] {strides = array<i32>} : memref<128x128xf32, #tpu.memory_space<vmem>>, vector<1x16xf32>,
        %get3A_425 = vector.shape_cast %get3A_424 : vector<1x16xf32> to vector<16xf32>
        %mul3A_426 = vector.broadcast %squeeze3A_406 : f32 to vector<16xf32>
        %mul3A_427 = arith.mulf %get3A_425, %mul3A_426 : vector<16xf32>
        %swap3A_428 = arith.index_cast %add3A_410 : i32 to index
        %swap3A_429 = arith.constant 16 : index
        %swap3A_430 = tpu.vector_load %arg11[%swap3A_428, %swap3A_429] {strides = array<i32>} : memref<128x128xf32, #tpu.memory_space<vmem>>, vector<1x16xf32>,
        %swap3A_431 = vector.shape_cast %swap3A_430 : vector<1x16xf32> to vector<16xf32>
        %swap3A_432 = vector.shape_cast %mul3A_427 : vector<16xf32> to vector<1x16xf32>
        tpu.vector_store %arg11[%swap3A_428, %swap3A_429], %swap3A_432 {strides = array<i32>} : memref<128x128xf32, #tpu.memory_space<vmem>>, vector<1x16xf32>,
        %get3A_433 = arith.index_cast %add3A_410 : i32 to index
        %get3A_434 = arith.constant 32 : index
        %get3A_435 = tpu.vector_load %arg11[%get3A_433, %get3A_434] {strides = array<i32>} : memref<128x128xf32, #tpu.memory_space<vmem>>, vector<1x16xf32>,
        %get3A_436 = vector.shape_cast %get3A_435 : vector<1x16xf32> to vector<16xf32>
        %mul3A_437 = vector.broadcast %squeeze3A_406 : f32 to vector<16xf32>
        %mul3A_438 = arith.mulf %get3A_436, %mul3A_437 : vector<16xf32>
        %swap3A_439 = arith.index_cast %add3A_410 : i32 to index
        %swap3A_440 = arith.constant 32 : index
        %swap3A_441 = tpu.vector_load %arg11[%swap3A_439, %swap3A_440] {strides = array<i32>} : memref<128x128xf32, #tpu.memory_space<vmem>>, vector<1x16xf32>,
        %swap3A_442 = vector.shape_cast %swap3A_441 : vector<1x16xf32> to vector<16xf32>
        %swap3A_443 = vector.shape_cast %mul3A_438 : vector<16xf32> to vector<1x16xf32>
        tpu.vector_store %arg11[%swap3A_439, %swap3A_440], %swap3A_443 {strides = array<i32>} : memref<128x128xf32, #tpu.memory_space<vmem>>, vector<1x16xf32>,
        %get3A_444 = arith.index_cast %add3A_410 : i32 to index
        %get3A_445 = arith.constant 48 : index
        %get3A_446 = tpu.vector_load %arg11[%get3A_444, %get3A_445] {strides = array<i32>} : memref<128x128xf32, #tpu.memory_space<vmem>>, vector<1x16xf32>,
        %get3A_447 = vector.shape_cast %get3A_446 : vector<1x16xf32> to vector<16xf32>
        %mul3A_448 = vector.broadcast %squeeze3A_406 : f32 to vector<16xf32>
        %mul3A_449 = arith.mulf %get3A_447, %mul3A_448 : vector<16xf32>
        %swap3A_450 = arith.index_cast %add3A_410 : i32 to index
        %swap3A_451 = arith.constant 48 : index
        %swap3A_452 = tpu.vector_load %arg11[%swap3A_450, %swap3A_451] {strides = array<i32>} : memref<128x128xf32, #tpu.memory_space<vmem>>, vector<1x16xf32>,
        %swap3A_453 = vector.shape_cast %swap3A_452 : vector<1x16xf32> to vector<16xf32>
        %swap3A_454 = vector.shape_cast %mul3A_449 : vector<16xf32> to vector<1x16xf32>
        tpu.vector_store %arg11[%swap3A_450, %swap3A_451], %swap3A_454 {strides = array<i32>} : memref<128x128xf32, #tpu.memory_space<vmem>>, vector<1x16xf32>,
        %get3A_455 = arith.index_cast %add3A_410 : i32 to index
        %get3A_456 = arith.constant 64 : index
        %get3A_457 = tpu.vector_load %arg11[%get3A_455, %get3A_456] {strides = array<i32>} : memref<128x128xf32, #tpu.memory_space<vmem>>, vector<1x16xf32>,
        %get3A_458 = vector.shape_cast %get3A_457 : vector<1x16xf32> to vector<16xf32>
        %mul3A_459 = vector.broadcast %squeeze3A_406 : f32 to vector<16xf32>
        %mul3A_460 = arith.mulf %get3A_458, %mul3A_459 : vector<16xf32>
        %swap3A_461 = arith.index_cast %add3A_410 : i32 to index
        %swap3A_462 = arith.constant 64 : index
        %swap3A_463 = tpu.vector_load %arg11[%swap3A_461, %swap3A_462] {strides = array<i32>} : memref<128x128xf32, #tpu.memory_space<vmem>>, vector<1x16xf32>,
        %swap3A_464 = vector.shape_cast %swap3A_463 : vector<1x16xf32> to vector<16xf32>
        %swap3A_465 = vector.shape_cast %mul3A_460 : vector<16xf32> to vector<1x16xf32>
        tpu.vector_store %arg11[%swap3A_461, %swap3A_462], %swap3A_465 {strides = array<i32>} : memref<128x128xf32, #tpu.memory_space<vmem>>, vector<1x16xf32>,
        %get3A_466 = arith.index_cast %add3A_410 : i32 to index
        %get3A_467 = arith.constant 80 : index
        %get3A_468 = tpu.vector_load %arg11[%get3A_466, %get3A_467] {strides = array<i32>} : memref<128x128xf32, #tpu.memory_space<vmem>>, vector<1x16xf32>,
        %get3A_469 = vector.shape_cast %get3A_468 : vector<1x16xf32> to vector<16xf32>
        %mul3A_470 = vector.broadcast %squeeze3A_406 : f32 to vector<16xf32>
        %mul3A_471 = arith.mulf %get3A_469, %mul3A_470 : vector<16xf32>
        %swap3A_472 = arith.index_cast %add3A_410 : i32 to index
        %swap3A_473 = arith.constant 80 : index
        %swap3A_474 = tpu.vector_load %arg11[%swap3A_472, %swap3A_473] {strides = array<i32>} : memref<128x128xf32, #tpu.memory_space<vmem>>, vector<1x16xf32>,
        %swap3A_475 = vector.shape_cast %swap3A_474 : vector<1x16xf32> to vector<16xf32>
        %swap3A_476 = vector.shape_cast %mul3A_471 : vector<16xf32> to vector<1x16xf32>
        tpu.vector_store %arg11[%swap3A_472, %swap3A_473], %swap3A_476 {strides = array<i32>} : memref<128x128xf32, #tpu.memory_space<vmem>>, vector<1x16xf32>,
        %get3A_477 = arith.index_cast %add3A_410 : i32 to index
        %get3A_478 = arith.constant 96 : index
        %get3A_479 = tpu.vector_load %arg11[%get3A_477, %get3A_478] {strides = array<i32>} : memref<128x128xf32, #tpu.memory_space<vmem>>, vector<1x16xf32>,
        %get3A_480 = vector.shape_cast %get3A_479 : vector<1x16xf32> to vector<16xf32>
        %mul3A_481 = vector.broadcast %squeeze3A_406 : f32 to vector<16xf32>
        %mul3A_482 = arith.mulf %get3A_480, %mul3A_481 : vector<16xf32>
        %swap3A_483 = arith.index_cast %add3A_410 : i32 to index
        %swap3A_484 = arith.constant 96 : index
        %swap3A_485 = tpu.vector_load %arg11[%swap3A_483, %swap3A_484] {strides = array<i32>} : memref<128x128xf32, #tpu.memory_space<vmem>>, vector<1x16xf32>,
        %swap3A_486 = vector.shape_cast %swap3A_485 : vector<1x16xf32> to vector<16xf32>
        %swap3A_487 = vector.shape_cast %mul3A_482 : vector<16xf32> to vector<1x16xf32>
        tpu.vector_store %arg11[%swap3A_483, %swap3A_484], %swap3A_487 {strides = array<i32>} : memref<128x128xf32, #tpu.memory_space<vmem>>, vector<1x16xf32>,
        %get3A_488 = arith.index_cast %add3A_410 : i32 to index
        %get3A_489 = arith.constant 112 : index
        %get3A_490 = tpu.vector_load %arg11[%get3A_488, %get3A_489] {strides = array<i32>} : memref<128x128xf32, #tpu.memory_space<vmem>>, vector<1x16xf32>,
        %get3A_491 = vector.shape_cast %get3A_490 : vector<1x16xf32> to vector<16xf32>
        %mul3A_492 = vector.broadcast %squeeze3A_406 : f32 to vector<16xf32>
        %mul3A_493 = arith.mulf %get3A_491, %mul3A_492 : vector<16xf32>
        %swap3A_494 = arith.index_cast %add3A_410 : i32 to index
        %swap3A_495 = arith.constant 112 : index
        %swap3A_496 = tpu.vector_load %arg11[%swap3A_494, %swap3A_495] {strides = array<i32>} : memref<128x128xf32, #tpu.memory_space<vmem>>, vector<1x16xf32>,
        %swap3A_497 = vector.shape_cast %swap3A_496 : vector<1x16xf32> to vector<16xf32>
        %swap3A_498 = vector.shape_cast %mul3A_493 : vector<16xf32> to vector<1x16xf32>
        tpu.vector_store %arg11[%swap3A_494, %swap3A_495], %swap3A_498 {strides = array<i32>} : memref<128x128xf32, #tpu.memory_space<vmem>>, vector<1x16xf32>,
        %slice3A_499 = vector.extract_strided_slice %get3A_31 {offsets = [5], sizes = [1], strides = [1]} : vector<16xf32> to vector<1xf32>
        %squeeze3A_500 = vector.extract %slice3A_499[0] : f32 from vector<1xf32>
        %mul3A_501 = arith.constant 16 : i32
        %mul3A_502 = arith.muli %scan3A_26, %mul3A_501 : i32
        %add3A_503 = arith.constant 5 : i32
        %add3A_504 = arith.addi %mul3A_502, %add3A_503 : i32
        %get3A_505 = arith.index_cast %add3A_504 : i32 to index
        %get3A_506 = arith.constant 0 : index
        %get3A_507 = tpu.vector_load %arg11[%get3A_505, %get3A_506] {strides = array<i32>} : memref<128x128xf32, #tpu.memory_space<vmem>>, vector<1x16xf32>,
        %get3A_508 = vector.shape_cast %get3A_507 : vector<1x16xf32> to vector<16xf32>
        %mul3A_509 = vector.broadcast %squeeze3A_500 : f32 to vector<16xf32>
        %mul3A_510 = arith.mulf %get3A_508, %mul3A_509 : vector<16xf32>
        %swap3A_511 = arith.index_cast %add3A_504 : i32 to index
        %swap3A_512 = arith.constant 0 : index
        %swap3A_513 = tpu.vector_load %arg11[%swap3A_511, %swap3A_512] {strides = array<i32>} : memref<128x128xf32, #tpu.memory_space<vmem>>, vector<1x16xf32>,
        %swap3A_514 = vector.shape_cast %swap3A_513 : vector<1x16xf32> to vector<16xf32>
        %swap3A_515 = vector.shape_cast %mul3A_510 : vector<16xf32> to vector<1x16xf32>
        tpu.vector_store %arg11[%swap3A_511, %swap3A_512], %swap3A_515 {strides = array<i32>} : memref<128x128xf32, #tpu.memory_space<vmem>>, vector<1x16xf32>,
        %get3A_516 = arith.index_cast %add3A_504 : i32 to index
        %get3A_517 = arith.constant 16 : index
        %get3A_518 = tpu.vector_load %arg11[%get3A_516, %get3A_517] {strides = array<i32>} : memref<128x128xf32, #tpu.memory_space<vmem>>, vector<1x16xf32>,
        %get3A_519 = vector.shape_cast %get3A_518 : vector<1x16xf32> to vector<16xf32>
        %mul3A_520 = vector.broadcast %squeeze3A_500 : f32 to vector<16xf32>
        %mul3A_521 = arith.mulf %get3A_519, %mul3A_520 : vector<16xf32>
        %swap3A_522 = arith.index_cast %add3A_504 : i32 to index
        %swap3A_523 = arith.constant 16 : index
        %swap3A_524 = tpu.vector_load %arg11[%swap3A_522, %swap3A_523] {strides = array<i32>} : memref<128x128xf32, #tpu.memory_space<vmem>>, vector<1x16xf32>,
        %swap3A_525 = vector.shape_cast %swap3A_524 : vector<1x16xf32> to vector<16xf32>
        %swap3A_526 = vector.shape_cast %mul3A_521 : vector<16xf32> to vector<1x16xf32>
        tpu.vector_store %arg11[%swap3A_522, %swap3A_523], %swap3A_526 {strides = array<i32>} : memref<128x128xf32, #tpu.memory_space<vmem>>, vector<1x16xf32>,
        %get3A_527 = arith.index_cast %add3A_504 : i32 to index
        %get3A_528 = arith.constant 32 : index
        %get3A_529 = tpu.vector_load %arg11[%get3A_527, %get3A_528] {strides = array<i32>} : memref<128x128xf32, #tpu.memory_space<vmem>>, vector<1x16xf32>,
        %get3A_530 = vector.shape_cast %get3A_529 : vector<1x16xf32> to vector<16xf32>
        %mul3A_531 = vector.broadcast %squeeze3A_500 : f32 to vector<16xf32>
        %mul3A_532 = arith.mulf %get3A_530, %mul3A_531 : vector<16xf32>
        %swap3A_533 = arith.index_cast %add3A_504 : i32 to index
        %swap3A_534 = arith.constant 32 : index
        %swap3A_535 = tpu.vector_load %arg11[%swap3A_533, %swap3A_534] {strides = array<i32>} : memref<128x128xf32, #tpu.memory_space<vmem>>, vector<1x16xf32>,
        %swap3A_536 = vector.shape_cast %swap3A_535 : vector<1x16xf32> to vector<16xf32>
        %swap3A_537 = vector.shape_cast %mul3A_532 : vector<16xf32> to vector<1x16xf32>
        tpu.vector_store %arg11[%swap3A_533, %swap3A_534], %swap3A_537 {strides = array<i32>} : memref<128x128xf32, #tpu.memory_space<vmem>>, vector<1x16xf32>,
        %get3A_538 = arith.index_cast %add3A_504 : i32 to index
        %get3A_539 = arith.constant 48 : index
        %get3A_540 = tpu.vector_load %arg11[%get3A_538, %get3A_539] {strides = array<i32>} : memref<128x128xf32, #tpu.memory_space<vmem>>, vector<1x16xf32>,
        %get3A_541 = vector.shape_cast %get3A_540 : vector<1x16xf32> to vector<16xf32>
        %mul3A_542 = vector.broadcast %squeeze3A_500 : f32 to vector<16xf32>
        %mul3A_543 = arith.mulf %get3A_541, %mul3A_542 : vector<16xf32>
        %swap3A_544 = arith.index_cast %add3A_504 : i32 to index
        %swap3A_545 = arith.constant 48 : index
        %swap3A_546 = tpu.vector_load %arg11[%swap3A_544, %swap3A_545] {strides = array<i32>} : memref<128x128xf32, #tpu.memory_space<vmem>>, vector<1x16xf32>,
        %swap3A_547 = vector.shape_cast %swap3A_546 : vector<1x16xf32> to vector<16xf32>
        %swap3A_548 = vector.shape_cast %mul3A_543 : vector<16xf32> to vector<1x16xf32>
        tpu.vector_store %arg11[%swap3A_544, %swap3A_545], %swap3A_548 {strides = array<i32>} : memref<128x128xf32, #tpu.memory_space<vmem>>, vector<1x16xf32>,
        %get3A_549 = arith.index_cast %add3A_504 : i32 to index
        %get3A_550 = arith.constant 64 : index
        %get3A_551 = tpu.vector_load %arg11[%get3A_549, %get3A_550] {strides = array<i32>} : memref<128x128xf32, #tpu.memory_space<vmem>>, vector<1x16xf32>,
        %get3A_552 = vector.shape_cast %get3A_551 : vector<1x16xf32> to vector<16xf32>
        %mul3A_553 = vector.broadcast %squeeze3A_500 : f32 to vector<16xf32>
        %mul3A_554 = arith.mulf %get3A_552, %mul3A_553 : vector<16xf32>
        %swap3A_555 = arith.index_cast %add3A_504 : i32 to index
        %swap3A_556 = arith.constant 64 : index
        %swap3A_557 = tpu.vector_load %arg11[%swap3A_555, %swap3A_556] {strides = array<i32>} : memref<128x128xf32, #tpu.memory_space<vmem>>, vector<1x16xf32>,
        %swap3A_558 = vector.shape_cast %swap3A_557 : vector<1x16xf32> to vector<16xf32>
        %swap3A_559 = vector.shape_cast %mul3A_554 : vector<16xf32> to vector<1x16xf32>
        tpu.vector_store %arg11[%swap3A_555, %swap3A_556], %swap3A_559 {strides = array<i32>} : memref<128x128xf32, #tpu.memory_space<vmem>>, vector<1x16xf32>,
        %get3A_560 = arith.index_cast %add3A_504 : i32 to index
        %get3A_561 = arith.constant 80 : index
        %get3A_562 = tpu.vector_load %arg11[%get3A_560, %get3A_561] {strides = array<i32>} : memref<128x128xf32, #tpu.memory_space<vmem>>, vector<1x16xf32>,
        %get3A_563 = vector.shape_cast %get3A_562 : vector<1x16xf32> to vector<16xf32>
        %mul3A_564 = vector.broadcast %squeeze3A_500 : f32 to vector<16xf32>
        %mul3A_565 = arith.mulf %get3A_563, %mul3A_564 : vector<16xf32>
        %swap3A_566 = arith.index_cast %add3A_504 : i32 to index
        %swap3A_567 = arith.constant 80 : index
        %swap3A_568 = tpu.vector_load %arg11[%swap3A_566, %swap3A_567] {strides = array<i32>} : memref<128x128xf32, #tpu.memory_space<vmem>>, vector<1x16xf32>,
        %swap3A_569 = vector.shape_cast %swap3A_568 : vector<1x16xf32> to vector<16xf32>
        %swap3A_570 = vector.shape_cast %mul3A_565 : vector<16xf32> to vector<1x16xf32>
        tpu.vector_store %arg11[%swap3A_566, %swap3A_567], %swap3A_570 {strides = array<i32>} : memref<128x128xf32, #tpu.memory_space<vmem>>, vector<1x16xf32>,
        %get3A_571 = arith.index_cast %add3A_504 : i32 to index
        %get3A_572 = arith.constant 96 : index
        %get3A_573 = tpu.vector_load %arg11[%get3A_571, %get3A_572] {strides = array<i32>} : memref<128x128xf32, #tpu.memory_space<vmem>>, vector<1x16xf32>,
        %get3A_574 = vector.shape_cast %get3A_573 : vector<1x16xf32> to vector<16xf32>
        %mul3A_575 = vector.broadcast %squeeze3A_500 : f32 to vector<16xf32>
        %mul3A_576 = arith.mulf %get3A_574, %mul3A_575 : vector<16xf32>
        %swap3A_577 = arith.index_cast %add3A_504 : i32 to index
        %swap3A_578 = arith.constant 96 : index
        %swap3A_579 = tpu.vector_load %arg11[%swap3A_577, %swap3A_578] {strides = array<i32>} : memref<128x128xf32, #tpu.memory_space<vmem>>, vector<1x16xf32>,
        %swap3A_580 = vector.shape_cast %swap3A_579 : vector<1x16xf32> to vector<16xf32>
        %swap3A_581 = vector.shape_cast %mul3A_576 : vector<16xf32> to vector<1x16xf32>
        tpu.vector_store %arg11[%swap3A_577, %swap3A_578], %swap3A_581 {strides = array<i32>} : memref<128x128xf32, #tpu.memory_space<vmem>>, vector<1x16xf32>,
        %get3A_582 = arith.index_cast %add3A_504 : i32 to index
        %get3A_583 = arith.constant 112 : index
        %get3A_584 = tpu.vector_load %arg11[%get3A_582, %get3A_583] {strides = array<i32>} : memref<128x128xf32, #tpu.memory_space<vmem>>, vector<1x16xf32>,
        %get3A_585 = vector.shape_cast %get3A_584 : vector<1x16xf32> to vector<16xf32>
        %mul3A_586 = vector.broadcast %squeeze3A_500 : f32 to vector<16xf32>
        %mul3A_587 = arith.mulf %get3A_585, %mul3A_586 : vector<16xf32>
        %swap3A_588 = arith.index_cast %add3A_504 : i32 to index
        %swap3A_589 = arith.constant 112 : index
        %swap3A_590 = tpu.vector_load %arg11[%swap3A_588, %swap3A_589] {strides = array<i32>} : memref<128x128xf32, #tpu.memory_space<vmem>>, vector<1x16xf32>,
        %swap3A_591 = vector.shape_cast %swap3A_590 : vector<1x16xf32> to vector<16xf32>
        %swap3A_592 = vector.shape_cast %mul3A_587 : vector<16xf32> to vector<1x16xf32>
        tpu.vector_store %arg11[%swap3A_588, %swap3A_589], %swap3A_592 {strides = array<i32>} : memref<128x128xf32, #tpu.memory_space<vmem>>, vector<1x16xf32>,
        %slice3A_593 = vector.extract_strided_slice %get3A_31 {offsets = [6], sizes = [1], strides = [1]} : vector<16xf32> to vector<1xf32>
        %squeeze3A_594 = vector.extract %slice3A_593[0] : f32 from vector<1xf32>
        %mul3A_595 = arith.constant 16 : i32
        %mul3A_596 = arith.muli %scan3A_26, %mul3A_595 : i32
        %add3A_597 = arith.constant 6 : i32
        %add3A_598 = arith.addi %mul3A_596, %add3A_597 : i32
        %get3A_599 = arith.index_cast %add3A_598 : i32 to index
        %get3A_600 = arith.constant 0 : index
        %get3A_601 = tpu.vector_load %arg11[%get3A_599, %get3A_600] {strides = array<i32>} : memref<128x128xf32, #tpu.memory_space<vmem>>, vector<1x16xf32>,
        %get3A_602 = vector.shape_cast %get3A_601 : vector<1x16xf32> to vector<16xf32>
        %mul3A_603 = vector.broadcast %squeeze3A_594 : f32 to vector<16xf32>
        %mul3A_604 = arith.mulf %get3A_602, %mul3A_603 : vector<16xf32>
        %swap3A_605 = arith.index_cast %add3A_598 : i32 to index
        %swap3A_606 = arith.constant 0 : index
        %swap3A_607 = tpu.vector_load %arg11[%swap3A_605, %swap3A_606] {strides = array<i32>} : memref<128x128xf32, #tpu.memory_space<vmem>>, vector<1x16xf32>,
        %swap3A_608 = vector.shape_cast %swap3A_607 : vector<1x16xf32> to vector<16xf32>
        %swap3A_609 = vector.shape_cast %mul3A_604 : vector<16xf32> to vector<1x16xf32>
        tpu.vector_store %arg11[%swap3A_605, %swap3A_606], %swap3A_609 {strides = array<i32>} : memref<128x128xf32, #tpu.memory_space<vmem>>, vector<1x16xf32>,
        %get3A_610 = arith.index_cast %add3A_598 : i32 to index
        %get3A_611 = arith.constant 16 : index
        %get3A_612 = tpu.vector_load %arg11[%get3A_610, %get3A_611] {strides = array<i32>} : memref<128x128xf32, #tpu.memory_space<vmem>>, vector<1x16xf32>,
        %get3A_613 = vector.shape_cast %get3A_612 : vector<1x16xf32> to vector<16xf32>
        %mul3A_614 = vector.broadcast %squeeze3A_594 : f32 to vector<16xf32>
        %mul3A_615 = arith.mulf %get3A_613, %mul3A_614 : vector<16xf32>
        %swap3A_616 = arith.index_cast %add3A_598 : i32 to index
        %swap3A_617 = arith.constant 16 : index
        %swap3A_618 = tpu.vector_load %arg11[%swap3A_616, %swap3A_617] {strides = array<i32>} : memref<128x128xf32, #tpu.memory_space<vmem>>, vector<1x16xf32>,
        %swap3A_619 = vector.shape_cast %swap3A_618 : vector<1x16xf32> to vector<16xf32>
        %swap3A_620 = vector.shape_cast %mul3A_615 : vector<16xf32> to vector<1x16xf32>
        tpu.vector_store %arg11[%swap3A_616, %swap3A_617], %swap3A_620 {strides = array<i32>} : memref<128x128xf32, #tpu.memory_space<vmem>>, vector<1x16xf32>,
        %get3A_621 = arith.index_cast %add3A_598 : i32 to index
        %get3A_622 = arith.constant 32 : index
        %get3A_623 = tpu.vector_load %arg11[%get3A_621, %get3A_622] {strides = array<i32>} : memref<128x128xf32, #tpu.memory_space<vmem>>, vector<1x16xf32>,
        %get3A_624 = vector.shape_cast %get3A_623 : vector<1x16xf32> to vector<16xf32>
        %mul3A_625 = vector.broadcast %squeeze3A_594 : f32 to vector<16xf32>
        %mul3A_626 = arith.mulf %get3A_624, %mul3A_625 : vector<16xf32>
        %swap3A_627 = arith.index_cast %add3A_598 : i32 to index
        %swap3A_628 = arith.constant 32 : index
        %swap3A_629 = tpu.vector_load %arg11[%swap3A_627, %swap3A_628] {strides = array<i32>} : memref<128x128xf32, #tpu.memory_space<vmem>>, vector<1x16xf32>,
        %swap3A_630 = vector.shape_cast %swap3A_629 : vector<1x16xf32> to vector<16xf32>
        %swap3A_631 = vector.shape_cast %mul3A_626 : vector<16xf32> to vector<1x16xf32>
        tpu.vector_store %arg11[%swap3A_627, %swap3A_628], %swap3A_631 {strides = array<i32>} : memref<128x128xf32, #tpu.memory_space<vmem>>, vector<1x16xf32>,
        %get3A_632 = arith.index_cast %add3A_598 : i32 to index
        %get3A_633 = arith.constant 48 : index
        %get3A_634 = tpu.vector_load %arg11[%get3A_632, %get3A_633] {strides = array<i32>} : memref<128x128xf32, #tpu.memory_space<vmem>>, vector<1x16xf32>,
        %get3A_635 = vector.shape_cast %get3A_634 : vector<1x16xf32> to vector<16xf32>
        %mul3A_636 = vector.broadcast %squeeze3A_594 : f32 to vector<16xf32>
        %mul3A_637 = arith.mulf %get3A_635, %mul3A_636 : vector<16xf32>
        %swap3A_638 = arith.index_cast %add3A_598 : i32 to index
        %swap3A_639 = arith.constant 48 : index
        %swap3A_640 = tpu.vector_load %arg11[%swap3A_638, %swap3A_639] {strides = array<i32>} : memref<128x128xf32, #tpu.memory_space<vmem>>, vector<1x16xf32>,
        %swap3A_641 = vector.shape_cast %swap3A_640 : vector<1x16xf32> to vector<16xf32>
        %swap3A_642 = vector.shape_cast %mul3A_637 : vector<16xf32> to vector<1x16xf32>
        tpu.vector_store %arg11[%swap3A_638, %swap3A_639], %swap3A_642 {strides = array<i32>} : memref<128x128xf32, #tpu.memory_space<vmem>>, vector<1x16xf32>,
        %get3A_643 = arith.index_cast %add3A_598 : i32 to index
        %get3A_644 = arith.constant 64 : index
        %get3A_645 = tpu.vector_load %arg11[%get3A_643, %get3A_644] {strides = array<i32>} : memref<128x128xf32, #tpu.memory_space<vmem>>, vector<1x16xf32>,
        %get3A_646 = vector.shape_cast %get3A_645 : vector<1x16xf32> to vector<16xf32>
        %mul3A_647 = vector.broadcast %squeeze3A_594 : f32 to vector<16xf32>
        %mul3A_648 = arith.mulf %get3A_646, %mul3A_647 : vector<16xf32>
        %swap3A_649 = arith.index_cast %add3A_598 : i32 to index
        %swap3A_650 = arith.constant 64 : index
        %swap3A_651 = tpu.vector_load %arg11[%swap3A_649, %swap3A_650] {strides = array<i32>} : memref<128x128xf32, #tpu.memory_space<vmem>>, vector<1x16xf32>,
        %swap3A_652 = vector.shape_cast %swap3A_651 : vector<1x16xf32> to vector<16xf32>
        %swap3A_653 = vector.shape_cast %mul3A_648 : vector<16xf32> to vector<1x16xf32>
        tpu.vector_store %arg11[%swap3A_649, %swap3A_650], %swap3A_653 {strides = array<i32>} : memref<128x128xf32, #tpu.memory_space<vmem>>, vector<1x16xf32>,
        %get3A_654 = arith.index_cast %add3A_598 : i32 to index
        %get3A_655 = arith.constant 80 : index
        %get3A_656 = tpu.vector_load %arg11[%get3A_654, %get3A_655] {strides = array<i32>} : memref<128x128xf32, #tpu.memory_space<vmem>>, vector<1x16xf32>,
        %get3A_657 = vector.shape_cast %get3A_656 : vector<1x16xf32> to vector<16xf32>
        %mul3A_658 = vector.broadcast %squeeze3A_594 : f32 to vector<16xf32>
        %mul3A_659 = arith.mulf %get3A_657, %mul3A_658 : vector<16xf32>
        %swap3A_660 = arith.index_cast %add3A_598 : i32 to index
        %swap3A_661 = arith.constant 80 : index
        %swap3A_662 = tpu.vector_load %arg11[%swap3A_660, %swap3A_661] {strides = array<i32>} : memref<128x128xf32, #tpu.memory_space<vmem>>, vector<1x16xf32>,
        %swap3A_663 = vector.shape_cast %swap3A_662 : vector<1x16xf32> to vector<16xf32>
        %swap3A_664 = vector.shape_cast %mul3A_659 : vector<16xf32> to vector<1x16xf32>
        tpu.vector_store %arg11[%swap3A_660, %swap3A_661], %swap3A_664 {strides = array<i32>} : memref<128x128xf32, #tpu.memory_space<vmem>>, vector<1x16xf32>,
        %get3A_665 = arith.index_cast %add3A_598 : i32 to index
        %get3A_666 = arith.constant 96 : index
        %get3A_667 = tpu.vector_load %arg11[%get3A_665, %get3A_666] {strides = array<i32>} : memref<128x128xf32, #tpu.memory_space<vmem>>, vector<1x16xf32>,
        %get3A_668 = vector.shape_cast %get3A_667 : vector<1x16xf32> to vector<16xf32>
        %mul3A_669 = vector.broadcast %squeeze3A_594 : f32 to vector<16xf32>
        %mul3A_670 = arith.mulf %get3A_668, %mul3A_669 : vector<16xf32>
        %swap3A_671 = arith.index_cast %add3A_598 : i32 to index
        %swap3A_672 = arith.constant 96 : index
        %swap3A_673 = tpu.vector_load %arg11[%swap3A_671, %swap3A_672] {strides = array<i32>} : memref<128x128xf32, #tpu.memory_space<vmem>>, vector<1x16xf32>,
        %swap3A_674 = vector.shape_cast %swap3A_673 : vector<1x16xf32> to vector<16xf32>
        %swap3A_675 = vector.shape_cast %mul3A_670 : vector<16xf32> to vector<1x16xf32>
        tpu.vector_store %arg11[%swap3A_671, %swap3A_672], %swap3A_675 {strides = array<i32>} : memref<128x128xf32, #tpu.memory_space<vmem>>, vector<1x16xf32>,
        %get3A_676 = arith.index_cast %add3A_598 : i32 to index
        %get3A_677 = arith.constant 112 : index
        %get3A_678 = tpu.vector_load %arg11[%get3A_676, %get3A_677] {strides = array<i32>} : memref<128x128xf32, #tpu.memory_space<vmem>>, vector<1x16xf32>,
        %get3A_679 = vector.shape_cast %get3A_678 : vector<1x16xf32> to vector<16xf32>
        %mul3A_680 = vector.broadcast %squeeze3A_594 : f32 to vector<16xf32>
        %mul3A_681 = arith.mulf %get3A_679, %mul3A_680 : vector<16xf32>
        %swap3A_682 = arith.index_cast %add3A_598 : i32 to index
        %swap3A_683 = arith.constant 112 : index
        %swap3A_684 = tpu.vector_load %arg11[%swap3A_682, %swap3A_683] {strides = array<i32>} : memref<128x128xf32, #tpu.memory_space<vmem>>, vector<1x16xf32>,
        %swap3A_685 = vector.shape_cast %swap3A_684 : vector<1x16xf32> to vector<16xf32>
        %swap3A_686 = vector.shape_cast %mul3A_681 : vector<16xf32> to vector<1x16xf32>
        tpu.vector_store %arg11[%swap3A_682, %swap3A_683], %swap3A_686 {strides = array<i32>} : memref<128x128xf32, #tpu.memory_space<vmem>>, vector<1x16xf32>,
        %slice3A_687 = vector.extract_strided_slice %get3A_31 {offsets = [7], sizes = [1], strides = [1]} : vector<16xf32> to vector<1xf32>
        %squeeze3A_688 = vector.extract %slice3A_687[0] : f32 from vector<1xf32>
        %mul3A_689 = arith.constant 16 : i32
        %mul3A_690 = arith.muli %scan3A_26, %mul3A_689 : i32
        %add3A_691 = arith.constant 7 : i32
        %add3A_692 = arith.addi %mul3A_690, %add3A_691 : i32
        %get3A_693 = arith.index_cast %add3A_692 : i32 to index
        %get3A_694 = arith.constant 0 : index
        %get3A_695 = tpu.vector_load %arg11[%get3A_693, %get3A_694] {strides = array<i32>} : memref<128x128xf32, #tpu.memory_space<vmem>>, vector<1x16xf32>,
        %get3A_696 = vector.shape_cast %get3A_695 : vector<1x16xf32> to vector<16xf32>
        %mul3A_697 = vector.broadcast %squeeze3A_688 : f32 to vector<16xf32>
        %mul3A_698 = arith.mulf %get3A_696, %mul3A_697 : vector<16xf32>
        %swap3A_699 = arith.index_cast %add3A_692 : i32 to index
        %swap3A_700 = arith.constant 0 : index
        %swap3A_701 = tpu.vector_load %arg11[%swap3A_699, %swap3A_700] {strides = array<i32>} : memref<128x128xf32, #tpu.memory_space<vmem>>, vector<1x16xf32>,
        %swap3A_702 = vector.shape_cast %swap3A_701 : vector<1x16xf32> to vector<16xf32>
        %swap3A_703 = vector.shape_cast %mul3A_698 : vector<16xf32> to vector<1x16xf32>
        tpu.vector_store %arg11[%swap3A_699, %swap3A_700], %swap3A_703 {strides = array<i32>} : memref<128x128xf32, #tpu.memory_space<vmem>>, vector<1x16xf32>,
        %get3A_704 = arith.index_cast %add3A_692 : i32 to index
        %get3A_705 = arith.constant 16 : index
        %get3A_706 = tpu.vector_load %arg11[%get3A_704, %get3A_705] {strides = array<i32>} : memref<128x128xf32, #tpu.memory_space<vmem>>, vector<1x16xf32>,
        %get3A_707 = vector.shape_cast %get3A_706 : vector<1x16xf32> to vector<16xf32>
        %mul3A_708 = vector.broadcast %squeeze3A_688 : f32 to vector<16xf32>
        %mul3A_709 = arith.mulf %get3A_707, %mul3A_708 : vector<16xf32>
        %swap3A_710 = arith.index_cast %add3A_692 : i32 to index
        %swap3A_711 = arith.constant 16 : index
        %swap3A_712 = tpu.vector_load %arg11[%swap3A_710, %swap3A_711] {strides = array<i32>} : memref<128x128xf32, #tpu.memory_space<vmem>>, vector<1x16xf32>,
        %swap3A_713 = vector.shape_cast %swap3A_712 : vector<1x16xf32> to vector<16xf32>
        %swap3A_714 = vector.shape_cast %mul3A_709 : vector<16xf32> to vector<1x16xf32>
        tpu.vector_store %arg11[%swap3A_710, %swap3A_711], %swap3A_714 {strides = array<i32>} : memref<128x128xf32, #tpu.memory_space<vmem>>, vector<1x16xf32>,
        %get3A_715 = arith.index_cast %add3A_692 : i32 to index
        %get3A_716 = arith.constant 32 : index
        %get3A_717 = tpu.vector_load %arg11[%get3A_715, %get3A_716] {strides = array<i32>} : memref<128x128xf32, #tpu.memory_space<vmem>>, vector<1x16xf32>,
        %get3A_718 = vector.shape_cast %get3A_717 : vector<1x16xf32> to vector<16xf32>
        %mul3A_719 = vector.broadcast %squeeze3A_688 : f32 to vector<16xf32>
        %mul3A_720 = arith.mulf %get3A_718, %mul3A_719 : vector<16xf32>
        %swap3A_721 = arith.index_cast %add3A_692 : i32 to index
        %swap3A_722 = arith.constant 32 : index
        %swap3A_723 = tpu.vector_load %arg11[%swap3A_721, %swap3A_722] {strides = array<i32>} : memref<128x128xf32, #tpu.memory_space<vmem>>, vector<1x16xf32>,
        %swap3A_724 = vector.shape_cast %swap3A_723 : vector<1x16xf32> to vector<16xf32>
        %swap3A_725 = vector.shape_cast %mul3A_720 : vector<16xf32> to vector<1x16xf32>
        tpu.vector_store %arg11[%swap3A_721, %swap3A_722], %swap3A_725 {strides = array<i32>} : memref<128x128xf32, #tpu.memory_space<vmem>>, vector<1x16xf32>,
        %get3A_726 = arith.index_cast %add3A_692 : i32 to index
        %get3A_727 = arith.constant 48 : index
        %get3A_728 = tpu.vector_load %arg11[%get3A_726, %get3A_727] {strides = array<i32>} : memref<128x128xf32, #tpu.memory_space<vmem>>, vector<1x16xf32>,
        %get3A_729 = vector.shape_cast %get3A_728 : vector<1x16xf32> to vector<16xf32>
        %mul3A_730 = vector.broadcast %squeeze3A_688 : f32 to vector<16xf32>
        %mul3A_731 = arith.mulf %get3A_729, %mul3A_730 : vector<16xf32>
        %swap3A_732 = arith.index_cast %add3A_692 : i32 to index
        %swap3A_733 = arith.constant 48 : index
        %swap3A_734 = tpu.vector_load %arg11[%swap3A_732, %swap3A_733] {strides = array<i32>} : memref<128x128xf32, #tpu.memory_space<vmem>>, vector<1x16xf32>,
        %swap3A_735 = vector.shape_cast %swap3A_734 : vector<1x16xf32> to vector<16xf32>
        %swap3A_736 = vector.shape_cast %mul3A_731 : vector<16xf32> to vector<1x16xf32>
        tpu.vector_store %arg11[%swap3A_732, %swap3A_733], %swap3A_736 {strides = array<i32>} : memref<128x128xf32, #tpu.memory_space<vmem>>, vector<1x16xf32>,
        %get3A_737 = arith.index_cast %add3A_692 : i32 to index
        %get3A_738 = arith.constant 64 : index
        %get3A_739 = tpu.vector_load %arg11[%get3A_737, %get3A_738] {strides = array<i32>} : memref<128x128xf32, #tpu.memory_space<vmem>>, vector<1x16xf32>,
        %get3A_740 = vector.shape_cast %get3A_739 : vector<1x16xf32> to vector<16xf32>
        %mul3A_741 = vector.broadcast %squeeze3A_688 : f32 to vector<16xf32>
        %mul3A_742 = arith.mulf %get3A_740, %mul3A_741 : vector<16xf32>
        %swap3A_743 = arith.index_cast %add3A_692 : i32 to index
        %swap3A_744 = arith.constant 64 : index
        %swap3A_745 = tpu.vector_load %arg11[%swap3A_743, %swap3A_744] {strides = array<i32>} : memref<128x128xf32, #tpu.memory_space<vmem>>, vector<1x16xf32>,
        %swap3A_746 = vector.shape_cast %swap3A_745 : vector<1x16xf32> to vector<16xf32>
        %swap3A_747 = vector.shape_cast %mul3A_742 : vector<16xf32> to vector<1x16xf32>
        tpu.vector_store %arg11[%swap3A_743, %swap3A_744], %swap3A_747 {strides = array<i32>} : memref<128x128xf32, #tpu.memory_space<vmem>>, vector<1x16xf32>,
        %get3A_748 = arith.index_cast %add3A_692 : i32 to index
        %get3A_749 = arith.constant 80 : index
        %get3A_750 = tpu.vector_load %arg11[%get3A_748, %get3A_749] {strides = array<i32>} : memref<128x128xf32, #tpu.memory_space<vmem>>, vector<1x16xf32>,
        %get3A_751 = vector.shape_cast %get3A_750 : vector<1x16xf32> to vector<16xf32>
        %mul3A_752 = vector.broadcast %squeeze3A_688 : f32 to vector<16xf32>
        %mul3A_753 = arith.mulf %get3A_751, %mul3A_752 : vector<16xf32>
        %swap3A_754 = arith.index_cast %add3A_692 : i32 to index
        %swap3A_755 = arith.constant 80 : index
        %swap3A_756 = tpu.vector_load %arg11[%swap3A_754, %swap3A_755] {strides = array<i32>} : memref<128x128xf32, #tpu.memory_space<vmem>>, vector<1x16xf32>,
        %swap3A_757 = vector.shape_cast %swap3A_756 : vector<1x16xf32> to vector<16xf32>
        %swap3A_758 = vector.shape_cast %mul3A_753 : vector<16xf32> to vector<1x16xf32>
        tpu.vector_store %arg11[%swap3A_754, %swap3A_755], %swap3A_758 {strides = array<i32>} : memref<128x128xf32, #tpu.memory_space<vmem>>, vector<1x16xf32>,
        %get3A_759 = arith.index_cast %add3A_692 : i32 to index
        %get3A_760 = arith.constant 96 : index
        %get3A_761 = tpu.vector_load %arg11[%get3A_759, %get3A_760] {strides = array<i32>} : memref<128x128xf32, #tpu.memory_space<vmem>>, vector<1x16xf32>,
        %get3A_762 = vector.shape_cast %get3A_761 : vector<1x16xf32> to vector<16xf32>
        %mul3A_763 = vector.broadcast %squeeze3A_688 : f32 to vector<16xf32>
        %mul3A_764 = arith.mulf %get3A_762, %mul3A_763 : vector<16xf32>
        %swap3A_765 = arith.index_cast %add3A_692 : i32 to index
        %swap3A_766 = arith.constant 96 : index
        %swap3A_767 = tpu.vector_load %arg11[%swap3A_765, %swap3A_766] {strides = array<i32>} : memref<128x128xf32, #tpu.memory_space<vmem>>, vector<1x16xf32>,
        %swap3A_768 = vector.shape_cast %swap3A_767 : vector<1x16xf32> to vector<16xf32>
        %swap3A_769 = vector.shape_cast %mul3A_764 : vector<16xf32> to vector<1x16xf32>
        tpu.vector_store %arg11[%swap3A_765, %swap3A_766], %swap3A_769 {strides = array<i32>} : memref<128x128xf32, #tpu.memory_space<vmem>>, vector<1x16xf32>,
        %get3A_770 = arith.index_cast %add3A_692 : i32 to index
        %get3A_771 = arith.constant 112 : index
        %get3A_772 = tpu.vector_load %arg11[%get3A_770, %get3A_771] {strides = array<i32>} : memref<128x128xf32, #tpu.memory_space<vmem>>, vector<1x16xf32>,
        %get3A_773 = vector.shape_cast %get3A_772 : vector<1x16xf32> to vector<16xf32>
        %mul3A_774 = vector.broadcast %squeeze3A_688 : f32 to vector<16xf32>
        %mul3A_775 = arith.mulf %get3A_773, %mul3A_774 : vector<16xf32>
        %swap3A_776 = arith.index_cast %add3A_692 : i32 to index
        %swap3A_777 = arith.constant 112 : index
        %swap3A_778 = tpu.vector_load %arg11[%swap3A_776, %swap3A_777] {strides = array<i32>} : memref<128x128xf32, #tpu.memory_space<vmem>>, vector<1x16xf32>,
        %swap3A_779 = vector.shape_cast %swap3A_778 : vector<1x16xf32> to vector<16xf32>
        %swap3A_780 = vector.shape_cast %mul3A_775 : vector<16xf32> to vector<1x16xf32>
        tpu.vector_store %arg11[%swap3A_776, %swap3A_777], %swap3A_780 {strides = array<i32>} : memref<128x128xf32, #tpu.memory_space<vmem>>, vector<1x16xf32>,
        %slice3A_781 = vector.extract_strided_slice %get3A_31 {offsets = [8], sizes = [1], strides = [1]} : vector<16xf32> to vector<1xf32>
        %squeeze3A_782 = vector.extract %slice3A_781[0] : f32 from vector<1xf32>
        %mul3A_783 = arith.constant 16 : i32
        %mul3A_784 = arith.muli %scan3A_26, %mul3A_783 : i32
        %add3A_785 = arith.constant 8 : i32
        %add3A_786 = arith.addi %mul3A_784, %add3A_785 : i32
        %get3A_787 = arith.index_cast %add3A_786 : i32 to index
        %get3A_788 = arith.constant 0 : index
        %get3A_789 = tpu.vector_load %arg11[%get3A_787, %get3A_788] {strides = array<i32>} : memref<128x128xf32, #tpu.memory_space<vmem>>, vector<1x16xf32>,
        %get3A_790 = vector.shape_cast %get3A_789 : vector<1x16xf32> to vector<16xf32>
        %mul3A_791 = vector.broadcast %squeeze3A_782 : f32 to vector<16xf32>
        %mul3A_792 = arith.mulf %get3A_790, %mul3A_791 : vector<16xf32>
        %swap3A_793 = arith.index_cast %add3A_786 : i32 to index
        %swap3A_794 = arith.constant 0 : index
        %swap3A_795 = tpu.vector_load %arg11[%swap3A_793, %swap3A_794] {strides = array<i32>} : memref<128x128xf32, #tpu.memory_space<vmem>>, vector<1x16xf32>,
        %swap3A_796 = vector.shape_cast %swap3A_795 : vector<1x16xf32> to vector<16xf32>
        %swap3A_797 = vector.shape_cast %mul3A_792 : vector<16xf32> to vector<1x16xf32>
        tpu.vector_store %arg11[%swap3A_793, %swap3A_794], %swap3A_797 {strides = array<i32>} : memref<128x128xf32, #tpu.memory_space<vmem>>, vector<1x16xf32>,
        %get3A_798 = arith.index_cast %add3A_786 : i32 to index
        %get3A_799 = arith.constant 16 : index
        %get3A_800 = tpu.vector_load %arg11[%get3A_798, %get3A_799] {strides = array<i32>} : memref<128x128xf32, #tpu.memory_space<vmem>>, vector<1x16xf32>,
        %get3A_801 = vector.shape_cast %get3A_800 : vector<1x16xf32> to vector<16xf32>
        %mul3A_802 = vector.broadcast %squeeze3A_782 : f32 to vector<16xf32>
        %mul3A_803 = arith.mulf %get3A_801, %mul3A_802 : vector<16xf32>
        %swap3A_804 = arith.index_cast %add3A_786 : i32 to index
        %swap3A_805 = arith.constant 16 : index
        %swap3A_806 = tpu.vector_load %arg11[%swap3A_804, %swap3A_805] {strides = array<i32>} : memref<128x128xf32, #tpu.memory_space<vmem>>, vector<1x16xf32>,
        %swap3A_807 = vector.shape_cast %swap3A_806 : vector<1x16xf32> to vector<16xf32>
        %swap3A_808 = vector.shape_cast %mul3A_803 : vector<16xf32> to vector<1x16xf32>
        tpu.vector_store %arg11[%swap3A_804, %swap3A_805], %swap3A_808 {strides = array<i32>} : memref<128x128xf32, #tpu.memory_space<vmem>>, vector<1x16xf32>,
        %get3A_809 = arith.index_cast %add3A_786 : i32 to index
        %get3A_810 = arith.constant 32 : index
        %get3A_811 = tpu.vector_load %arg11[%get3A_809, %get3A_810] {strides = array<i32>} : memref<128x128xf32, #tpu.memory_space<vmem>>, vector<1x16xf32>,
        %get3A_812 = vector.shape_cast %get3A_811 : vector<1x16xf32> to vector<16xf32>
        %mul3A_813 = vector.broadcast %squeeze3A_782 : f32 to vector<16xf32>
        %mul3A_814 = arith.mulf %get3A_812, %mul3A_813 : vector<16xf32>
        %swap3A_815 = arith.index_cast %add3A_786 : i32 to index
        %swap3A_816 = arith.constant 32 : index
        %swap3A_817 = tpu.vector_load %arg11[%swap3A_815, %swap3A_816] {strides = array<i32>} : memref<128x128xf32, #tpu.memory_space<vmem>>, vector<1x16xf32>,
        %swap3A_818 = vector.shape_cast %swap3A_817 : vector<1x16xf32> to vector<16xf32>
        %swap3A_819 = vector.shape_cast %mul3A_814 : vector<16xf32> to vector<1x16xf32>
        tpu.vector_store %arg11[%swap3A_815, %swap3A_816], %swap3A_819 {strides = array<i32>} : memref<128x128xf32, #tpu.memory_space<vmem>>, vector<1x16xf32>,
        %get3A_820 = arith.index_cast %add3A_786 : i32 to index
        %get3A_821 = arith.constant 48 : index
        %get3A_822 = tpu.vector_load %arg11[%get3A_820, %get3A_821] {strides = array<i32>} : memref<128x128xf32, #tpu.memory_space<vmem>>, vector<1x16xf32>,
        %get3A_823 = vector.shape_cast %get3A_822 : vector<1x16xf32> to vector<16xf32>
        %mul3A_824 = vector.broadcast %squeeze3A_782 : f32 to vector<16xf32>
        %mul3A_825 = arith.mulf %get3A_823, %mul3A_824 : vector<16xf32>
        %swap3A_826 = arith.index_cast %add3A_786 : i32 to index
        %swap3A_827 = arith.constant 48 : index
        %swap3A_828 = tpu.vector_load %arg11[%swap3A_826, %swap3A_827] {strides = array<i32>} : memref<128x128xf32, #tpu.memory_space<vmem>>, vector<1x16xf32>,
        %swap3A_829 = vector.shape_cast %swap3A_828 : vector<1x16xf32> to vector<16xf32>
        %swap3A_830 = vector.shape_cast %mul3A_825 : vector<16xf32> to vector<1x16xf32>
        tpu.vector_store %arg11[%swap3A_826, %swap3A_827], %swap3A_830 {strides = array<i32>} : memref<128x128xf32, #tpu.memory_space<vmem>>, vector<1x16xf32>,
        %get3A_831 = arith.index_cast %add3A_786 : i32 to index
        %get3A_832 = arith.constant 64 : index
        %get3A_833 = tpu.vector_load %arg11[%get3A_831, %get3A_832] {strides = array<i32>} : memref<128x128xf32, #tpu.memory_space<vmem>>, vector<1x16xf32>,
        %get3A_834 = vector.shape_cast %get3A_833 : vector<1x16xf32> to vector<16xf32>
        %mul3A_835 = vector.broadcast %squeeze3A_782 : f32 to vector<16xf32>
        %mul3A_836 = arith.mulf %get3A_834, %mul3A_835 : vector<16xf32>
        %swap3A_837 = arith.index_cast %add3A_786 : i32 to index
        %swap3A_838 = arith.constant 64 : index
        %swap3A_839 = tpu.vector_load %arg11[%swap3A_837, %swap3A_838] {strides = array<i32>} : memref<128x128xf32, #tpu.memory_space<vmem>>, vector<1x16xf32>,
        %swap3A_840 = vector.shape_cast %swap3A_839 : vector<1x16xf32> to vector<16xf32>
        %swap3A_841 = vector.shape_cast %mul3A_836 : vector<16xf32> to vector<1x16xf32>
        tpu.vector_store %arg11[%swap3A_837, %swap3A_838], %swap3A_841 {strides = array<i32>} : memref<128x128xf32, #tpu.memory_space<vmem>>, vector<1x16xf32>,
        %get3A_842 = arith.index_cast %add3A_786 : i32 to index
        %get3A_843 = arith.constant 80 : index
        %get3A_844 = tpu.vector_load %arg11[%get3A_842, %get3A_843] {strides = array<i32>} : memref<128x128xf32, #tpu.memory_space<vmem>>, vector<1x16xf32>,
        %get3A_845 = vector.shape_cast %get3A_844 : vector<1x16xf32> to vector<16xf32>
        %mul3A_846 = vector.broadcast %squeeze3A_782 : f32 to vector<16xf32>
        %mul3A_847 = arith.mulf %get3A_845, %mul3A_846 : vector<16xf32>
        %swap3A_848 = arith.index_cast %add3A_786 : i32 to index
        %swap3A_849 = arith.constant 80 : index
        %swap3A_850 = tpu.vector_load %arg11[%swap3A_848, %swap3A_849] {strides = array<i32>} : memref<128x128xf32, #tpu.memory_space<vmem>>, vector<1x16xf32>,
        %swap3A_851 = vector.shape_cast %swap3A_850 : vector<1x16xf32> to vector<16xf32>
        %swap3A_852 = vector.shape_cast %mul3A_847 : vector<16xf32> to vector<1x16xf32>
        tpu.vector_store %arg11[%swap3A_848, %swap3A_849], %swap3A_852 {strides = array<i32>} : memref<128x128xf32, #tpu.memory_space<vmem>>, vector<1x16xf32>,
        %get3A_853 = arith.index_cast %add3A_786 : i32 to index
        %get3A_854 = arith.constant 96 : index
        %get3A_855 = tpu.vector_load %arg11[%get3A_853, %get3A_854] {strides = array<i32>} : memref<128x128xf32, #tpu.memory_space<vmem>>, vector<1x16xf32>,
        %get3A_856 = vector.shape_cast %get3A_855 : vector<1x16xf32> to vector<16xf32>
        %mul3A_857 = vector.broadcast %squeeze3A_782 : f32 to vector<16xf32>
        %mul3A_858 = arith.mulf %get3A_856, %mul3A_857 : vector<16xf32>
        %swap3A_859 = arith.index_cast %add3A_786 : i32 to index
        %swap3A_860 = arith.constant 96 : index
        %swap3A_861 = tpu.vector_load %arg11[%swap3A_859, %swap3A_860] {strides = array<i32>} : memref<128x128xf32, #tpu.memory_space<vmem>>, vector<1x16xf32>,
        %swap3A_862 = vector.shape_cast %swap3A_861 : vector<1x16xf32> to vector<16xf32>
        %swap3A_863 = vector.shape_cast %mul3A_858 : vector<16xf32> to vector<1x16xf32>
        tpu.vector_store %arg11[%swap3A_859, %swap3A_860], %swap3A_863 {strides = array<i32>} : memref<128x128xf32, #tpu.memory_space<vmem>>, vector<1x16xf32>,
        %get3A_864 = arith.index_cast %add3A_786 : i32 to index
        %get3A_865 = arith.constant 112 : index
        %get3A_866 = tpu.vector_load %arg11[%get3A_864, %get3A_865] {strides = array<i32>} : memref<128x128xf32, #tpu.memory_space<vmem>>, vector<1x16xf32>,
        %get3A_867 = vector.shape_cast %get3A_866 : vector<1x16xf32> to vector<16xf32>
        %mul3A_868 = vector.broadcast %squeeze3A_782 : f32 to vector<16xf32>
        %mul3A_869 = arith.mulf %get3A_867, %mul3A_868 : vector<16xf32>
        %swap3A_870 = arith.index_cast %add3A_786 : i32 to index
        %swap3A_871 = arith.constant 112 : index
        %swap3A_872 = tpu.vector_load %arg11[%swap3A_870, %swap3A_871] {strides = array<i32>} : memref<128x128xf32, #tpu.memory_space<vmem>>, vector<1x16xf32>,
        %swap3A_873 = vector.shape_cast %swap3A_872 : vector<1x16xf32> to vector<16xf32>
        %swap3A_874 = vector.shape_cast %mul3A_869 : vector<16xf32> to vector<1x16xf32>
        tpu.vector_store %arg11[%swap3A_870, %swap3A_871], %swap3A_874 {strides = array<i32>} : memref<128x128xf32, #tpu.memory_space<vmem>>, vector<1x16xf32>,
        %slice3A_875 = vector.extract_strided_slice %get3A_31 {offsets = [9], sizes = [1], strides = [1]} : vector<16xf32> to vector<1xf32>
        %squeeze3A_876 = vector.extract %slice3A_875[0] : f32 from vector<1xf32>
        %mul3A_877 = arith.constant 16 : i32
        %mul3A_878 = arith.muli %scan3A_26, %mul3A_877 : i32
        %add3A_879 = arith.constant 9 : i32
        %add3A_880 = arith.addi %mul3A_878, %add3A_879 : i32
        %get3A_881 = arith.index_cast %add3A_880 : i32 to index
        %get3A_882 = arith.constant 0 : index
        %get3A_883 = tpu.vector_load %arg11[%get3A_881, %get3A_882] {strides = array<i32>} : memref<128x128xf32, #tpu.memory_space<vmem>>, vector<1x16xf32>,
        %get3A_884 = vector.shape_cast %get3A_883 : vector<1x16xf32> to vector<16xf32>
        %mul3A_885 = vector.broadcast %squeeze3A_876 : f32 to vector<16xf32>
        %mul3A_886 = arith.mulf %get3A_884, %mul3A_885 : vector<16xf32>
        %swap3A_887 = arith.index_cast %add3A_880 : i32 to index
        %swap3A_888 = arith.constant 0 : index
        %swap3A_889 = tpu.vector_load %arg11[%swap3A_887, %swap3A_888] {strides = array<i32>} : memref<128x128xf32, #tpu.memory_space<vmem>>, vector<1x16xf32>,
        %swap3A_890 = vector.shape_cast %swap3A_889 : vector<1x16xf32> to vector<16xf32>
        %swap3A_891 = vector.shape_cast %mul3A_886 : vector<16xf32> to vector<1x16xf32>
        tpu.vector_store %arg11[%swap3A_887, %swap3A_888], %swap3A_891 {strides = array<i32>} : memref<128x128xf32, #tpu.memory_space<vmem>>, vector<1x16xf32>,
        %get3A_892 = arith.index_cast %add3A_880 : i32 to index
        %get3A_893 = arith.constant 16 : index
        %get3A_894 = tpu.vector_load %arg11[%get3A_892, %get3A_893] {strides = array<i32>} : memref<128x128xf32, #tpu.memory_space<vmem>>, vector<1x16xf32>,
        %get3A_895 = vector.shape_cast %get3A_894 : vector<1x16xf32> to vector<16xf32>
        %mul3A_896 = vector.broadcast %squeeze3A_876 : f32 to vector<16xf32>
        %mul3A_897 = arith.mulf %get3A_895, %mul3A_896 : vector<16xf32>
        %swap3A_898 = arith.index_cast %add3A_880 : i32 to index
        %swap3A_899 = arith.constant 16 : index
        %swap3A_900 = tpu.vector_load %arg11[%swap3A_898, %swap3A_899] {strides = array<i32>} : memref<128x128xf32, #tpu.memory_space<vmem>>, vector<1x16xf32>,
        %swap3A_901 = vector.shape_cast %swap3A_900 : vector<1x16xf32> to vector<16xf32>
        %swap3A_902 = vector.shape_cast %mul3A_897 : vector<16xf32> to vector<1x16xf32>
        tpu.vector_store %arg11[%swap3A_898, %swap3A_899], %swap3A_902 {strides = array<i32>} : memref<128x128xf32, #tpu.memory_space<vmem>>, vector<1x16xf32>,
        %get3A_903 = arith.index_cast %add3A_880 : i32 to index
        %get3A_904 = arith.constant 32 : index
        %get3A_905 = tpu.vector_load %arg11[%get3A_903, %get3A_904] {strides = array<i32>} : memref<128x128xf32, #tpu.memory_space<vmem>>, vector<1x16xf32>,
        %get3A_906 = vector.shape_cast %get3A_905 : vector<1x16xf32> to vector<16xf32>
        %mul3A_907 = vector.broadcast %squeeze3A_876 : f32 to vector<16xf32>
        %mul3A_908 = arith.mulf %get3A_906, %mul3A_907 : vector<16xf32>
        %swap3A_909 = arith.index_cast %add3A_880 : i32 to index
        %swap3A_910 = arith.constant 32 : index
        %swap3A_911 = tpu.vector_load %arg11[%swap3A_909, %swap3A_910] {strides = array<i32>} : memref<128x128xf32, #tpu.memory_space<vmem>>, vector<1x16xf32>,
        %swap3A_912 = vector.shape_cast %swap3A_911 : vector<1x16xf32> to vector<16xf32>
        %swap3A_913 = vector.shape_cast %mul3A_908 : vector<16xf32> to vector<1x16xf32>
        tpu.vector_store %arg11[%swap3A_909, %swap3A_910], %swap3A_913 {strides = array<i32>} : memref<128x128xf32, #tpu.memory_space<vmem>>, vector<1x16xf32>,
        %get3A_914 = arith.index_cast %add3A_880 : i32 to index
        %get3A_915 = arith.constant 48 : index
        %get3A_916 = tpu.vector_load %arg11[%get3A_914, %get3A_915] {strides = array<i32>} : memref<128x128xf32, #tpu.memory_space<vmem>>, vector<1x16xf32>,
        %get3A_917 = vector.shape_cast %get3A_916 : vector<1x16xf32> to vector<16xf32>
        %mul3A_918 = vector.broadcast %squeeze3A_876 : f32 to vector<16xf32>
        %mul3A_919 = arith.mulf %get3A_917, %mul3A_918 : vector<16xf32>
        %swap3A_920 = arith.index_cast %add3A_880 : i32 to index
        %swap3A_921 = arith.constant 48 : index
        %swap3A_922 = tpu.vector_load %arg11[%swap3A_920, %swap3A_921] {strides = array<i32>} : memref<128x128xf32, #tpu.memory_space<vmem>>, vector<1x16xf32>,
        %swap3A_923 = vector.shape_cast %swap3A_922 : vector<1x16xf32> to vector<16xf32>
        %swap3A_924 = vector.shape_cast %mul3A_919 : vector<16xf32> to vector<1x16xf32>
        tpu.vector_store %arg11[%swap3A_920, %swap3A_921], %swap3A_924 {strides = array<i32>} : memref<128x128xf32, #tpu.memory_space<vmem>>, vector<1x16xf32>,
        %get3A_925 = arith.index_cast %add3A_880 : i32 to index
        %get3A_926 = arith.constant 64 : index
        %get3A_927 = tpu.vector_load %arg11[%get3A_925, %get3A_926] {strides = array<i32>} : memref<128x128xf32, #tpu.memory_space<vmem>>, vector<1x16xf32>,
        %get3A_928 = vector.shape_cast %get3A_927 : vector<1x16xf32> to vector<16xf32>
        %mul3A_929 = vector.broadcast %squeeze3A_876 : f32 to vector<16xf32>
        %mul3A_930 = arith.mulf %get3A_928, %mul3A_929 : vector<16xf32>
        %swap3A_931 = arith.index_cast %add3A_880 : i32 to index
        %swap3A_932 = arith.constant 64 : index
        %swap3A_933 = tpu.vector_load %arg11[%swap3A_931, %swap3A_932] {strides = array<i32>} : memref<128x128xf32, #tpu.memory_space<vmem>>, vector<1x16xf32>,
        %swap3A_934 = vector.shape_cast %swap3A_933 : vector<1x16xf32> to vector<16xf32>
        %swap3A_935 = vector.shape_cast %mul3A_930 : vector<16xf32> to vector<1x16xf32>
        tpu.vector_store %arg11[%swap3A_931, %swap3A_932], %swap3A_935 {strides = array<i32>} : memref<128x128xf32, #tpu.memory_space<vmem>>, vector<1x16xf32>,
        %get3A_936 = arith.index_cast %add3A_880 : i32 to index
        %get3A_937 = arith.constant 80 : index
        %get3A_938 = tpu.vector_load %arg11[%get3A_936, %get3A_937] {strides = array<i32>} : memref<128x128xf32, #tpu.memory_space<vmem>>, vector<1x16xf32>,
        %get3A_939 = vector.shape_cast %get3A_938 : vector<1x16xf32> to vector<16xf32>
        %mul3A_940 = vector.broadcast %squeeze3A_876 : f32 to vector<16xf32>
        %mul3A_941 = arith.mulf %get3A_939, %mul3A_940 : vector<16xf32>
        %swap3A_942 = arith.index_cast %add3A_880 : i32 to index
        %swap3A_943 = arith.constant 80 : index
        %swap3A_944 = tpu.vector_load %arg11[%swap3A_942, %swap3A_943] {strides = array<i32>} : memref<128x128xf32, #tpu.memory_space<vmem>>, vector<1x16xf32>,
        %swap3A_945 = vector.shape_cast %swap3A_944 : vector<1x16xf32> to vector<16xf32>
        %swap3A_946 = vector.shape_cast %mul3A_941 : vector<16xf32> to vector<1x16xf32>
        tpu.vector_store %arg11[%swap3A_942, %swap3A_943], %swap3A_946 {strides = array<i32>} : memref<128x128xf32, #tpu.memory_space<vmem>>, vector<1x16xf32>,
        %get3A_947 = arith.index_cast %add3A_880 : i32 to index
        %get3A_948 = arith.constant 96 : index
        %get3A_949 = tpu.vector_load %arg11[%get3A_947, %get3A_948] {strides = array<i32>} : memref<128x128xf32, #tpu.memory_space<vmem>>, vector<1x16xf32>,
        %get3A_950 = vector.shape_cast %get3A_949 : vector<1x16xf32> to vector<16xf32>
        %mul3A_951 = vector.broadcast %squeeze3A_876 : f32 to vector<16xf32>
        %mul3A_952 = arith.mulf %get3A_950, %mul3A_951 : vector<16xf32>
        %swap3A_953 = arith.index_cast %add3A_880 : i32 to index
        %swap3A_954 = arith.constant 96 : index
        %swap3A_955 = tpu.vector_load %arg11[%swap3A_953, %swap3A_954] {strides = array<i32>} : memref<128x128xf32, #tpu.memory_space<vmem>>, vector<1x16xf32>,
        %swap3A_956 = vector.shape_cast %swap3A_955 : vector<1x16xf32> to vector<16xf32>
        %swap3A_957 = vector.shape_cast %mul3A_952 : vector<16xf32> to vector<1x16xf32>
        tpu.vector_store %arg11[%swap3A_953, %swap3A_954], %swap3A_957 {strides = array<i32>} : memref<128x128xf32, #tpu.memory_space<vmem>>, vector<1x16xf32>,
        %get3A_958 = arith.index_cast %add3A_880 : i32 to index
        %get3A_959 = arith.constant 112 : index
        %get3A_960 = tpu.vector_load %arg11[%get3A_958, %get3A_959] {strides = array<i32>} : memref<128x128xf32, #tpu.memory_space<vmem>>, vector<1x16xf32>,
        %get3A_961 = vector.shape_cast %get3A_960 : vector<1x16xf32> to vector<16xf32>
        %mul3A_962 = vector.broadcast %squeeze3A_876 : f32 to vector<16xf32>
        %mul3A_963 = arith.mulf %get3A_961, %mul3A_962 : vector<16xf32>
        %swap3A_964 = arith.index_cast %add3A_880 : i32 to index
        %swap3A_965 = arith.constant 112 : index
        %swap3A_966 = tpu.vector_load %arg11[%swap3A_964, %swap3A_965] {strides = array<i32>} : memref<128x128xf32, #tpu.memory_space<vmem>>, vector<1x16xf32>,
        %swap3A_967 = vector.shape_cast %swap3A_966 : vector<1x16xf32> to vector<16xf32>
        %swap3A_968 = vector.shape_cast %mul3A_963 : vector<16xf32> to vector<1x16xf32>
        tpu.vector_store %arg11[%swap3A_964, %swap3A_965], %swap3A_968 {strides = array<i32>} : memref<128x128xf32, #tpu.memory_space<vmem>>, vector<1x16xf32>,
        %slice3A_969 = vector.extract_strided_slice %get3A_31 {offsets = [10], sizes = [1], strides = [1]} : vector<16xf32> to vector<1xf32>
        %squeeze3A_970 = vector.extract %slice3A_969[0] : f32 from vector<1xf32>
        %mul3A_971 = arith.constant 16 : i32
        %mul3A_972 = arith.muli %scan3A_26, %mul3A_971 : i32
        %add3A_973 = arith.constant 10 : i32
        %add3A_974 = arith.addi %mul3A_972, %add3A_973 : i32
        %get3A_975 = arith.index_cast %add3A_974 : i32 to index
        %get3A_976 = arith.constant 0 : index
        %get3A_977 = tpu.vector_load %arg11[%get3A_975, %get3A_976] {strides = array<i32>} : memref<128x128xf32, #tpu.memory_space<vmem>>, vector<1x16xf32>,
        %get3A_978 = vector.shape_cast %get3A_977 : vector<1x16xf32> to vector<16xf32>
        %mul3A_979 = vector.broadcast %squeeze3A_970 : f32 to vector<16xf32>
        %mul3A_980 = arith.mulf %get3A_978, %mul3A_979 : vector<16xf32>
        %swap3A_981 = arith.index_cast %add3A_974 : i32 to index
        %swap3A_982 = arith.constant 0 : index
        %swap3A_983 = tpu.vector_load %arg11[%swap3A_981, %swap3A_982] {strides = array<i32>} : memref<128x128xf32, #tpu.memory_space<vmem>>, vector<1x16xf32>,
        %swap3A_984 = vector.shape_cast %swap3A_983 : vector<1x16xf32> to vector<16xf32>
        %swap3A_985 = vector.shape_cast %mul3A_980 : vector<16xf32> to vector<1x16xf32>
        tpu.vector_store %arg11[%swap3A_981, %swap3A_982], %swap3A_985 {strides = array<i32>} : memref<128x128xf32, #tpu.memory_space<vmem>>, vector<1x16xf32>,
        %get3A_986 = arith.index_cast %add3A_974 : i32 to index
        %get3A_987 = arith.constant 16 : index
        %get3A_988 = tpu.vector_load %arg11[%get3A_986, %get3A_987] {strides = array<i32>} : memref<128x128xf32, #tpu.memory_space<vmem>>, vector<1x16xf32>,
        %get3A_989 = vector.shape_cast %get3A_988 : vector<1x16xf32> to vector<16xf32>
        %mul3A_990 = vector.broadcast %squeeze3A_970 : f32 to vector<16xf32>
        %mul3A_991 = arith.mulf %get3A_989, %mul3A_990 : vector<16xf32>
        %swap3A_992 = arith.index_cast %add3A_974 : i32 to index
        %swap3A_993 = arith.constant 16 : index
        %swap3A_994 = tpu.vector_load %arg11[%swap3A_992, %swap3A_993] {strides = array<i32>} : memref<128x128xf32, #tpu.memory_space<vmem>>, vector<1x16xf32>,
        %swap3A_995 = vector.shape_cast %swap3A_994 : vector<1x16xf32> to vector<16xf32>
        %swap3A_996 = vector.shape_cast %mul3A_991 : vector<16xf32> to vector<1x16xf32>
        tpu.vector_store %arg11[%swap3A_992, %swap3A_993], %swap3A_996 {strides = array<i32>} : memref<128x128xf32, #tpu.memory_space<vmem>>, vector<1x16xf32>,
        %get3A_997 = arith.index_cast %add3A_974 : i32 to index
        %get3A_998 = arith.constant 32 : index
        %get3A_999 = tpu.vector_load %arg11[%get3A_997, %get3A_998] {strides = array<i32>} : memref<128x128xf32, #tpu.memory_space<vmem>>, vector<1x16xf32>,
        %get3A_1000 = vector.shape_cast %get3A_999 : vector<1x16xf32> to vector<16xf32>
        %mul3A_1001 = vector.broadcast %squeeze3A_970 : f32 to vector<16xf32>
        %mul3A_1002 = arith.mulf %get3A_1000, %mul3A_1001 : vector<16xf32>
        %swap3A_1003 = arith.index_cast %add3A_974 : i32 to index
        %swap3A_1004 = arith.constant 32 : index
        %swap3A_1005 = tpu.vector_load %arg11[%swap3A_1003, %swap3A_1004] {strides = array<i32>} : memref<128x128xf32, #tpu.memory_space<vmem>>, vector<1x16xf32>,
        %swap3A_1006 = vector.shape_cast %swap3A_1005 : vector<1x16xf32> to vector<16xf32>
        %swap3A_1007 = vector.shape_cast %mul3A_1002 : vector<16xf32> to vector<1x16xf32>
        tpu.vector_store %arg11[%swap3A_1003, %swap3A_1004], %swap3A_1007 {strides = array<i32>} : memref<128x128xf32, #tpu.memory_space<vmem>>, vector<1x16xf32>,
        %get3A_1008 = arith.index_cast %add3A_974 : i32 to index
        %get3A_1009 = arith.constant 48 : index
        %get3A_1010 = tpu.vector_load %arg11[%get3A_1008, %get3A_1009] {strides = array<i32>} : memref<128x128xf32, #tpu.memory_space<vmem>>, vector<1x16xf32>,
        %get3A_1011 = vector.shape_cast %get3A_1010 : vector<1x16xf32> to vector<16xf32>
        %mul3A_1012 = vector.broadcast %squeeze3A_970 : f32 to vector<16xf32>
        %mul3A_1013 = arith.mulf %get3A_1011, %mul3A_1012 : vector<16xf32>
        %swap3A_1014 = arith.index_cast %add3A_974 : i32 to index
        %swap3A_1015 = arith.constant 48 : index
        %swap3A_1016 = tpu.vector_load %arg11[%swap3A_1014, %swap3A_1015] {strides = array<i32>} : memref<128x128xf32, #tpu.memory_space<vmem>>, vector<1x16xf32>,
        %swap3A_1017 = vector.shape_cast %swap3A_1016 : vector<1x16xf32> to vector<16xf32>
        %swap3A_1018 = vector.shape_cast %mul3A_1013 : vector<16xf32> to vector<1x16xf32>
        tpu.vector_store %arg11[%swap3A_1014, %swap3A_1015], %swap3A_1018 {strides = array<i32>} : memref<128x128xf32, #tpu.memory_space<vmem>>, vector<1x16xf32>,
        %get3A_1019 = arith.index_cast %add3A_974 : i32 to index
        %get3A_1020 = arith.constant 64 : index
        %get3A_1021 = tpu.vector_load %arg11[%get3A_1019, %get3A_1020] {strides = array<i32>} : memref<128x128xf32, #tpu.memory_space<vmem>>, vector<1x16xf32>,
        %get3A_1022 = vector.shape_cast %get3A_1021 : vector<1x16xf32> to vector<16xf32>
        %mul3A_1023 = vector.broadcast %squeeze3A_970 : f32 to vector<16xf32>
        %mul3A_1024 = arith.mulf %get3A_1022, %mul3A_1023 : vector<16xf32>
        %swap3A_1025 = arith.index_cast %add3A_974 : i32 to index
        %swap3A_1026 = arith.constant 64 : index
        %swap3A_1027 = tpu.vector_load %arg11[%swap3A_1025, %swap3A_1026] {strides = array<i32>} : memref<128x128xf32, #tpu.memory_space<vmem>>, vector<1x16xf32>,
        %swap3A_1028 = vector.shape_cast %swap3A_1027 : vector<1x16xf32> to vector<16xf32>
        %swap3A_1029 = vector.shape_cast %mul3A_1024 : vector<16xf32> to vector<1x16xf32>
        tpu.vector_store %arg11[%swap3A_1025, %swap3A_1026], %swap3A_1029 {strides = array<i32>} : memref<128x128xf32, #tpu.memory_space<vmem>>, vector<1x16xf32>,
        %get3A_1030 = arith.index_cast %add3A_974 : i32 to index
        %get3A_1031 = arith.constant 80 : index
        %get3A_1032 = tpu.vector_load %arg11[%get3A_1030, %get3A_1031] {strides = array<i32>} : memref<128x128xf32, #tpu.memory_space<vmem>>, vector<1x16xf32>,
        %get3A_1033 = vector.shape_cast %get3A_1032 : vector<1x16xf32> to vector<16xf32>
        %mul3A_1034 = vector.broadcast %squeeze3A_970 : f32 to vector<16xf32>
        %mul3A_1035 = arith.mulf %get3A_1033, %mul3A_1034 : vector<16xf32>
        %swap3A_1036 = arith.index_cast %add3A_974 : i32 to index
        %swap3A_1037 = arith.constant 80 : index
        %swap3A_1038 = tpu.vector_load %arg11[%swap3A_1036, %swap3A_1037] {strides = array<i32>} : memref<128x128xf32, #tpu.memory_space<vmem>>, vector<1x16xf32>,
        %swap3A_1039 = vector.shape_cast %swap3A_1038 : vector<1x16xf32> to vector<16xf32>
        %swap3A_1040 = vector.shape_cast %mul3A_1035 : vector<16xf32> to vector<1x16xf32>
        tpu.vector_store %arg11[%swap3A_1036, %swap3A_1037], %swap3A_1040 {strides = array<i32>} : memref<128x128xf32, #tpu.memory_space<vmem>>, vector<1x16xf32>,
        %get3A_1041 = arith.index_cast %add3A_974 : i32 to index
        %get3A_1042 = arith.constant 96 : index
        %get3A_1043 = tpu.vector_load %arg11[%get3A_1041, %get3A_1042] {strides = array<i32>} : memref<128x128xf32, #tpu.memory_space<vmem>>, vector<1x16xf32>,
        %get3A_1044 = vector.shape_cast %get3A_1043 : vector<1x16xf32> to vector<16xf32>
        %mul3A_1045 = vector.broadcast %squeeze3A_970 : f32 to vector<16xf32>
        %mul3A_1046 = arith.mulf %get3A_1044, %mul3A_1045 : vector<16xf32>
        %swap3A_1047 = arith.index_cast %add3A_974 : i32 to index
        %swap3A_1048 = arith.constant 96 : index
        %swap3A_1049 = tpu.vector_load %arg11[%swap3A_1047, %swap3A_1048] {strides = array<i32>} : memref<128x128xf32, #tpu.memory_space<vmem>>, vector<1x16xf32>,
        %swap3A_1050 = vector.shape_cast %swap3A_1049 : vector<1x16xf32> to vector<16xf32>
        %swap3A_1051 = vector.shape_cast %mul3A_1046 : vector<16xf32> to vector<1x16xf32>
        tpu.vector_store %arg11[%swap3A_1047, %swap3A_1048], %swap3A_1051 {strides = array<i32>} : memref<128x128xf32, #tpu.memory_space<vmem>>, vector<1x16xf32>,
        %get3A_1052 = arith.index_cast %add3A_974 : i32 to index
        %get3A_1053 = arith.constant 112 : index
        %get3A_1054 = tpu.vector_load %arg11[%get3A_1052, %get3A_1053] {strides = array<i32>} : memref<128x128xf32, #tpu.memory_space<vmem>>, vector<1x16xf32>,
        %get3A_1055 = vector.shape_cast %get3A_1054 : vector<1x16xf32> to vector<16xf32>
        %mul3A_1056 = vector.broadcast %squeeze3A_970 : f32 to vector<16xf32>
        %mul3A_1057 = arith.mulf %get3A_1055, %mul3A_1056 : vector<16xf32>
        %swap3A_1058 = arith.index_cast %add3A_974 : i32 to index
        %swap3A_1059 = arith.constant 112 : index
        %swap3A_1060 = tpu.vector_load %arg11[%swap3A_1058, %swap3A_1059] {strides = array<i32>} : memref<128x128xf32, #tpu.memory_space<vmem>>, vector<1x16xf32>,
        %swap3A_1061 = vector.shape_cast %swap3A_1060 : vector<1x16xf32> to vector<16xf32>
        %swap3A_1062 = vector.shape_cast %mul3A_1057 : vector<16xf32> to vector<1x16xf32>
        tpu.vector_store %arg11[%swap3A_1058, %swap3A_1059], %swap3A_1062 {strides = array<i32>} : memref<128x128xf32, #tpu.memory_space<vmem>>, vector<1x16xf32>,
        %slice3A_1063 = vector.extract_strided_slice %get3A_31 {offsets = [11], sizes = [1], strides = [1]} : vector<16xf32> to vector<1xf32>
        %squeeze3A_1064 = vector.extract %slice3A_1063[0] : f32 from vector<1xf32>
        %mul3A_1065 = arith.constant 16 : i32
        %mul3A_1066 = arith.muli %scan3A_26, %mul3A_1065 : i32
        %add3A_1067 = arith.constant 11 : i32
        %add3A_1068 = arith.addi %mul3A_1066, %add3A_1067 : i32
        %get3A_1069 = arith.index_cast %add3A_1068 : i32 to index
        %get3A_1070 = arith.constant 0 : index
        %get3A_1071 = tpu.vector_load %arg11[%get3A_1069, %get3A_1070] {strides = array<i32>} : memref<128x128xf32, #tpu.memory_space<vmem>>, vector<1x16xf32>,
        %get3A_1072 = vector.shape_cast %get3A_1071 : vector<1x16xf32> to vector<16xf32>
        %mul3A_1073 = vector.broadcast %squeeze3A_1064 : f32 to vector<16xf32>
        %mul3A_1074 = arith.mulf %get3A_1072, %mul3A_1073 : vector<16xf32>
        %swap3A_1075 = arith.index_cast %add3A_1068 : i32 to index
        %swap3A_1076 = arith.constant 0 : index
        %swap3A_1077 = tpu.vector_load %arg11[%swap3A_1075, %swap3A_1076] {strides = array<i32>} : memref<128x128xf32, #tpu.memory_space<vmem>>, vector<1x16xf32>,
        %swap3A_1078 = vector.shape_cast %swap3A_1077 : vector<1x16xf32> to vector<16xf32>
        %swap3A_1079 = vector.shape_cast %mul3A_1074 : vector<16xf32> to vector<1x16xf32>
        tpu.vector_store %arg11[%swap3A_1075, %swap3A_1076], %swap3A_1079 {strides = array<i32>} : memref<128x128xf32, #tpu.memory_space<vmem>>, vector<1x16xf32>,
        %get3A_1080 = arith.index_cast %add3A_1068 : i32 to index
        %get3A_1081 = arith.constant 16 : index
        %get3A_1082 = tpu.vector_load %arg11[%get3A_1080, %get3A_1081] {strides = array<i32>} : memref<128x128xf32, #tpu.memory_space<vmem>>, vector<1x16xf32>,
        %get3A_1083 = vector.shape_cast %get3A_1082 : vector<1x16xf32> to vector<16xf32>
        %mul3A_1084 = vector.broadcast %squeeze3A_1064 : f32 to vector<16xf32>
        %mul3A_1085 = arith.mulf %get3A_1083, %mul3A_1084 : vector<16xf32>
        %swap3A_1086 = arith.index_cast %add3A_1068 : i32 to index
        %swap3A_1087 = arith.constant 16 : index
        %swap3A_1088 = tpu.vector_load %arg11[%swap3A_1086, %swap3A_1087] {strides = array<i32>} : memref<128x128xf32, #tpu.memory_space<vmem>>, vector<1x16xf32>,
        %swap3A_1089 = vector.shape_cast %swap3A_1088 : vector<1x16xf32> to vector<16xf32>
        %swap3A_1090 = vector.shape_cast %mul3A_1085 : vector<16xf32> to vector<1x16xf32>
        tpu.vector_store %arg11[%swap3A_1086, %swap3A_1087], %swap3A_1090 {strides = array<i32>} : memref<128x128xf32, #tpu.memory_space<vmem>>, vector<1x16xf32>,
        %get3A_1091 = arith.index_cast %add3A_1068 : i32 to index
        %get3A_1092 = arith.constant 32 : index
        %get3A_1093 = tpu.vector_load %arg11[%get3A_1091, %get3A_1092] {strides = array<i32>} : memref<128x128xf32, #tpu.memory_space<vmem>>, vector<1x16xf32>,
        %get3A_1094 = vector.shape_cast %get3A_1093 : vector<1x16xf32> to vector<16xf32>
        %mul3A_1095 = vector.broadcast %squeeze3A_1064 : f32 to vector<16xf32>
        %mul3A_1096 = arith.mulf %get3A_1094, %mul3A_1095 : vector<16xf32>
        %swap3A_1097 = arith.index_cast %add3A_1068 : i32 to index
        %swap3A_1098 = arith.constant 32 : index
        %swap3A_1099 = tpu.vector_load %arg11[%swap3A_1097, %swap3A_1098] {strides = array<i32>} : memref<128x128xf32, #tpu.memory_space<vmem>>, vector<1x16xf32>,
        %swap3A_1100 = vector.shape_cast %swap3A_1099 : vector<1x16xf32> to vector<16xf32>
        %swap3A_1101 = vector.shape_cast %mul3A_1096 : vector<16xf32> to vector<1x16xf32>
        tpu.vector_store %arg11[%swap3A_1097, %swap3A_1098], %swap3A_1101 {strides = array<i32>} : memref<128x128xf32, #tpu.memory_space<vmem>>, vector<1x16xf32>,
        %get3A_1102 = arith.index_cast %add3A_1068 : i32 to index
        %get3A_1103 = arith.constant 48 : index
        %get3A_1104 = tpu.vector_load %arg11[%get3A_1102, %get3A_1103] {strides = array<i32>} : memref<128x128xf32, #tpu.memory_space<vmem>>, vector<1x16xf32>,
        %get3A_1105 = vector.shape_cast %get3A_1104 : vector<1x16xf32> to vector<16xf32>
        %mul3A_1106 = vector.broadcast %squeeze3A_1064 : f32 to vector<16xf32>
        %mul3A_1107 = arith.mulf %get3A_1105, %mul3A_1106 : vector<16xf32>
        %swap3A_1108 = arith.index_cast %add3A_1068 : i32 to index
        %swap3A_1109 = arith.constant 48 : index
        %swap3A_1110 = tpu.vector_load %arg11[%swap3A_1108, %swap3A_1109] {strides = array<i32>} : memref<128x128xf32, #tpu.memory_space<vmem>>, vector<1x16xf32>,
        %swap3A_1111 = vector.shape_cast %swap3A_1110 : vector<1x16xf32> to vector<16xf32>
        %swap3A_1112 = vector.shape_cast %mul3A_1107 : vector<16xf32> to vector<1x16xf32>
        tpu.vector_store %arg11[%swap3A_1108, %swap3A_1109], %swap3A_1112 {strides = array<i32>} : memref<128x128xf32, #tpu.memory_space<vmem>>, vector<1x16xf32>,
        %get3A_1113 = arith.index_cast %add3A_1068 : i32 to index
        %get3A_1114 = arith.constant 64 : index
        %get3A_1115 = tpu.vector_load %arg11[%get3A_1113, %get3A_1114] {strides = array<i32>} : memref<128x128xf32, #tpu.memory_space<vmem>>, vector<1x16xf32>,
        %get3A_1116 = vector.shape_cast %get3A_1115 : vector<1x16xf32> to vector<16xf32>
        %mul3A_1117 = vector.broadcast %squeeze3A_1064 : f32 to vector<16xf32>
        %mul3A_1118 = arith.mulf %get3A_1116, %mul3A_1117 : vector<16xf32>
        %swap3A_1119 = arith.index_cast %add3A_1068 : i32 to index
        %swap3A_1120 = arith.constant 64 : index
        %swap3A_1121 = tpu.vector_load %arg11[%swap3A_1119, %swap3A_1120] {strides = array<i32>} : memref<128x128xf32, #tpu.memory_space<vmem>>, vector<1x16xf32>,
        %swap3A_1122 = vector.shape_cast %swap3A_1121 : vector<1x16xf32> to vector<16xf32>
        %swap3A_1123 = vector.shape_cast %mul3A_1118 : vector<16xf32> to vector<1x16xf32>
        tpu.vector_store %arg11[%swap3A_1119, %swap3A_1120], %swap3A_1123 {strides = array<i32>} : memref<128x128xf32, #tpu.memory_space<vmem>>, vector<1x16xf32>,
        %get3A_1124 = arith.index_cast %add3A_1068 : i32 to index
        %get3A_1125 = arith.constant 80 : index
        %get3A_1126 = tpu.vector_load %arg11[%get3A_1124, %get3A_1125] {strides = array<i32>} : memref<128x128xf32, #tpu.memory_space<vmem>>, vector<1x16xf32>,
        %get3A_1127 = vector.shape_cast %get3A_1126 : vector<1x16xf32> to vector<16xf32>
        %mul3A_1128 = vector.broadcast %squeeze3A_1064 : f32 to vector<16xf32>
        %mul3A_1129 = arith.mulf %get3A_1127, %mul3A_1128 : vector<16xf32>
        %swap3A_1130 = arith.index_cast %add3A_1068 : i32 to index
        %swap3A_1131 = arith.constant 80 : index
        %swap3A_1132 = tpu.vector_load %arg11[%swap3A_1130, %swap3A_1131] {strides = array<i32>} : memref<128x128xf32, #tpu.memory_space<vmem>>, vector<1x16xf32>,
        %swap3A_1133 = vector.shape_cast %swap3A_1132 : vector<1x16xf32> to vector<16xf32>
        %swap3A_1134 = vector.shape_cast %mul3A_1129 : vector<16xf32> to vector<1x16xf32>
        tpu.vector_store %arg11[%swap3A_1130, %swap3A_1131], %swap3A_1134 {strides = array<i32>} : memref<128x128xf32, #tpu.memory_space<vmem>>, vector<1x16xf32>,
        %get3A_1135 = arith.index_cast %add3A_1068 : i32 to index
        %get3A_1136 = arith.constant 96 : index
        %get3A_1137 = tpu.vector_load %arg11[%get3A_1135, %get3A_1136] {strides = array<i32>} : memref<128x128xf32, #tpu.memory_space<vmem>>, vector<1x16xf32>,
        %get3A_1138 = vector.shape_cast %get3A_1137 : vector<1x16xf32> to vector<16xf32>
        %mul3A_1139 = vector.broadcast %squeeze3A_1064 : f32 to vector<16xf32>
        %mul3A_1140 = arith.mulf %get3A_1138, %mul3A_1139 : vector<16xf32>
        %swap3A_1141 = arith.index_cast %add3A_1068 : i32 to index
        %swap3A_1142 = arith.constant 96 : index
        %swap3A_1143 = tpu.vector_load %arg11[%swap3A_1141, %swap3A_1142] {strides = array<i32>} : memref<128x128xf32, #tpu.memory_space<vmem>>, vector<1x16xf32>,
        %swap3A_1144 = vector.shape_cast %swap3A_1143 : vector<1x16xf32> to vector<16xf32>
        %swap3A_1145 = vector.shape_cast %mul3A_1140 : vector<16xf32> to vector<1x16xf32>
        tpu.vector_store %arg11[%swap3A_1141, %swap3A_1142], %swap3A_1145 {strides = array<i32>} : memref<128x128xf32, #tpu.memory_space<vmem>>, vector<1x16xf32>,
        %get3A_1146 = arith.index_cast %add3A_1068 : i32 to index
        %get3A_1147 = arith.constant 112 : index
        %get3A_1148 = tpu.vector_load %arg11[%get3A_1146, %get3A_1147] {strides = array<i32>} : memref<128x128xf32, #tpu.memory_space<vmem>>, vector<1x16xf32>,
        %get3A_1149 = vector.shape_cast %get3A_1148 : vector<1x16xf32> to vector<16xf32>
        %mul3A_1150 = vector.broadcast %squeeze3A_1064 : f32 to vector<16xf32>
        %mul3A_1151 = arith.mulf %get3A_1149, %mul3A_1150 : vector<16xf32>
        %swap3A_1152 = arith.index_cast %add3A_1068 : i32 to index
        %swap3A_1153 = arith.constant 112 : index
        %swap3A_1154 = tpu.vector_load %arg11[%swap3A_1152, %swap3A_1153] {strides = array<i32>} : memref<128x128xf32, #tpu.memory_space<vmem>>, vector<1x16xf32>,
        %swap3A_1155 = vector.shape_cast %swap3A_1154 : vector<1x16xf32> to vector<16xf32>
        %swap3A_1156 = vector.shape_cast %mul3A_1151 : vector<16xf32> to vector<1x16xf32>
        tpu.vector_store %arg11[%swap3A_1152, %swap3A_1153], %swap3A_1156 {strides = array<i32>} : memref<128x128xf32, #tpu.memory_space<vmem>>, vector<1x16xf32>,
        %slice3A_1157 = vector.extract_strided_slice %get3A_31 {offsets = [12], sizes = [1], strides = [1]} : vector<16xf32> to vector<1xf32>
        %squeeze3A_1158 = vector.extract %slice3A_1157[0] : f32 from vector<1xf32>
        %mul3A_1159 = arith.constant 16 : i32
        %mul3A_1160 = arith.muli %scan3A_26, %mul3A_1159 : i32
        %add3A_1161 = arith.constant 12 : i32
        %add3A_1162 = arith.addi %mul3A_1160, %add3A_1161 : i32
        %get3A_1163 = arith.index_cast %add3A_1162 : i32 to index
        %get3A_1164 = arith.constant 0 : index
        %get3A_1165 = tpu.vector_load %arg11[%get3A_1163, %get3A_1164] {strides = array<i32>} : memref<128x128xf32, #tpu.memory_space<vmem>>, vector<1x16xf32>,
        %get3A_1166 = vector.shape_cast %get3A_1165 : vector<1x16xf32> to vector<16xf32>
        %mul3A_1167 = vector.broadcast %squeeze3A_1158 : f32 to vector<16xf32>
        %mul3A_1168 = arith.mulf %get3A_1166, %mul3A_1167 : vector<16xf32>
        %swap3A_1169 = arith.index_cast %add3A_1162 : i32 to index
        %swap3A_1170 = arith.constant 0 : index
        %swap3A_1171 = tpu.vector_load %arg11[%swap3A_1169, %swap3A_1170] {strides = array<i32>} : memref<128x128xf32, #tpu.memory_space<vmem>>, vector<1x16xf32>,
        %swap3A_1172 = vector.shape_cast %swap3A_1171 : vector<1x16xf32> to vector<16xf32>
        %swap3A_1173 = vector.shape_cast %mul3A_1168 : vector<16xf32> to vector<1x16xf32>
        tpu.vector_store %arg11[%swap3A_1169, %swap3A_1170], %swap3A_1173 {strides = array<i32>} : memref<128x128xf32, #tpu.memory_space<vmem>>, vector<1x16xf32>,
        %get3A_1174 = arith.index_cast %add3A_1162 : i32 to index
        %get3A_1175 = arith.constant 16 : index
        %get3A_1176 = tpu.vector_load %arg11[%get3A_1174, %get3A_1175] {strides = array<i32>} : memref<128x128xf32, #tpu.memory_space<vmem>>, vector<1x16xf32>,
        %get3A_1177 = vector.shape_cast %get3A_1176 : vector<1x16xf32> to vector<16xf32>
        %mul3A_1178 = vector.broadcast %squeeze3A_1158 : f32 to vector<16xf32>
        %mul3A_1179 = arith.mulf %get3A_1177, %mul3A_1178 : vector<16xf32>
        %swap3A_1180 = arith.index_cast %add3A_1162 : i32 to index
        %swap3A_1181 = arith.constant 16 : index
        %swap3A_1182 = tpu.vector_load %arg11[%swap3A_1180, %swap3A_1181] {strides = array<i32>} : memref<128x128xf32, #tpu.memory_space<vmem>>, vector<1x16xf32>,
        %swap3A_1183 = vector.shape_cast %swap3A_1182 : vector<1x16xf32> to vector<16xf32>
        %swap3A_1184 = vector.shape_cast %mul3A_1179 : vector<16xf32> to vector<1x16xf32>
        tpu.vector_store %arg11[%swap3A_1180, %swap3A_1181], %swap3A_1184 {strides = array<i32>} : memref<128x128xf32, #tpu.memory_space<vmem>>, vector<1x16xf32>,
        %get3A_1185 = arith.index_cast %add3A_1162 : i32 to index
        %get3A_1186 = arith.constant 32 : index
        %get3A_1187 = tpu.vector_load %arg11[%get3A_1185, %get3A_1186] {strides = array<i32>} : memref<128x128xf32, #tpu.memory_space<vmem>>, vector<1x16xf32>,
        %get3A_1188 = vector.shape_cast %get3A_1187 : vector<1x16xf32> to vector<16xf32>
        %mul3A_1189 = vector.broadcast %squeeze3A_1158 : f32 to vector<16xf32>
        %mul3A_1190 = arith.mulf %get3A_1188, %mul3A_1189 : vector<16xf32>
        %swap3A_1191 = arith.index_cast %add3A_1162 : i32 to index
        %swap3A_1192 = arith.constant 32 : index
        %swap3A_1193 = tpu.vector_load %arg11[%swap3A_1191, %swap3A_1192] {strides = array<i32>} : memref<128x128xf32, #tpu.memory_space<vmem>>, vector<1x16xf32>,
        %swap3A_1194 = vector.shape_cast %swap3A_1193 : vector<1x16xf32> to vector<16xf32>
        %swap3A_1195 = vector.shape_cast %mul3A_1190 : vector<16xf32> to vector<1x16xf32>
        tpu.vector_store %arg11[%swap3A_1191, %swap3A_1192], %swap3A_1195 {strides = array<i32>} : memref<128x128xf32, #tpu.memory_space<vmem>>, vector<1x16xf32>,
        %get3A_1196 = arith.index_cast %add3A_1162 : i32 to index
        %get3A_1197 = arith.constant 48 : index
        %get3A_1198 = tpu.vector_load %arg11[%get3A_1196, %get3A_1197] {strides = array<i32>} : memref<128x128xf32, #tpu.memory_space<vmem>>, vector<1x16xf32>,
        %get3A_1199 = vector.shape_cast %get3A_1198 : vector<1x16xf32> to vector<16xf32>
        %mul3A_1200 = vector.broadcast %squeeze3A_1158 : f32 to vector<16xf32>
        %mul3A_1201 = arith.mulf %get3A_1199, %mul3A_1200 : vector<16xf32>
        %swap3A_1202 = arith.index_cast %add3A_1162 : i32 to index
        %swap3A_1203 = arith.constant 48 : index
        %swap3A_1204 = tpu.vector_load %arg11[%swap3A_1202, %swap3A_1203] {strides = array<i32>} : memref<128x128xf32, #tpu.memory_space<vmem>>, vector<1x16xf32>,
        %swap3A_1205 = vector.shape_cast %swap3A_1204 : vector<1x16xf32> to vector<16xf32>
        %swap3A_1206 = vector.shape_cast %mul3A_1201 : vector<16xf32> to vector<1x16xf32>
        tpu.vector_store %arg11[%swap3A_1202, %swap3A_1203], %swap3A_1206 {strides = array<i32>} : memref<128x128xf32, #tpu.memory_space<vmem>>, vector<1x16xf32>,
        %get3A_1207 = arith.index_cast %add3A_1162 : i32 to index
        %get3A_1208 = arith.constant 64 : index
        %get3A_1209 = tpu.vector_load %arg11[%get3A_1207, %get3A_1208] {strides = array<i32>} : memref<128x128xf32, #tpu.memory_space<vmem>>, vector<1x16xf32>,
        %get3A_1210 = vector.shape_cast %get3A_1209 : vector<1x16xf32> to vector<16xf32>
        %mul3A_1211 = vector.broadcast %squeeze3A_1158 : f32 to vector<16xf32>
        %mul3A_1212 = arith.mulf %get3A_1210, %mul3A_1211 : vector<16xf32>
        %swap3A_1213 = arith.index_cast %add3A_1162 : i32 to index
        %swap3A_1214 = arith.constant 64 : index
        %swap3A_1215 = tpu.vector_load %arg11[%swap3A_1213, %swap3A_1214] {strides = array<i32>} : memref<128x128xf32, #tpu.memory_space<vmem>>, vector<1x16xf32>,
        %swap3A_1216 = vector.shape_cast %swap3A_1215 : vector<1x16xf32> to vector<16xf32>
        %swap3A_1217 = vector.shape_cast %mul3A_1212 : vector<16xf32> to vector<1x16xf32>
        tpu.vector_store %arg11[%swap3A_1213, %swap3A_1214], %swap3A_1217 {strides = array<i32>} : memref<128x128xf32, #tpu.memory_space<vmem>>, vector<1x16xf32>,
        %get3A_1218 = arith.index_cast %add3A_1162 : i32 to index
        %get3A_1219 = arith.constant 80 : index
        %get3A_1220 = tpu.vector_load %arg11[%get3A_1218, %get3A_1219] {strides = array<i32>} : memref<128x128xf32, #tpu.memory_space<vmem>>, vector<1x16xf32>,
        %get3A_1221 = vector.shape_cast %get3A_1220 : vector<1x16xf32> to vector<16xf32>
        %mul3A_1222 = vector.broadcast %squeeze3A_1158 : f32 to vector<16xf32>
        %mul3A_1223 = arith.mulf %get3A_1221, %mul3A_1222 : vector<16xf32>
        %swap3A_1224 = arith.index_cast %add3A_1162 : i32 to index
        %swap3A_1225 = arith.constant 80 : index
        %swap3A_1226 = tpu.vector_load %arg11[%swap3A_1224, %swap3A_1225] {strides = array<i32>} : memref<128x128xf32, #tpu.memory_space<vmem>>, vector<1x16xf32>,
        %swap3A_1227 = vector.shape_cast %swap3A_1226 : vector<1x16xf32> to vector<16xf32>
        %swap3A_1228 = vector.shape_cast %mul3A_1223 : vector<16xf32> to vector<1x16xf32>
        tpu.vector_store %arg11[%swap3A_1224, %swap3A_1225], %swap3A_1228 {strides = array<i32>} : memref<128x128xf32, #tpu.memory_space<vmem>>, vector<1x16xf32>,
        %get3A_1229 = arith.index_cast %add3A_1162 : i32 to index
        %get3A_1230 = arith.constant 96 : index
        %get3A_1231 = tpu.vector_load %arg11[%get3A_1229, %get3A_1230] {strides = array<i32>} : memref<128x128xf32, #tpu.memory_space<vmem>>, vector<1x16xf32>,
        %get3A_1232 = vector.shape_cast %get3A_1231 : vector<1x16xf32> to vector<16xf32>
        %mul3A_1233 = vector.broadcast %squeeze3A_1158 : f32 to vector<16xf32>
        %mul3A_1234 = arith.mulf %get3A_1232, %mul3A_1233 : vector<16xf32>
        %swap3A_1235 = arith.index_cast %add3A_1162 : i32 to index
        %swap3A_1236 = arith.constant 96 : index
        %swap3A_1237 = tpu.vector_load %arg11[%swap3A_1235, %swap3A_1236] {strides = array<i32>} : memref<128x128xf32, #tpu.memory_space<vmem>>, vector<1x16xf32>,
        %swap3A_1238 = vector.shape_cast %swap3A_1237 : vector<1x16xf32> to vector<16xf32>
        %swap3A_1239 = vector.shape_cast %mul3A_1234 : vector<16xf32> to vector<1x16xf32>
        tpu.vector_store %arg11[%swap3A_1235, %swap3A_1236], %swap3A_1239 {strides = array<i32>} : memref<128x128xf32, #tpu.memory_space<vmem>>, vector<1x16xf32>,
        %get3A_1240 = arith.index_cast %add3A_1162 : i32 to index
        %get3A_1241 = arith.constant 112 : index
        %get3A_1242 = tpu.vector_load %arg11[%get3A_1240, %get3A_1241] {strides = array<i32>} : memref<128x128xf32, #tpu.memory_space<vmem>>, vector<1x16xf32>,
        %get3A_1243 = vector.shape_cast %get3A_1242 : vector<1x16xf32> to vector<16xf32>
        %mul3A_1244 = vector.broadcast %squeeze3A_1158 : f32 to vector<16xf32>
        %mul3A_1245 = arith.mulf %get3A_1243, %mul3A_1244 : vector<16xf32>
        %swap3A_1246 = arith.index_cast %add3A_1162 : i32 to index
        %swap3A_1247 = arith.constant 112 : index
        %swap3A_1248 = tpu.vector_load %arg11[%swap3A_1246, %swap3A_1247] {strides = array<i32>} : memref<128x128xf32, #tpu.memory_space<vmem>>, vector<1x16xf32>,
        %swap3A_1249 = vector.shape_cast %swap3A_1248 : vector<1x16xf32> to vector<16xf32>
        %swap3A_1250 = vector.shape_cast %mul3A_1245 : vector<16xf32> to vector<1x16xf32>
        tpu.vector_store %arg11[%swap3A_1246, %swap3A_1247], %swap3A_1250 {strides = array<i32>} : memref<128x128xf32, #tpu.memory_space<vmem>>, vector<1x16xf32>,
        %slice3A_1251 = vector.extract_strided_slice %get3A_31 {offsets = [13], sizes = [1], strides = [1]} : vector<16xf32> to vector<1xf32>
        %squeeze3A_1252 = vector.extract %slice3A_1251[0] : f32 from vector<1xf32>
        %mul3A_1253 = arith.constant 16 : i32
        %mul3A_1254 = arith.muli %scan3A_26, %mul3A_1253 : i32
        %add3A_1255 = arith.constant 13 : i32
        %add3A_1256 = arith.addi %mul3A_1254, %add3A_1255 : i32
        %get3A_1257 = arith.index_cast %add3A_1256 : i32 to index
        %get3A_1258 = arith.constant 0 : index
        %get3A_1259 = tpu.vector_load %arg11[%get3A_1257, %get3A_1258] {strides = array<i32>} : memref<128x128xf32, #tpu.memory_space<vmem>>, vector<1x16xf32>,
        %get3A_1260 = vector.shape_cast %get3A_1259 : vector<1x16xf32> to vector<16xf32>
        %mul3A_1261 = vector.broadcast %squeeze3A_1252 : f32 to vector<16xf32>
        %mul3A_1262 = arith.mulf %get3A_1260, %mul3A_1261 : vector<16xf32>
        %swap3A_1263 = arith.index_cast %add3A_1256 : i32 to index
        %swap3A_1264 = arith.constant 0 : index
        %swap3A_1265 = tpu.vector_load %arg11[%swap3A_1263, %swap3A_1264] {strides = array<i32>} : memref<128x128xf32, #tpu.memory_space<vmem>>, vector<1x16xf32>,
        %swap3A_1266 = vector.shape_cast %swap3A_1265 : vector<1x16xf32> to vector<16xf32>
        %swap3A_1267 = vector.shape_cast %mul3A_1262 : vector<16xf32> to vector<1x16xf32>
        tpu.vector_store %arg11[%swap3A_1263, %swap3A_1264], %swap3A_1267 {strides = array<i32>} : memref<128x128xf32, #tpu.memory_space<vmem>>, vector<1x16xf32>,
        %get3A_1268 = arith.index_cast %add3A_1256 : i32 to index
        %get3A_1269 = arith.constant 16 : index
        %get3A_1270 = tpu.vector_load %arg11[%get3A_1268, %get3A_1269] {strides = array<i32>} : memref<128x128xf32, #tpu.memory_space<vmem>>, vector<1x16xf32>,
        %get3A_1271 = vector.shape_cast %get3A_1270 : vector<1x16xf32> to vector<16xf32>
        %mul3A_1272 = vector.broadcast %squeeze3A_1252 : f32 to vector<16xf32>
        %mul3A_1273 = arith.mulf %get3A_1271, %mul3A_1272 : vector<16xf32>
        %swap3A_1274 = arith.index_cast %add3A_1256 : i32 to index
        %swap3A_1275 = arith.constant 16 : index
        %swap3A_1276 = tpu.vector_load %arg11[%swap3A_1274, %swap3A_1275] {strides = array<i32>} : memref<128x128xf32, #tpu.memory_space<vmem>>, vector<1x16xf32>,
        %swap3A_1277 = vector.shape_cast %swap3A_1276 : vector<1x16xf32> to vector<16xf32>
        %swap3A_1278 = vector.shape_cast %mul3A_1273 : vector<16xf32> to vector<1x16xf32>
        tpu.vector_store %arg11[%swap3A_1274, %swap3A_1275], %swap3A_1278 {strides = array<i32>} : memref<128x128xf32, #tpu.memory_space<vmem>>, vector<1x16xf32>,
        %get3A_1279 = arith.index_cast %add3A_1256 : i32 to index
        %get3A_1280 = arith.constant 32 : index
        %get3A_1281 = tpu.vector_load %arg11[%get3A_1279, %get3A_1280] {strides = array<i32>} : memref<128x128xf32, #tpu.memory_space<vmem>>, vector<1x16xf32>,
        %get3A_1282 = vector.shape_cast %get3A_1281 : vector<1x16xf32> to vector<16xf32>
        %mul3A_1283 = vector.broadcast %squeeze3A_1252 : f32 to vector<16xf32>
        %mul3A_1284 = arith.mulf %get3A_1282, %mul3A_1283 : vector<16xf32>
        %swap3A_1285 = arith.index_cast %add3A_1256 : i32 to index
        %swap3A_1286 = arith.constant 32 : index
        %swap3A_1287 = tpu.vector_load %arg11[%swap3A_1285, %swap3A_1286] {strides = array<i32>} : memref<128x128xf32, #tpu.memory_space<vmem>>, vector<1x16xf32>,
        %swap3A_1288 = vector.shape_cast %swap3A_1287 : vector<1x16xf32> to vector<16xf32>
        %swap3A_1289 = vector.shape_cast %mul3A_1284 : vector<16xf32> to vector<1x16xf32>
        tpu.vector_store %arg11[%swap3A_1285, %swap3A_1286], %swap3A_1289 {strides = array<i32>} : memref<128x128xf32, #tpu.memory_space<vmem>>, vector<1x16xf32>,
        %get3A_1290 = arith.index_cast %add3A_1256 : i32 to index
        %get3A_1291 = arith.constant 48 : index
        %get3A_1292 = tpu.vector_load %arg11[%get3A_1290, %get3A_1291] {strides = array<i32>} : memref<128x128xf32, #tpu.memory_space<vmem>>, vector<1x16xf32>,
        %get3A_1293 = vector.shape_cast %get3A_1292 : vector<1x16xf32> to vector<16xf32>
        %mul3A_1294 = vector.broadcast %squeeze3A_1252 : f32 to vector<16xf32>
        %mul3A_1295 = arith.mulf %get3A_1293, %mul3A_1294 : vector<16xf32>
        %swap3A_1296 = arith.index_cast %add3A_1256 : i32 to index
        %swap3A_1297 = arith.constant 48 : index
        %swap3A_1298 = tpu.vector_load %arg11[%swap3A_1296, %swap3A_1297] {strides = array<i32>} : memref<128x128xf32, #tpu.memory_space<vmem>>, vector<1x16xf32>,
        %swap3A_1299 = vector.shape_cast %swap3A_1298 : vector<1x16xf32> to vector<16xf32>
        %swap3A_1300 = vector.shape_cast %mul3A_1295 : vector<16xf32> to vector<1x16xf32>
        tpu.vector_store %arg11[%swap3A_1296, %swap3A_1297], %swap3A_1300 {strides = array<i32>} : memref<128x128xf32, #tpu.memory_space<vmem>>, vector<1x16xf32>,
        %get3A_1301 = arith.index_cast %add3A_1256 : i32 to index
        %get3A_1302 = arith.constant 64 : index
        %get3A_1303 = tpu.vector_load %arg11[%get3A_1301, %get3A_1302] {strides = array<i32>} : memref<128x128xf32, #tpu.memory_space<vmem>>, vector<1x16xf32>,
        %get3A_1304 = vector.shape_cast %get3A_1303 : vector<1x16xf32> to vector<16xf32>
        %mul3A_1305 = vector.broadcast %squeeze3A_1252 : f32 to vector<16xf32>
        %mul3A_1306 = arith.mulf %get3A_1304, %mul3A_1305 : vector<16xf32>
        %swap3A_1307 = arith.index_cast %add3A_1256 : i32 to index
        %swap3A_1308 = arith.constant 64 : index
        %swap3A_1309 = tpu.vector_load %arg11[%swap3A_1307, %swap3A_1308] {strides = array<i32>} : memref<128x128xf32, #tpu.memory_space<vmem>>, vector<1x16xf32>,
        %swap3A_1310 = vector.shape_cast %swap3A_1309 : vector<1x16xf32> to vector<16xf32>
        %swap3A_1311 = vector.shape_cast %mul3A_1306 : vector<16xf32> to vector<1x16xf32>
        tpu.vector_store %arg11[%swap3A_1307, %swap3A_1308], %swap3A_1311 {strides = array<i32>} : memref<128x128xf32, #tpu.memory_space<vmem>>, vector<1x16xf32>,
        %get3A_1312 = arith.index_cast %add3A_1256 : i32 to index
        %get3A_1313 = arith.constant 80 : index
        %get3A_1314 = tpu.vector_load %arg11[%get3A_1312, %get3A_1313] {strides = array<i32>} : memref<128x128xf32, #tpu.memory_space<vmem>>, vector<1x16xf32>,
        %get3A_1315 = vector.shape_cast %get3A_1314 : vector<1x16xf32> to vector<16xf32>
        %mul3A_1316 = vector.broadcast %squeeze3A_1252 : f32 to vector<16xf32>
        %mul3A_1317 = arith.mulf %get3A_1315, %mul3A_1316 : vector<16xf32>
        %swap3A_1318 = arith.index_cast %add3A_1256 : i32 to index
        %swap3A_1319 = arith.constant 80 : index
        %swap3A_1320 = tpu.vector_load %arg11[%swap3A_1318, %swap3A_1319] {strides = array<i32>} : memref<128x128xf32, #tpu.memory_space<vmem>>, vector<1x16xf32>,
        %swap3A_1321 = vector.shape_cast %swap3A_1320 : vector<1x16xf32> to vector<16xf32>
        %swap3A_1322 = vector.shape_cast %mul3A_1317 : vector<16xf32> to vector<1x16xf32>
        tpu.vector_store %arg11[%swap3A_1318, %swap3A_1319], %swap3A_1322 {strides = array<i32>} : memref<128x128xf32, #tpu.memory_space<vmem>>, vector<1x16xf32>,
        %get3A_1323 = arith.index_cast %add3A_1256 : i32 to index
        %get3A_1324 = arith.constant 96 : index
        %get3A_1325 = tpu.vector_load %arg11[%get3A_1323, %get3A_1324] {strides = array<i32>} : memref<128x128xf32, #tpu.memory_space<vmem>>, vector<1x16xf32>,
        %get3A_1326 = vector.shape_cast %get3A_1325 : vector<1x16xf32> to vector<16xf32>
        %mul3A_1327 = vector.broadcast %squeeze3A_1252 : f32 to vector<16xf32>
        %mul3A_1328 = arith.mulf %get3A_1326, %mul3A_1327 : vector<16xf32>
        %swap3A_1329 = arith.index_cast %add3A_1256 : i32 to index
        %swap3A_1330 = arith.constant 96 : index
        %swap3A_1331 = tpu.vector_load %arg11[%swap3A_1329, %swap3A_1330] {strides = array<i32>} : memref<128x128xf32, #tpu.memory_space<vmem>>, vector<1x16xf32>,
        %swap3A_1332 = vector.shape_cast %swap3A_1331 : vector<1x16xf32> to vector<16xf32>
        %swap3A_1333 = vector.shape_cast %mul3A_1328 : vector<16xf32> to vector<1x16xf32>
        tpu.vector_store %arg11[%swap3A_1329, %swap3A_1330], %swap3A_1333 {strides = array<i32>} : memref<128x128xf32, #tpu.memory_space<vmem>>, vector<1x16xf32>,
        %get3A_1334 = arith.index_cast %add3A_1256 : i32 to index
        %get3A_1335 = arith.constant 112 : index
        %get3A_1336 = tpu.vector_load %arg11[%get3A_1334, %get3A_1335] {strides = array<i32>} : memref<128x128xf32, #tpu.memory_space<vmem>>, vector<1x16xf32>,
        %get3A_1337 = vector.shape_cast %get3A_1336 : vector<1x16xf32> to vector<16xf32>
        %mul3A_1338 = vector.broadcast %squeeze3A_1252 : f32 to vector<16xf32>
        %mul3A_1339 = arith.mulf %get3A_1337, %mul3A_1338 : vector<16xf32>
        %swap3A_1340 = arith.index_cast %add3A_1256 : i32 to index
        %swap3A_1341 = arith.constant 112 : index
        %swap3A_1342 = tpu.vector_load %arg11[%swap3A_1340, %swap3A_1341] {strides = array<i32>} : memref<128x128xf32, #tpu.memory_space<vmem>>, vector<1x16xf32>,
        %swap3A_1343 = vector.shape_cast %swap3A_1342 : vector<1x16xf32> to vector<16xf32>
        %swap3A_1344 = vector.shape_cast %mul3A_1339 : vector<16xf32> to vector<1x16xf32>
        tpu.vector_store %arg11[%swap3A_1340, %swap3A_1341], %swap3A_1344 {strides = array<i32>} : memref<128x128xf32, #tpu.memory_space<vmem>>, vector<1x16xf32>,
        %slice3A_1345 = vector.extract_strided_slice %get3A_31 {offsets = [14], sizes = [1], strides = [1]} : vector<16xf32> to vector<1xf32>
        %squeeze3A_1346 = vector.extract %slice3A_1345[0] : f32 from vector<1xf32>
        %mul3A_1347 = arith.constant 16 : i32
        %mul3A_1348 = arith.muli %scan3A_26, %mul3A_1347 : i32
        %add3A_1349 = arith.constant 14 : i32
        %add3A_1350 = arith.addi %mul3A_1348, %add3A_1349 : i32
        %get3A_1351 = arith.index_cast %add3A_1350 : i32 to index
        %get3A_1352 = arith.constant 0 : index
        %get3A_1353 = tpu.vector_load %arg11[%get3A_1351, %get3A_1352] {strides = array<i32>} : memref<128x128xf32, #tpu.memory_space<vmem>>, vector<1x16xf32>,
        %get3A_1354 = vector.shape_cast %get3A_1353 : vector<1x16xf32> to vector<16xf32>
        %mul3A_1355 = vector.broadcast %squeeze3A_1346 : f32 to vector<16xf32>
        %mul3A_1356 = arith.mulf %get3A_1354, %mul3A_1355 : vector<16xf32>
        %swap3A_1357 = arith.index_cast %add3A_1350 : i32 to index
        %swap3A_1358 = arith.constant 0 : index
        %swap3A_1359 = tpu.vector_load %arg11[%swap3A_1357, %swap3A_1358] {strides = array<i32>} : memref<128x128xf32, #tpu.memory_space<vmem>>, vector<1x16xf32>,
        %swap3A_1360 = vector.shape_cast %swap3A_1359 : vector<1x16xf32> to vector<16xf32>
        %swap3A_1361 = vector.shape_cast %mul3A_1356 : vector<16xf32> to vector<1x16xf32>
        tpu.vector_store %arg11[%swap3A_1357, %swap3A_1358], %swap3A_1361 {strides = array<i32>} : memref<128x128xf32, #tpu.memory_space<vmem>>, vector<1x16xf32>,
        %get3A_1362 = arith.index_cast %add3A_1350 : i32 to index
        %get3A_1363 = arith.constant 16 : index
        %get3A_1364 = tpu.vector_load %arg11[%get3A_1362, %get3A_1363] {strides = array<i32>} : memref<128x128xf32, #tpu.memory_space<vmem>>, vector<1x16xf32>,
        %get3A_1365 = vector.shape_cast %get3A_1364 : vector<1x16xf32> to vector<16xf32>
        %mul3A_1366 = vector.broadcast %squeeze3A_1346 : f32 to vector<16xf32>
        %mul3A_1367 = arith.mulf %get3A_1365, %mul3A_1366 : vector<16xf32>
        %swap3A_1368 = arith.index_cast %add3A_1350 : i32 to index
        %swap3A_1369 = arith.constant 16 : index
        %swap3A_1370 = tpu.vector_load %arg11[%swap3A_1368, %swap3A_1369] {strides = array<i32>} : memref<128x128xf32, #tpu.memory_space<vmem>>, vector<1x16xf32>,
        %swap3A_1371 = vector.shape_cast %swap3A_1370 : vector<1x16xf32> to vector<16xf32>
        %swap3A_1372 = vector.shape_cast %mul3A_1367 : vector<16xf32> to vector<1x16xf32>
        tpu.vector_store %arg11[%swap3A_1368, %swap3A_1369], %swap3A_1372 {strides = array<i32>} : memref<128x128xf32, #tpu.memory_space<vmem>>, vector<1x16xf32>,
        %get3A_1373 = arith.index_cast %add3A_1350 : i32 to index
        %get3A_1374 = arith.constant 32 : index
        %get3A_1375 = tpu.vector_load %arg11[%get3A_1373, %get3A_1374] {strides = array<i32>} : memref<128x128xf32, #tpu.memory_space<vmem>>, vector<1x16xf32>,
        %get3A_1376 = vector.shape_cast %get3A_1375 : vector<1x16xf32> to vector<16xf32>
        %mul3A_1377 = vector.broadcast %squeeze3A_1346 : f32 to vector<16xf32>
        %mul3A_1378 = arith.mulf %get3A_1376, %mul3A_1377 : vector<16xf32>
        %swap3A_1379 = arith.index_cast %add3A_1350 : i32 to index
        %swap3A_1380 = arith.constant 32 : index
        %swap3A_1381 = tpu.vector_load %arg11[%swap3A_1379, %swap3A_1380] {strides = array<i32>} : memref<128x128xf32, #tpu.memory_space<vmem>>, vector<1x16xf32>,
        %swap3A_1382 = vector.shape_cast %swap3A_1381 : vector<1x16xf32> to vector<16xf32>
        %swap3A_1383 = vector.shape_cast %mul3A_1378 : vector<16xf32> to vector<1x16xf32>
        tpu.vector_store %arg11[%swap3A_1379, %swap3A_1380], %swap3A_1383 {strides = array<i32>} : memref<128x128xf32, #tpu.memory_space<vmem>>, vector<1x16xf32>,
        %get3A_1384 = arith.index_cast %add3A_1350 : i32 to index
        %get3A_1385 = arith.constant 48 : index
        %get3A_1386 = tpu.vector_load %arg11[%get3A_1384, %get3A_1385] {strides = array<i32>} : memref<128x128xf32, #tpu.memory_space<vmem>>, vector<1x16xf32>,
        %get3A_1387 = vector.shape_cast %get3A_1386 : vector<1x16xf32> to vector<16xf32>
        %mul3A_1388 = vector.broadcast %squeeze3A_1346 : f32 to vector<16xf32>
        %mul3A_1389 = arith.mulf %get3A_1387, %mul3A_1388 : vector<16xf32>
        %swap3A_1390 = arith.index_cast %add3A_1350 : i32 to index
        %swap3A_1391 = arith.constant 48 : index
        %swap3A_1392 = tpu.vector_load %arg11[%swap3A_1390, %swap3A_1391] {strides = array<i32>} : memref<128x128xf32, #tpu.memory_space<vmem>>, vector<1x16xf32>,
        %swap3A_1393 = vector.shape_cast %swap3A_1392 : vector<1x16xf32> to vector<16xf32>
        %swap3A_1394 = vector.shape_cast %mul3A_1389 : vector<16xf32> to vector<1x16xf32>
        tpu.vector_store %arg11[%swap3A_1390, %swap3A_1391], %swap3A_1394 {strides = array<i32>} : memref<128x128xf32, #tpu.memory_space<vmem>>, vector<1x16xf32>,
        %get3A_1395 = arith.index_cast %add3A_1350 : i32 to index
        %get3A_1396 = arith.constant 64 : index
        %get3A_1397 = tpu.vector_load %arg11[%get3A_1395, %get3A_1396] {strides = array<i32>} : memref<128x128xf32, #tpu.memory_space<vmem>>, vector<1x16xf32>,
        %get3A_1398 = vector.shape_cast %get3A_1397 : vector<1x16xf32> to vector<16xf32>
        %mul3A_1399 = vector.broadcast %squeeze3A_1346 : f32 to vector<16xf32>
        %mul3A_1400 = arith.mulf %get3A_1398, %mul3A_1399 : vector<16xf32>
        %swap3A_1401 = arith.index_cast %add3A_1350 : i32 to index
        %swap3A_1402 = arith.constant 64 : index
        %swap3A_1403 = tpu.vector_load %arg11[%swap3A_1401, %swap3A_1402] {strides = array<i32>} : memref<128x128xf32, #tpu.memory_space<vmem>>, vector<1x16xf32>,
        %swap3A_1404 = vector.shape_cast %swap3A_1403 : vector<1x16xf32> to vector<16xf32>
        %swap3A_1405 = vector.shape_cast %mul3A_1400 : vector<16xf32> to vector<1x16xf32>
        tpu.vector_store %arg11[%swap3A_1401, %swap3A_1402], %swap3A_1405 {strides = array<i32>} : memref<128x128xf32, #tpu.memory_space<vmem>>, vector<1x16xf32>,
        %get3A_1406 = arith.index_cast %add3A_1350 : i32 to index
        %get3A_1407 = arith.constant 80 : index
        %get3A_1408 = tpu.vector_load %arg11[%get3A_1406, %get3A_1407] {strides = array<i32>} : memref<128x128xf32, #tpu.memory_space<vmem>>, vector<1x16xf32>,
        %get3A_1409 = vector.shape_cast %get3A_1408 : vector<1x16xf32> to vector<16xf32>
        %mul3A_1410 = vector.broadcast %squeeze3A_1346 : f32 to vector<16xf32>
        %mul3A_1411 = arith.mulf %get3A_1409, %mul3A_1410 : vector<16xf32>
        %swap3A_1412 = arith.index_cast %add3A_1350 : i32 to index
        %swap3A_1413 = arith.constant 80 : index
        %swap3A_1414 = tpu.vector_load %arg11[%swap3A_1412, %swap3A_1413] {strides = array<i32>} : memref<128x128xf32, #tpu.memory_space<vmem>>, vector<1x16xf32>,
        %swap3A_1415 = vector.shape_cast %swap3A_1414 : vector<1x16xf32> to vector<16xf32>
        %swap3A_1416 = vector.shape_cast %mul3A_1411 : vector<16xf32> to vector<1x16xf32>
        tpu.vector_store %arg11[%swap3A_1412, %swap3A_1413], %swap3A_1416 {strides = array<i32>} : memref<128x128xf32, #tpu.memory_space<vmem>>, vector<1x16xf32>,
        %get3A_1417 = arith.index_cast %add3A_1350 : i32 to index
        %get3A_1418 = arith.constant 96 : index
        %get3A_1419 = tpu.vector_load %arg11[%get3A_1417, %get3A_1418] {strides = array<i32>} : memref<128x128xf32, #tpu.memory_space<vmem>>, vector<1x16xf32>,
        %get3A_1420 = vector.shape_cast %get3A_1419 : vector<1x16xf32> to vector<16xf32>
        %mul3A_1421 = vector.broadcast %squeeze3A_1346 : f32 to vector<16xf32>
        %mul3A_1422 = arith.mulf %get3A_1420, %mul3A_1421 : vector<16xf32>
        %swap3A_1423 = arith.index_cast %add3A_1350 : i32 to index
        %swap3A_1424 = arith.constant 96 : index
        %swap3A_1425 = tpu.vector_load %arg11[%swap3A_1423, %swap3A_1424] {strides = array<i32>} : memref<128x128xf32, #tpu.memory_space<vmem>>, vector<1x16xf32>,
        %swap3A_1426 = vector.shape_cast %swap3A_1425 : vector<1x16xf32> to vector<16xf32>
        %swap3A_1427 = vector.shape_cast %mul3A_1422 : vector<16xf32> to vector<1x16xf32>
        tpu.vector_store %arg11[%swap3A_1423, %swap3A_1424], %swap3A_1427 {strides = array<i32>} : memref<128x128xf32, #tpu.memory_space<vmem>>, vector<1x16xf32>,
        %get3A_1428 = arith.index_cast %add3A_1350 : i32 to index
        %get3A_1429 = arith.constant 112 : index
        %get3A_1430 = tpu.vector_load %arg11[%get3A_1428, %get3A_1429] {strides = array<i32>} : memref<128x128xf32, #tpu.memory_space<vmem>>, vector<1x16xf32>,
        %get3A_1431 = vector.shape_cast %get3A_1430 : vector<1x16xf32> to vector<16xf32>
        %mul3A_1432 = vector.broadcast %squeeze3A_1346 : f32 to vector<16xf32>
        %mul3A_1433 = arith.mulf %get3A_1431, %mul3A_1432 : vector<16xf32>
        %swap3A_1434 = arith.index_cast %add3A_1350 : i32 to index
        %swap3A_1435 = arith.constant 112 : index
        %swap3A_1436 = tpu.vector_load %arg11[%swap3A_1434, %swap3A_1435] {strides = array<i32>} : memref<128x128xf32, #tpu.memory_space<vmem>>, vector<1x16xf32>,
        %swap3A_1437 = vector.shape_cast %swap3A_1436 : vector<1x16xf32> to vector<16xf32>
        %swap3A_1438 = vector.shape_cast %mul3A_1433 : vector<16xf32> to vector<1x16xf32>
        tpu.vector_store %arg11[%swap3A_1434, %swap3A_1435], %swap3A_1438 {strides = array<i32>} : memref<128x128xf32, #tpu.memory_space<vmem>>, vector<1x16xf32>,
        %slice3A_1439 = vector.extract_strided_slice %get3A_31 {offsets = [15], sizes = [1], strides = [1]} : vector<16xf32> to vector<1xf32>
        %squeeze3A_1440 = vector.extract %slice3A_1439[0] : f32 from vector<1xf32>
        %mul3A_1441 = arith.constant 16 : i32
        %mul3A_1442 = arith.muli %scan3A_26, %mul3A_1441 : i32
        %add3A_1443 = arith.constant 15 : i32
        %add3A_1444 = arith.addi %mul3A_1442, %add3A_1443 : i32
        %get3A_1445 = arith.index_cast %add3A_1444 : i32 to index
        %get3A_1446 = arith.constant 0 : index
        %get3A_1447 = tpu.vector_load %arg11[%get3A_1445, %get3A_1446] {strides = array<i32>} : memref<128x128xf32, #tpu.memory_space<vmem>>, vector<1x16xf32>,
        %get3A_1448 = vector.shape_cast %get3A_1447 : vector<1x16xf32> to vector<16xf32>
        %mul3A_1449 = vector.broadcast %squeeze3A_1440 : f32 to vector<16xf32>
        %mul3A_1450 = arith.mulf %get3A_1448, %mul3A_1449 : vector<16xf32>
        %swap3A_1451 = arith.index_cast %add3A_1444 : i32 to index
        %swap3A_1452 = arith.constant 0 : index
        %swap3A_1453 = tpu.vector_load %arg11[%swap3A_1451, %swap3A_1452] {strides = array<i32>} : memref<128x128xf32, #tpu.memory_space<vmem>>, vector<1x16xf32>,
        %swap3A_1454 = vector.shape_cast %swap3A_1453 : vector<1x16xf32> to vector<16xf32>
        %swap3A_1455 = vector.shape_cast %mul3A_1450 : vector<16xf32> to vector<1x16xf32>
        tpu.vector_store %arg11[%swap3A_1451, %swap3A_1452], %swap3A_1455 {strides = array<i32>} : memref<128x128xf32, #tpu.memory_space<vmem>>, vector<1x16xf32>,
        %get3A_1456 = arith.index_cast %add3A_1444 : i32 to index
        %get3A_1457 = arith.constant 16 : index
        %get3A_1458 = tpu.vector_load %arg11[%get3A_1456, %get3A_1457] {strides = array<i32>} : memref<128x128xf32, #tpu.memory_space<vmem>>, vector<1x16xf32>,
        %get3A_1459 = vector.shape_cast %get3A_1458 : vector<1x16xf32> to vector<16xf32>
        %mul3A_1460 = vector.broadcast %squeeze3A_1440 : f32 to vector<16xf32>
        %mul3A_1461 = arith.mulf %get3A_1459, %mul3A_1460 : vector<16xf32>
        %swap3A_1462 = arith.index_cast %add3A_1444 : i32 to index
        %swap3A_1463 = arith.constant 16 : index
        %swap3A_1464 = tpu.vector_load %arg11[%swap3A_1462, %swap3A_1463] {strides = array<i32>} : memref<128x128xf32, #tpu.memory_space<vmem>>, vector<1x16xf32>,
        %swap3A_1465 = vector.shape_cast %swap3A_1464 : vector<1x16xf32> to vector<16xf32>
        %swap3A_1466 = vector.shape_cast %mul3A_1461 : vector<16xf32> to vector<1x16xf32>
        tpu.vector_store %arg11[%swap3A_1462, %swap3A_1463], %swap3A_1466 {strides = array<i32>} : memref<128x128xf32, #tpu.memory_space<vmem>>, vector<1x16xf32>,
        %get3A_1467 = arith.index_cast %add3A_1444 : i32 to index
        %get3A_1468 = arith.constant 32 : index
        %get3A_1469 = tpu.vector_load %arg11[%get3A_1467, %get3A_1468] {strides = array<i32>} : memref<128x128xf32, #tpu.memory_space<vmem>>, vector<1x16xf32>,
        %get3A_1470 = vector.shape_cast %get3A_1469 : vector<1x16xf32> to vector<16xf32>
        %mul3A_1471 = vector.broadcast %squeeze3A_1440 : f32 to vector<16xf32>
        %mul3A_1472 = arith.mulf %get3A_1470, %mul3A_1471 : vector<16xf32>
        %swap3A_1473 = arith.index_cast %add3A_1444 : i32 to index
        %swap3A_1474 = arith.constant 32 : index
        %swap3A_1475 = tpu.vector_load %arg11[%swap3A_1473, %swap3A_1474] {strides = array<i32>} : memref<128x128xf32, #tpu.memory_space<vmem>>, vector<1x16xf32>,
        %swap3A_1476 = vector.shape_cast %swap3A_1475 : vector<1x16xf32> to vector<16xf32>
        %swap3A_1477 = vector.shape_cast %mul3A_1472 : vector<16xf32> to vector<1x16xf32>
        tpu.vector_store %arg11[%swap3A_1473, %swap3A_1474], %swap3A_1477 {strides = array<i32>} : memref<128x128xf32, #tpu.memory_space<vmem>>, vector<1x16xf32>,
        %get3A_1478 = arith.index_cast %add3A_1444 : i32 to index
        %get3A_1479 = arith.constant 48 : index
        %get3A_1480 = tpu.vector_load %arg11[%get3A_1478, %get3A_1479] {strides = array<i32>} : memref<128x128xf32, #tpu.memory_space<vmem>>, vector<1x16xf32>,
        %get3A_1481 = vector.shape_cast %get3A_1480 : vector<1x16xf32> to vector<16xf32>
        %mul3A_1482 = vector.broadcast %squeeze3A_1440 : f32 to vector<16xf32>
        %mul3A_1483 = arith.mulf %get3A_1481, %mul3A_1482 : vector<16xf32>
        %swap3A_1484 = arith.index_cast %add3A_1444 : i32 to index
        %swap3A_1485 = arith.constant 48 : index
        %swap3A_1486 = tpu.vector_load %arg11[%swap3A_1484, %swap3A_1485] {strides = array<i32>} : memref<128x128xf32, #tpu.memory_space<vmem>>, vector<1x16xf32>,
        %swap3A_1487 = vector.shape_cast %swap3A_1486 : vector<1x16xf32> to vector<16xf32>
        %swap3A_1488 = vector.shape_cast %mul3A_1483 : vector<16xf32> to vector<1x16xf32>
        tpu.vector_store %arg11[%swap3A_1484, %swap3A_1485], %swap3A_1488 {strides = array<i32>} : memref<128x128xf32, #tpu.memory_space<vmem>>, vector<1x16xf32>,
        %get3A_1489 = arith.index_cast %add3A_1444 : i32 to index
        %get3A_1490 = arith.constant 64 : index
        %get3A_1491 = tpu.vector_load %arg11[%get3A_1489, %get3A_1490] {strides = array<i32>} : memref<128x128xf32, #tpu.memory_space<vmem>>, vector<1x16xf32>,
        %get3A_1492 = vector.shape_cast %get3A_1491 : vector<1x16xf32> to vector<16xf32>
        %mul3A_1493 = vector.broadcast %squeeze3A_1440 : f32 to vector<16xf32>
        %mul3A_1494 = arith.mulf %get3A_1492, %mul3A_1493 : vector<16xf32>
        %swap3A_1495 = arith.index_cast %add3A_1444 : i32 to index
        %swap3A_1496 = arith.constant 64 : index
        %swap3A_1497 = tpu.vector_load %arg11[%swap3A_1495, %swap3A_1496] {strides = array<i32>} : memref<128x128xf32, #tpu.memory_space<vmem>>, vector<1x16xf32>,
        %swap3A_1498 = vector.shape_cast %swap3A_1497 : vector<1x16xf32> to vector<16xf32>
        %swap3A_1499 = vector.shape_cast %mul3A_1494 : vector<16xf32> to vector<1x16xf32>
        tpu.vector_store %arg11[%swap3A_1495, %swap3A_1496], %swap3A_1499 {strides = array<i32>} : memref<128x128xf32, #tpu.memory_space<vmem>>, vector<1x16xf32>,
        %get3A_1500 = arith.index_cast %add3A_1444 : i32 to index
        %get3A_1501 = arith.constant 80 : index
        %get3A_1502 = tpu.vector_load %arg11[%get3A_1500, %get3A_1501] {strides = array<i32>} : memref<128x128xf32, #tpu.memory_space<vmem>>, vector<1x16xf32>,
        %get3A_1503 = vector.shape_cast %get3A_1502 : vector<1x16xf32> to vector<16xf32>
        %mul3A_1504 = vector.broadcast %squeeze3A_1440 : f32 to vector<16xf32>
        %mul3A_1505 = arith.mulf %get3A_1503, %mul3A_1504 : vector<16xf32>
        %swap3A_1506 = arith.index_cast %add3A_1444 : i32 to index
        %swap3A_1507 = arith.constant 80 : index
        %swap3A_1508 = tpu.vector_load %arg11[%swap3A_1506, %swap3A_1507] {strides = array<i32>} : memref<128x128xf32, #tpu.memory_space<vmem>>, vector<1x16xf32>,
        %swap3A_1509 = vector.shape_cast %swap3A_1508 : vector<1x16xf32> to vector<16xf32>
        %swap3A_1510 = vector.shape_cast %mul3A_1505 : vector<16xf32> to vector<1x16xf32>
        tpu.vector_store %arg11[%swap3A_1506, %swap3A_1507], %swap3A_1510 {strides = array<i32>} : memref<128x128xf32, #tpu.memory_space<vmem>>, vector<1x16xf32>,
        %get3A_1511 = arith.index_cast %add3A_1444 : i32 to index
        %get3A_1512 = arith.constant 96 : index
        %get3A_1513 = tpu.vector_load %arg11[%get3A_1511, %get3A_1512] {strides = array<i32>} : memref<128x128xf32, #tpu.memory_space<vmem>>, vector<1x16xf32>,
        %get3A_1514 = vector.shape_cast %get3A_1513 : vector<1x16xf32> to vector<16xf32>
        %mul3A_1515 = vector.broadcast %squeeze3A_1440 : f32 to vector<16xf32>
        %mul3A_1516 = arith.mulf %get3A_1514, %mul3A_1515 : vector<16xf32>
        %swap3A_1517 = arith.index_cast %add3A_1444 : i32 to index
        %swap3A_1518 = arith.constant 96 : index
        %swap3A_1519 = tpu.vector_load %arg11[%swap3A_1517, %swap3A_1518] {strides = array<i32>} : memref<128x128xf32, #tpu.memory_space<vmem>>, vector<1x16xf32>,
        %swap3A_1520 = vector.shape_cast %swap3A_1519 : vector<1x16xf32> to vector<16xf32>
        %swap3A_1521 = vector.shape_cast %mul3A_1516 : vector<16xf32> to vector<1x16xf32>
        tpu.vector_store %arg11[%swap3A_1517, %swap3A_1518], %swap3A_1521 {strides = array<i32>} : memref<128x128xf32, #tpu.memory_space<vmem>>, vector<1x16xf32>,
        %get3A_1522 = arith.index_cast %add3A_1444 : i32 to index
        %get3A_1523 = arith.constant 112 : index
        %get3A_1524 = tpu.vector_load %arg11[%get3A_1522, %get3A_1523] {strides = array<i32>} : memref<128x128xf32, #tpu.memory_space<vmem>>, vector<1x16xf32>,
        %get3A_1525 = vector.shape_cast %get3A_1524 : vector<1x16xf32> to vector<16xf32>
        %mul3A_1526 = vector.broadcast %squeeze3A_1440 : f32 to vector<16xf32>
        %mul3A_1527 = arith.mulf %get3A_1525, %mul3A_1526 : vector<16xf32>
        %swap3A_1528 = arith.index_cast %add3A_1444 : i32 to index
        %swap3A_1529 = arith.constant 112 : index
        %swap3A_1530 = tpu.vector_load %arg11[%swap3A_1528, %swap3A_1529] {strides = array<i32>} : memref<128x128xf32, #tpu.memory_space<vmem>>, vector<1x16xf32>,
        %swap3A_1531 = vector.shape_cast %swap3A_1530 : vector<1x16xf32> to vector<16xf32>
        %swap3A_1532 = vector.shape_cast %mul3A_1527 : vector<16xf32> to vector<1x16xf32>
        tpu.vector_store %arg11[%swap3A_1528, %swap3A_1529], %swap3A_1532 {strides = array<i32>} : memref<128x128xf32, #tpu.memory_space<vmem>>, vector<1x16xf32>,
      }
      %scan3A_25 = arith.constant 8 : i32
      "tpu.region"() ({
        %run_scoped3A = tpu.sem_alloc : memref<!tpu.dma_semaphore, #tpu.memory_space<semaphore_mem>>
        %dma_start3A_26 = arith.constant 0 : i32
        %dma_start3A_27 = tpu.memref_slice %arg9[%scan3A_9, %dma_start3A_26] : memref<79x128xi32, #tpu.memory_space<vmem>> -> memref<1x128xi32, #tpu.memory_space<vmem>>
        %dma_start3A_28 = tpu.memref_squeeze %dma_start3A_27 : memref<1x128xi32, #tpu.memory_space<vmem>> -> memref<128xi32, #tpu.memory_space<vmem>>
        %dma_start3A_29 = arith.constant 0 : i32
        %dma_start3A_30 = arith.constant 0 : i32
        %dma_start3A_31 = tpu.memref_slice %arg12[%dma_start3A_29, %dma_start3A_30] : memref<10240x128xf32, #tpu.memory_space<vmem_shared>> -> memref<10240x128xf32, #tpu.memory_space<vmem_shared>>
        tpu.enqueue_indirect_dma source(%arg11 : memref<128x128xf32, #tpu.memory_space<vmem>>) target(%dma_start3A_31 : memref<10240x128xf32, #tpu.memory_space<vmem_shared>>) offsets(%dma_start3A_28 : memref<128xi32, #tpu.memory_space<vmem>>) semaphore(%run_scoped3A : memref<!tpu.dma_semaphore, #tpu.memory_space<semaphore_mem>>) {add = true}
        %dma_wait3A_32 = arith.constant 0 : i32
        %dma_wait3A_33 = tpu.memref_slice %arg9[%scan3A_9, %dma_wait3A_32] : memref<79x128xi32, #tpu.memory_space<vmem>> -> memref<1x128xi32, #tpu.memory_space<vmem>>
        %dma_wait3A_34 = tpu.memref_squeeze %dma_wait3A_33 : memref<1x128xi32, #tpu.memory_space<vmem>> -> memref<128xi32, #tpu.memory_space<vmem>>
        %dma_wait3A_35 = arith.constant 0 : i32
        %dma_wait3A_36 = arith.constant 0 : i32
        %dma_wait3A_37 = tpu.memref_slice %arg12[%dma_wait3A_35, %dma_wait3A_36] : memref<10240x128xf32, #tpu.memory_space<vmem_shared>> -> memref<10240x128xf32, #tpu.memory_space<vmem_shared>>
        tpu.wait_indirect_dma semaphore(%run_scoped3A : memref<!tpu.dma_semaphore, #tpu.memory_space<semaphore_mem>>) src(%arg11 : memref<128x128xf32, #tpu.memory_space<vmem>>) dst(%dma_wait3A_37 : memref<10240x128xf32, #tpu.memory_space<vmem_shared>>)
        tpu.yield
      }) : () -> ()
    }
    %scan3A_7 = arith.constant 79 : i32
    %barrier3A_8 = arith.constant 0 : index
    tpu.barrier barrier_id(%barrier3A_8)
    "tpu.region"() ({
      %run_scoped3A = tpu.sem_alloc : memref<!tpu.dma_semaphore, #tpu.memory_space<semaphore_mem>>
      %dma_start3A = arith.constant 0 : i32
      %dma_start3A_9 = tpu.memref_slice %arg7[%arg0, %mul3A_2, %dma_start3A] : memref<2x10240x128xf32, #tpu.memory_space<hbm>> -> memref<1x640x128xf32, #tpu.memory_space<hbm>>
      %dma_start3A_10 = tpu.memref_squeeze %dma_start3A_9 : memref<1x640x128xf32, #tpu.memory_space<hbm>> -> memref<640x128xf32, #tpu.memory_space<hbm>>
      %dma_start3A_11 = arith.constant 0 : i32
      %dma_start3A_12 = tpu.memref_slice %arg12[%mul3A_2, %dma_start3A_11] : memref<10240x128xf32, #tpu.memory_space<vmem_shared>> -> memref<640x128xf32, #tpu.memory_space<vmem_shared>>
      tpu.enqueue_dma source(%dma_start3A_12 : memref<640x128xf32, #tpu.memory_space<vmem_shared>>) target(%dma_start3A_10 : memref<640x128xf32, #tpu.memory_space<hbm>>) target_semaphore(%run_scoped3A : memref<!tpu.dma_semaphore, #tpu.memory_space<semaphore_mem>>)
      %dma_wait3A = arith.constant 0 : i32
      %dma_wait3A_13 = tpu.memref_slice %arg7[%arg0, %mul3A_2, %dma_wait3A] : memref<2x10240x128xf32, #tpu.memory_space<hbm>> -> memref<1x640x128xf32, #tpu.memory_space<hbm>>
      %dma_wait3A_14 = tpu.memref_squeeze %dma_wait3A_13 : memref<1x640x128xf32, #tpu.memory_space<hbm>> -> memref<640x128xf32, #tpu.memory_space<hbm>>
      %dma_wait3A_15 = arith.constant 0 : i32
      %dma_wait3A_16 = tpu.memref_slice %arg12[%mul3A_2, %dma_wait3A_15] : memref<10240x128xf32, #tpu.memory_space<vmem_shared>> -> memref<640x128xf32, #tpu.memory_space<vmem_shared>>
      tpu.wait_dma2 semaphore(%run_scoped3A : memref<!tpu.dma_semaphore, #tpu.memory_space<semaphore_mem>>) src(%dma_wait3A_16 : memref<640x128xf32, #tpu.memory_space<vmem_shared>>) dst(%dma_wait3A_14 : memref<640x128xf32, #tpu.memory_space<hbm>>)
      tpu.yield
    }) : () -> ()
    return
  }
}

#map = affine_map<(d0, d1) -> (0, 0, 0)>
#map1 = affine_map<(d0, d1) -> (0)>
#map2 = affine_map<(d0, d1) -> (0, 0)>
module attributes {stable_mosaic.version = 14 : i64} {
  func.func @_sc_deg(%arg0: i32, %arg1: i32, %arg2: memref<32x79x128xi32, #tpu.memory_space<hbm>>, %arg3: memref<32x79x128xf32, #tpu.memory_space<hbm>>, %arg4: memref<10240xf32, #tpu.memory_space<hbm>>, %arg5: memref<2x10240xf32, #tpu.memory_space<hbm>>, %arg6: memref<79x128xi32, #tpu.memory_space<vmem>>, %arg7: memref<79x128xf32, #tpu.memory_space<vmem>>, %arg8: memref<10240xf32, #tpu.memory_space<vmem_shared>>, %arg9: memref<!tpu.dma_semaphore, #tpu.memory_space<semaphore_mem>>) attributes {dimension_semantics = [#tpu.dimension_semantics<core_parallel>, #tpu.dimension_semantics<subcore_parallel>], iteration_bounds = array<i64: 2, 16>, scalar_prefetch = 0 : i64, scratch_operands = 4 : i64, tpu.core_type = #tpu.core_type<sc_vector_subcore>, window_params = [{transform_indices = #map}, {transform_indices = #map}, {transform_indices = #map1}, {transform_indices = #map2}]} {
    %mul3A = arith.constant 2 : i32
    %mul3A_0 = arith.muli %arg1, %mul3A : i32
    %add3A = arith.addi %mul3A_0, %arg0 : i32
    %mul3A_1 = arith.constant 640 : i32
    %mul3A_2 = arith.muli %arg1, %mul3A_1 : i32
    "tpu.region"() ({
      %run_scoped3A = tpu.sem_alloc : memref<!tpu.dma_semaphore, #tpu.memory_space<semaphore_mem>>
      %dma_start3A = tpu.memref_slice %arg8[%mul3A_2] : memref<10240xf32, #tpu.memory_space<vmem_shared>> -> memref<640xf32, #tpu.memory_space<vmem_shared>>
      %dma_start3A_9 = tpu.memref_slice %arg4[%mul3A_2] : memref<10240xf32, #tpu.memory_space<hbm>> -> memref<640xf32, #tpu.memory_space<hbm>>
      tpu.enqueue_dma source(%dma_start3A_9 : memref<640xf32, #tpu.memory_space<hbm>>) target(%dma_start3A : memref<640xf32, #tpu.memory_space<vmem_shared>>) target_semaphore(%run_scoped3A : memref<!tpu.dma_semaphore, #tpu.memory_space<semaphore_mem>>)
      %dma_wait3A = tpu.memref_slice %arg8[%mul3A_2] : memref<10240xf32, #tpu.memory_space<vmem_shared>> -> memref<640xf32, #tpu.memory_space<vmem_shared>>
      %dma_wait3A_10 = tpu.memref_slice %arg4[%mul3A_2] : memref<10240xf32, #tpu.memory_space<hbm>> -> memref<640xf32, #tpu.memory_space<hbm>>
      tpu.wait_dma2 semaphore(%run_scoped3A : memref<!tpu.dma_semaphore, #tpu.memory_space<semaphore_mem>>) src(%dma_wait3A_10 : memref<640xf32, #tpu.memory_space<hbm>>) dst(%dma_wait3A : memref<640xf32, #tpu.memory_space<vmem_shared>>)
      tpu.yield
    }) : () -> ()
    %barrier3A = arith.constant 0 : index
    tpu.barrier barrier_id(%barrier3A)
    "tpu.region"() ({
      %run_scoped3A = tpu.sem_alloc : memref<!tpu.dma_semaphore, #tpu.memory_space<semaphore_mem>>
      %dma_start3A = arith.constant 0 : i32
      %dma_start3A_9 = arith.constant 0 : i32
      %dma_start3A_10 = tpu.memref_slice %arg2[%add3A, %dma_start3A, %dma_start3A_9] : memref<32x79x128xi32, #tpu.memory_space<hbm>> -> memref<1x79x128xi32, #tpu.memory_space<hbm>>
      %dma_start3A_11 = tpu.memref_squeeze %dma_start3A_10 : memref<1x79x128xi32, #tpu.memory_space<hbm>> -> memref<79x128xi32, #tpu.memory_space<hbm>>
      %dma_start3A_12 = arith.constant 0 : i32
      %dma_start3A_13 = arith.constant 0 : i32
      %dma_start3A_14 = tpu.memref_slice %arg2[%add3A, %dma_start3A_12, %dma_start3A_13] : memref<32x79x128xi32, #tpu.memory_space<hbm>> -> memref<1x79x128xi32, #tpu.memory_space<hbm>>
      %dma_start3A_15 = tpu.memref_squeeze %dma_start3A_14 : memref<1x79x128xi32, #tpu.memory_space<hbm>> -> memref<79x128xi32, #tpu.memory_space<hbm>>
      tpu.enqueue_dma source(%dma_start3A_15 : memref<79x128xi32, #tpu.memory_space<hbm>>) target(%arg6 : memref<79x128xi32, #tpu.memory_space<vmem>>) target_semaphore(%run_scoped3A : memref<!tpu.dma_semaphore, #tpu.memory_space<semaphore_mem>>)
      %dma_wait3A = arith.constant 0 : i32
      %dma_wait3A_16 = arith.constant 0 : i32
      %dma_wait3A_17 = tpu.memref_slice %arg2[%add3A, %dma_wait3A, %dma_wait3A_16] : memref<32x79x128xi32, #tpu.memory_space<hbm>> -> memref<1x79x128xi32, #tpu.memory_space<hbm>>
      %dma_wait3A_18 = tpu.memref_squeeze %dma_wait3A_17 : memref<1x79x128xi32, #tpu.memory_space<hbm>> -> memref<79x128xi32, #tpu.memory_space<hbm>>
      %dma_wait3A_19 = arith.constant 0 : i32
      %dma_wait3A_20 = arith.constant 0 : i32
      %dma_wait3A_21 = tpu.memref_slice %arg2[%add3A, %dma_wait3A_19, %dma_wait3A_20] : memref<32x79x128xi32, #tpu.memory_space<hbm>> -> memref<1x79x128xi32, #tpu.memory_space<hbm>>
      %dma_wait3A_22 = tpu.memref_squeeze %dma_wait3A_21 : memref<1x79x128xi32, #tpu.memory_space<hbm>> -> memref<79x128xi32, #tpu.memory_space<hbm>>
      tpu.wait_dma2 semaphore(%run_scoped3A : memref<!tpu.dma_semaphore, #tpu.memory_space<semaphore_mem>>) src(%dma_wait3A_22 : memref<79x128xi32, #tpu.memory_space<hbm>>) dst(%arg6 : memref<79x128xi32, #tpu.memory_space<vmem>>)
      tpu.yield
    }) : () -> ()
    "tpu.region"() ({
      %run_scoped3A = tpu.sem_alloc : memref<!tpu.dma_semaphore, #tpu.memory_space<semaphore_mem>>
      %dma_start3A = arith.constant 0 : i32
      %dma_start3A_9 = arith.constant 0 : i32
      %dma_start3A_10 = tpu.memref_slice %arg3[%add3A, %dma_start3A, %dma_start3A_9] : memref<32x79x128xf32, #tpu.memory_space<hbm>> -> memref<1x79x128xf32, #tpu.memory_space<hbm>>
      %dma_start3A_11 = tpu.memref_squeeze %dma_start3A_10 : memref<1x79x128xf32, #tpu.memory_space<hbm>> -> memref<79x128xf32, #tpu.memory_space<hbm>>
      %dma_start3A_12 = arith.constant 0 : i32
      %dma_start3A_13 = arith.constant 0 : i32
      %dma_start3A_14 = tpu.memref_slice %arg3[%add3A, %dma_start3A_12, %dma_start3A_13] : memref<32x79x128xf32, #tpu.memory_space<hbm>> -> memref<1x79x128xf32, #tpu.memory_space<hbm>>
      %dma_start3A_15 = tpu.memref_squeeze %dma_start3A_14 : memref<1x79x128xf32, #tpu.memory_space<hbm>> -> memref<79x128xf32, #tpu.memory_space<hbm>>
      tpu.enqueue_dma source(%dma_start3A_15 : memref<79x128xf32, #tpu.memory_space<hbm>>) target(%arg7 : memref<79x128xf32, #tpu.memory_space<vmem>>) target_semaphore(%run_scoped3A : memref<!tpu.dma_semaphore, #tpu.memory_space<semaphore_mem>>)
      %dma_wait3A = arith.constant 0 : i32
      %dma_wait3A_16 = arith.constant 0 : i32
      %dma_wait3A_17 = tpu.memref_slice %arg3[%add3A, %dma_wait3A, %dma_wait3A_16] : memref<32x79x128xf32, #tpu.memory_space<hbm>> -> memref<1x79x128xf32, #tpu.memory_space<hbm>>
      %dma_wait3A_18 = tpu.memref_squeeze %dma_wait3A_17 : memref<1x79x128xf32, #tpu.memory_space<hbm>> -> memref<79x128xf32, #tpu.memory_space<hbm>>
      %dma_wait3A_19 = arith.constant 0 : i32
      %dma_wait3A_20 = arith.constant 0 : i32
      %dma_wait3A_21 = tpu.memref_slice %arg3[%add3A, %dma_wait3A_19, %dma_wait3A_20] : memref<32x79x128xf32, #tpu.memory_space<hbm>> -> memref<1x79x128xf32, #tpu.memory_space<hbm>>
      %dma_wait3A_22 = tpu.memref_squeeze %dma_wait3A_21 : memref<1x79x128xf32, #tpu.memory_space<hbm>> -> memref<79x128xf32, #tpu.memory_space<hbm>>
      tpu.wait_dma2 semaphore(%run_scoped3A : memref<!tpu.dma_semaphore, #tpu.memory_space<semaphore_mem>>) src(%dma_wait3A_22 : memref<79x128xf32, #tpu.memory_space<hbm>>) dst(%arg7 : memref<79x128xf32, #tpu.memory_space<vmem>>)
      tpu.yield
    }) : () -> ()
    %scan3A = arith.constant 0 : i32
    %scan3A_3 = arith.constant 0 : i32
    %scan3A_4 = arith.constant 79 : i32
    %scan3A_5 = arith.addi %scan3A_3, %scan3A_4 : i32
    %scan3A_6 = arith.constant 1 : i32
    scf.for %scan3A_9 = %scan3A_3 to %scan3A_5 step %scan3A_6  : i32 {
      "tpu.region"() ({
        %run_scoped3A = tpu.sem_alloc : memref<!tpu.dma_semaphore, #tpu.memory_space<semaphore_mem>>
        %dma_start3A = arith.constant 0 : i32
        %dma_start3A_10 = tpu.memref_slice %arg7[%scan3A_9, %dma_start3A] : memref<79x128xf32, #tpu.memory_space<vmem>> -> memref<1x128xf32, #tpu.memory_space<vmem>>
        %dma_start3A_11 = tpu.memref_squeeze %dma_start3A_10 : memref<1x128xf32, #tpu.memory_space<vmem>> -> memref<128xf32, #tpu.memory_space<vmem>>
        %dma_start3A_12 = arith.constant 0 : i32
        %dma_start3A_13 = tpu.memref_slice %arg6[%scan3A_9, %dma_start3A_12] : memref<79x128xi32, #tpu.memory_space<vmem>> -> memref<1x128xi32, #tpu.memory_space<vmem>>
        %dma_start3A_14 = tpu.memref_squeeze %dma_start3A_13 : memref<1x128xi32, #tpu.memory_space<vmem>> -> memref<128xi32, #tpu.memory_space<vmem>>
        %dma_start3A_15 = arith.constant 0 : i32
        %dma_start3A_16 = tpu.memref_slice %arg8[%dma_start3A_15] : memref<10240xf32, #tpu.memory_space<vmem_shared>> -> memref<10240xf32, #tpu.memory_space<vmem_shared>>
        tpu.enqueue_indirect_dma source(%dma_start3A_11 : memref<128xf32, #tpu.memory_space<vmem>>) target(%dma_start3A_16 : memref<10240xf32, #tpu.memory_space<vmem_shared>>) offsets(%dma_start3A_14 : memref<128xi32, #tpu.memory_space<vmem>>) semaphore(%run_scoped3A : memref<!tpu.dma_semaphore, #tpu.memory_space<semaphore_mem>>) {add = true}
        %dma_wait3A = arith.constant 0 : i32
        %dma_wait3A_17 = tpu.memref_slice %arg7[%scan3A_9, %dma_wait3A] : memref<79x128xf32, #tpu.memory_space<vmem>> -> memref<1x128xf32, #tpu.memory_space<vmem>>
        %dma_wait3A_18 = tpu.memref_squeeze %dma_wait3A_17 : memref<1x128xf32, #tpu.memory_space<vmem>> -> memref<128xf32, #tpu.memory_space<vmem>>
        %dma_wait3A_19 = arith.constant 0 : i32
        %dma_wait3A_20 = tpu.memref_slice %arg6[%scan3A_9, %dma_wait3A_19] : memref<79x128xi32, #tpu.memory_space<vmem>> -> memref<1x128xi32, #tpu.memory_space<vmem>>
        %dma_wait3A_21 = tpu.memref_squeeze %dma_wait3A_20 : memref<1x128xi32, #tpu.memory_space<vmem>> -> memref<128xi32, #tpu.memory_space<vmem>>
        %dma_wait3A_22 = arith.constant 0 : i32
        %dma_wait3A_23 = tpu.memref_slice %arg8[%dma_wait3A_22] : memref<10240xf32, #tpu.memory_space<vmem_shared>> -> memref<10240xf32, #tpu.memory_space<vmem_shared>>
        tpu.wait_indirect_dma semaphore(%run_scoped3A : memref<!tpu.dma_semaphore, #tpu.memory_space<semaphore_mem>>) src(%dma_wait3A_18 : memref<128xf32, #tpu.memory_space<vmem>>) dst(%dma_wait3A_23 : memref<10240xf32, #tpu.memory_space<vmem_shared>>)
        tpu.yield
      }) : () -> ()
    }
    %scan3A_7 = arith.constant 79 : i32
    %barrier3A_8 = arith.constant 0 : index
    tpu.barrier barrier_id(%barrier3A_8)
    "tpu.region"() ({
      %run_scoped3A = tpu.sem_alloc : memref<!tpu.dma_semaphore, #tpu.memory_space<semaphore_mem>>
      %dma_start3A = tpu.memref_slice %arg5[%arg0, %mul3A_2] : memref<2x10240xf32, #tpu.memory_space<hbm>> -> memref<1x640xf32, #tpu.memory_space<hbm>>
      %dma_start3A_9 = tpu.memref_squeeze %dma_start3A : memref<1x640xf32, #tpu.memory_space<hbm>> -> memref<640xf32, #tpu.memory_space<hbm>>
      %dma_start3A_10 = tpu.memref_slice %arg8[%mul3A_2] : memref<10240xf32, #tpu.memory_space<vmem_shared>> -> memref<640xf32, #tpu.memory_space<vmem_shared>>
      tpu.enqueue_dma source(%dma_start3A_10 : memref<640xf32, #tpu.memory_space<vmem_shared>>) target(%dma_start3A_9 : memref<640xf32, #tpu.memory_space<hbm>>) target_semaphore(%run_scoped3A : memref<!tpu.dma_semaphore, #tpu.memory_space<semaphore_mem>>)
      %dma_wait3A = tpu.memref_slice %arg5[%arg0, %mul3A_2] : memref<2x10240xf32, #tpu.memory_space<hbm>> -> memref<1x640xf32, #tpu.memory_space<hbm>>
      %dma_wait3A_11 = tpu.memref_squeeze %dma_wait3A : memref<1x640xf32, #tpu.memory_space<hbm>> -> memref<640xf32, #tpu.memory_space<hbm>>
      %dma_wait3A_12 = tpu.memref_slice %arg8[%mul3A_2] : memref<10240xf32, #tpu.memory_space<vmem_shared>> -> memref<640xf32, #tpu.memory_space<vmem_shared>>
      tpu.wait_dma2 semaphore(%run_scoped3A : memref<!tpu.dma_semaphore, #tpu.memory_space<semaphore_mem>>) src(%dma_wait3A_12 : memref<640xf32, #tpu.memory_space<vmem_shared>>) dst(%dma_wait3A_11 : memref<640xf32, #tpu.memory_space<hbm>>)
      tpu.yield
    }) : () -> ()
    return
  }
}

module attributes {stable_mosaic.version = 14 : i64} {
  func.func @_prep_body(%arg0: memref<2x10000x1xf32, #tpu.memory_space<vmem>>, %arg1: memref<10000x128xf32, #tpu.memory_space<vmem>>, %arg2: memref<10000x1xf32, #tpu.memory_space<vmem>>, %arg3: memref<10000x128xf32, #tpu.memory_space<vmem>>) attributes {dimension_semantics = [], scalar_prefetch = 0 : i64, scratch_operands = 0 : i64, tpu.core_type = #tpu.core_type<tc>} {
    %get3A = arith.constant 0 : index
    %get3A_0 = arith.constant 0 : index
    %get3A_1 = arith.constant 0 : index
    %get3A_2 = vector.load %arg0[%get3A, %get3A_0, %get3A_1] : memref<2x10000x1xf32, #tpu.memory_space<vmem>>, vector<1x10000x1xf32>
    %get3A_3 = vector.shape_cast %get3A_2 : vector<1x10000x1xf32> to vector<10000x1xf32>
    %get3A_4 = arith.constant 1 : index
    %get3A_5 = arith.constant 0 : index
    %get3A_6 = arith.constant 0 : index
    %get3A_7 = vector.load %arg0[%get3A_4, %get3A_5, %get3A_6] : memref<2x10000x1xf32, #tpu.memory_space<vmem>>, vector<1x10000x1xf32>
    %get3A_8 = vector.shape_cast %get3A_7 : vector<1x10000x1xf32> to vector<10000x1xf32>
    %add3A = arith.addf %get3A_3, %get3A_8 : vector<10000x1xf32>
    %add3A_9 = arith.constant 1.000000e+00 : f32
    %add3A_10 = vector.broadcast %add3A_9 : f32 to vector<10000x1xf32>
    %add3A_11 = arith.addf %add3A, %add3A_10 : vector<10000x1xf32>
    %rsqrt3A = math.rsqrt %add3A_11 : vector<10000x1xf32>
    %swap3A = arith.constant 0 : index
    %swap3A_12 = arith.constant 0 : index
    %swap3A_13 = vector.load %arg2[%swap3A, %swap3A_12] : memref<10000x1xf32, #tpu.memory_space<vmem>>, vector<10000x1xf32>
    tpu.vector_store %arg2[%swap3A, %swap3A_12], %rsqrt3A {strides = array<i32>} : memref<10000x1xf32, #tpu.memory_space<vmem>>, vector<10000x1xf32>,
    %get3A_14 = arith.constant 0 : index
    %get3A_15 = arith.constant 0 : index
    %get3A_16 = vector.load %arg1[%get3A_14, %get3A_15] : memref<10000x128xf32, #tpu.memory_space<vmem>>, vector<10000x128xf32>
    %mul3A = vector.broadcast %rsqrt3A : vector<10000x1xf32> to vector<10000x128xf32>
    %mul3A_17 = arith.mulf %mul3A, %get3A_16 : vector<10000x128xf32>
    %swap3A_18 = arith.constant 0 : index
    %swap3A_19 = arith.constant 0 : index
    %swap3A_20 = vector.load %arg3[%swap3A_18, %swap3A_19] : memref<10000x128xf32, #tpu.memory_space<vmem>>, vector<10000x128xf32>
    tpu.vector_store %arg3[%swap3A_18, %swap3A_19], %mul3A_17 {strides = array<i32>} : memref<10000x128xf32, #tpu.memory_space<vmem>>, vector<10000x128xf32>,
    return
  }
}

module attributes {stable_mosaic.version = 14 : i64} {
  func.func @_mid_body(%arg0: i32, %arg1: memref<400x128xf32, #tpu.memory_space<vmem>>, %arg2: memref<400x128xf32, #tpu.memory_space<vmem>>, %arg3: memref<400x128xf32, #tpu.memory_space<vmem>>, %arg4: memref<400x1xf32, #tpu.memory_space<vmem>>, %arg5: memref<128x256xf32, #tpu.memory_space<vmem>>, %arg6: memref<1x256xf32, #tpu.memory_space<vmem>>, %arg7: memref<1x256xf32, #tpu.memory_space<vmem>>, %arg8: memref<1x256xf32, #tpu.memory_space<vmem>>, %arg9: memref<1x256xf32, #tpu.memory_space<vmem>>, %arg10: memref<1x256xf32, #tpu.memory_space<vmem>>, %arg11: memref<256x1024xf32, #tpu.memory_space<vmem>>, %arg12: memref<1x1024xf32, #tpu.memory_space<vmem>>, %arg13: memref<1x1024xf32, #tpu.memory_space<vmem>>, %arg14: memref<400x1024xf32, #tpu.memory_space<vmem>>) attributes {dimension_semantics = [#tpu.dimension_semantics<arbitrary>], iteration_bounds = array<i64: 25>, scalar_prefetch = 0 : i64, scratch_operands = 0 : i64, tpu.core_type = #tpu.core_type<tc>, window_params = [{transform_indices = @transform_0, window_bounds = array<i64: 400, 128>}, {transform_indices = @transform_1, window_bounds = array<i64: 400, 128>}, {transform_indices = @transform_2, window_bounds = array<i64: 400, 128>}, {transform_indices = @transform_3, window_bounds = array<i64: 400, 1>}, {pipeline_mode = #tpu.pipeline_mode<synchronous>, transform_indices = @transform_4, window_bounds = array<i64: 128, 256>}, {pipeline_mode = #tpu.pipeline_mode<synchronous>, transform_indices = @transform_5, window_bounds = array<i64: 1, 256>}, {pipeline_mode = #tpu.pipeline_mode<synchronous>, transform_indices = @transform_6, window_bounds = array<i64: 1, 256>}, {pipeline_mode = #tpu.pipeline_mode<synchronous>, transform_indices = @transform_7, window_bounds = array<i64: 1, 256>}, {pipeline_mode = #tpu.pipeline_mode<synchronous>, transform_indices = @transform_8, window_bounds = array<i64: 1, 256>}, {pipeline_mode = #tpu.pipeline_mode<synchronous>, transform_indices = @transform_9, window_bounds = array<i64: 1, 256>}, {pipeline_mode = #tpu.pipeline_mode<synchronous>, transform_indices = @transform_10, window_bounds = array<i64: 256, 1024>}, {pipeline_mode = #tpu.pipeline_mode<synchronous>, transform_indices = @transform_11, window_bounds = array<i64: 1, 1024>}, {pipeline_mode = #tpu.pipeline_mode<synchronous>, transform_indices = @transform_12, window_bounds = array<i64: 1, 1024>}, {transform_indices = @transform_13, window_bounds = array<i64: 400, 1024>}]} {
    %get3A = arith.constant 0 : index
    %get3A_0 = arith.constant 0 : index
    %get3A_1 = vector.load %arg1[%get3A, %get3A_0] : memref<400x128xf32, #tpu.memory_space<vmem>>, vector<400x128xf32>
    %get3A_2 = arith.constant 0 : index
    %get3A_3 = arith.constant 0 : index
    %get3A_4 = vector.load %arg2[%get3A_2, %get3A_3] : memref<400x128xf32, #tpu.memory_space<vmem>>, vector<400x128xf32>
    %add3A = arith.addf %get3A_1, %get3A_4 : vector<400x128xf32>
    %get3A_5 = arith.constant 0 : index
    %get3A_6 = arith.constant 0 : index
    %get3A_7 = vector.load %arg3[%get3A_5, %get3A_6] : memref<400x128xf32, #tpu.memory_space<vmem>>, vector<400x128xf32>
    %add3A_8 = arith.addf %add3A, %get3A_7 : vector<400x128xf32>
    %get3A_9 = arith.constant 0 : index
    %get3A_10 = arith.constant 0 : index
    %get3A_11 = vector.load %arg4[%get3A_9, %get3A_10] : memref<400x1xf32, #tpu.memory_space<vmem>>, vector<400x1xf32>
    %mul3A = vector.broadcast %get3A_11 : vector<400x1xf32> to vector<400x128xf32>
    %mul3A_12 = arith.mulf %add3A_8, %mul3A : vector<400x128xf32>
    %get3A_13 = arith.constant 0 : index
    %get3A_14 = arith.constant 0 : index
    %get3A_15 = vector.load %arg5[%get3A_13, %get3A_14] : memref<128x256xf32, #tpu.memory_space<vmem>>, vector<128x256xf32>
    %dot_general3A = arith.constant dense<0.000000e+00> : vector<400x256xf32>
    %dot_general3A_16 = tpu.matmul %mul3A_12, %get3A_15, %dot_general3A {dimension_numbers = #tpu.dot_dimension_numbers<[1], [0], [0], [1], [0, 0, 1, 1], [], []>, transpose_lhs_hint = false} : vector<400x128xf32>, vector<128x256xf32>, vector<400x256xf32> -> vector<400x256xf32>
    %get3A_17 = arith.constant 0 : index
    %get3A_18 = arith.constant 0 : index
    %get3A_19 = vector.load %arg6[%get3A_17, %get3A_18] : memref<1x256xf32, #tpu.memory_space<vmem>>, vector<1x256xf32>
    %add3A_20 = vector.broadcast %get3A_19 : vector<1x256xf32> to vector<400x256xf32>
    %add3A_21 = arith.addf %dot_general3A_16, %add3A_20 : vector<400x256xf32>
    %max3A = arith.constant 0.000000e+00 : f32
    %max3A_22 = vector.broadcast %max3A : f32 to vector<400x256xf32>
    %max3A_23 = arith.maximumf %add3A_21, %max3A_22 : vector<400x256xf32>
    %get3A_24 = arith.constant 0 : index
    %get3A_25 = arith.constant 0 : index
    %get3A_26 = vector.load %arg7[%get3A_24, %get3A_25] : memref<1x256xf32, #tpu.memory_space<vmem>>, vector<1x256xf32>
    %get3A_27 = arith.constant 0 : index
    %get3A_28 = arith.constant 0 : index
    %get3A_29 = vector.load %arg10[%get3A_27, %get3A_28] : memref<1x256xf32, #tpu.memory_space<vmem>>, vector<1x256xf32>
    %add3A_30 = arith.constant 9.99999974E-6 : f32
    %add3A_31 = vector.broadcast %add3A_30 : f32 to vector<1x256xf32>
    %add3A_32 = arith.addf %get3A_29, %add3A_31 : vector<1x256xf32>
    %rsqrt3A = math.rsqrt %add3A_32 : vector<1x256xf32>
    %mul3A_33 = arith.mulf %get3A_26, %rsqrt3A : vector<1x256xf32>
    %get3A_34 = arith.constant 0 : index
    %get3A_35 = arith.constant 0 : index
    %get3A_36 = vector.load %arg9[%get3A_34, %get3A_35] : memref<1x256xf32, #tpu.memory_space<vmem>>, vector<1x256xf32>
    %sub3A = vector.broadcast %get3A_36 : vector<1x256xf32> to vector<400x256xf32>
    %sub3A_37 = arith.subf %max3A_23, %sub3A : vector<400x256xf32>
    %mul3A_38 = vector.broadcast %mul3A_33 : vector<1x256xf32> to vector<400x256xf32>
    %mul3A_39 = arith.mulf %sub3A_37, %mul3A_38 : vector<400x256xf32>
    %get3A_40 = arith.constant 0 : index
    %get3A_41 = arith.constant 0 : index
    %get3A_42 = vector.load %arg8[%get3A_40, %get3A_41] : memref<1x256xf32, #tpu.memory_space<vmem>>, vector<1x256xf32>
    %add3A_43 = vector.broadcast %get3A_42 : vector<1x256xf32> to vector<400x256xf32>
    %add3A_44 = arith.addf %mul3A_39, %add3A_43 : vector<400x256xf32>
    %get3A_45 = arith.constant 0 : index
    %get3A_46 = arith.constant 0 : index
    %get3A_47 = vector.load %arg11[%get3A_45, %get3A_46] : memref<256x1024xf32, #tpu.memory_space<vmem>>, vector<256x1024xf32>
    %dot_general3A_48 = arith.constant dense<0.000000e+00> : vector<400x1024xf32>
    %dot_general3A_49 = tpu.matmul %add3A_44, %get3A_47, %dot_general3A_48 {dimension_numbers = #tpu.dot_dimension_numbers<[1], [0], [0], [1], [0, 0, 1, 1], [], []>, transpose_lhs_hint = false} : vector<400x256xf32>, vector<256x1024xf32>, vector<400x1024xf32> -> vector<400x1024xf32>
    %get3A_50 = arith.constant 0 : index
    %get3A_51 = arith.constant 0 : index
    %get3A_52 = vector.load %arg12[%get3A_50, %get3A_51] : memref<1x1024xf32, #tpu.memory_space<vmem>>, vector<1x1024xf32>
    %add3A_53 = vector.broadcast %get3A_52 : vector<1x1024xf32> to vector<400x1024xf32>
    %add3A_54 = arith.addf %dot_general3A_49, %add3A_53 : vector<400x1024xf32>
    %get3A_55 = arith.constant 0 : index
    %get3A_56 = arith.constant 0 : index
    %get3A_57 = vector.load %arg13[%get3A_55, %get3A_56] : memref<1x1024xf32, #tpu.memory_space<vmem>>, vector<1x1024xf32>
    %add3A_58 = vector.broadcast %get3A_57 : vector<1x1024xf32> to vector<400x1024xf32>
    %add3A_59 = arith.addf %add3A_54, %add3A_58 : vector<400x1024xf32>
    %swap3A = arith.constant 0 : index
    %swap3A_60 = arith.constant 0 : index
    %swap3A_61 = vector.load %arg14[%swap3A, %swap3A_60] : memref<400x1024xf32, #tpu.memory_space<vmem>>, vector<400x1024xf32>
    tpu.vector_store %arg14[%swap3A, %swap3A_60], %add3A_59 {strides = array<i32>} : memref<400x1024xf32, #tpu.memory_space<vmem>>, vector<400x1024xf32>,
    return
  }
  func.func @transform_0(%arg0: i32) -> (i32, i32) {
    %c0_i32 = arith.constant 0 : i32
    %c0_i32_0 = arith.constant 0 : i32
    return %arg0, %c0_i32 : i32, i32
  }
  func.func @transform_1(%arg0: i32) -> (i32, i32) {
    %c0_i32 = arith.constant 0 : i32
    %c0_i32_0 = arith.constant 0 : i32
    return %arg0, %c0_i32 : i32, i32
  }
  func.func @transform_2(%arg0: i32) -> (i32, i32) {
    %c0_i32 = arith.constant 0 : i32
    %c0_i32_0 = arith.constant 0 : i32
    return %arg0, %c0_i32 : i32, i32
  }
  func.func @transform_3(%arg0: i32) -> (i32, i32) {
    %c0_i32 = arith.constant 0 : i32
    %c0_i32_0 = arith.constant 0 : i32
    return %arg0, %c0_i32 : i32, i32
  }
  func.func @transform_4(%arg0: i32) -> (i32, i32) {
    %c0_i32 = arith.constant 0 : i32
    %c0_i32_0 = arith.constant 0 : i32
    %c0_i32_1 = arith.constant 0 : i32
    return %c0_i32, %c0_i32_0 : i32, i32
  }
  func.func @transform_5(%arg0: i32) -> (i32, i32) {
    %c0_i32 = arith.constant 0 : i32
    %c0_i32_0 = arith.constant 0 : i32
    %c0_i32_1 = arith.constant 0 : i32
    return %c0_i32, %c0_i32_0 : i32, i32
  }
  func.func @transform_6(%arg0: i32) -> (i32, i32) {
    %c0_i32 = arith.constant 0 : i32
    %c0_i32_0 = arith.constant 0 : i32
    %c0_i32_1 = arith.constant 0 : i32
    return %c0_i32, %c0_i32_0 : i32, i32
  }
  func.func @transform_7(%arg0: i32) -> (i32, i32) {
    %c0_i32 = arith.constant 0 : i32
    %c0_i32_0 = arith.constant 0 : i32
    %c0_i32_1 = arith.constant 0 : i32
    return %c0_i32, %c0_i32_0 : i32, i32
  }
  func.func @transform_8(%arg0: i32) -> (i32, i32) {
    %c0_i32 = arith.constant 0 : i32
    %c0_i32_0 = arith.constant 0 : i32
    %c0_i32_1 = arith.constant 0 : i32
    return %c0_i32, %c0_i32_0 : i32, i32
  }
  func.func @transform_9(%arg0: i32) -> (i32, i32) {
    %c0_i32 = arith.constant 0 : i32
    %c0_i32_0 = arith.constant 0 : i32
    %c0_i32_1 = arith.constant 0 : i32
    return %c0_i32, %c0_i32_0 : i32, i32
  }
  func.func @transform_10(%arg0: i32) -> (i32, i32) {
    %c0_i32 = arith.constant 0 : i32
    %c0_i32_0 = arith.constant 0 : i32
    %c0_i32_1 = arith.constant 0 : i32
    return %c0_i32, %c0_i32_0 : i32, i32
  }
  func.func @transform_11(%arg0: i32) -> (i32, i32) {
    %c0_i32 = arith.constant 0 : i32
    %c0_i32_0 = arith.constant 0 : i32
    %c0_i32_1 = arith.constant 0 : i32
    return %c0_i32, %c0_i32_0 : i32, i32
  }
  func.func @transform_12(%arg0: i32) -> (i32, i32) {
    %c0_i32 = arith.constant 0 : i32
    %c0_i32_0 = arith.constant 0 : i32
    %c0_i32_1 = arith.constant 0 : i32
    return %c0_i32, %c0_i32_0 : i32, i32
  }
  func.func @transform_13(%arg0: i32) -> (i32, i32) {
    %c0_i32 = arith.constant 0 : i32
    %c0_i32_0 = arith.constant 0 : i32
    return %arg0, %c0_i32 : i32, i32
  }
}

module attributes {stable_mosaic.version = 14 : i64} {
  func.func @_lstm_body(%arg0: i32, %arg1: memref<400x1024xf32, #tpu.memory_space<vmem>>, %arg2: memref<256x1024xbf16, #tpu.memory_space<vmem>>, %arg3: memref<256x128xf32, #tpu.memory_space<vmem>>, %arg4: memref<1x128xf32, #tpu.memory_space<vmem>>, %arg5: memref<400x128xf32, #tpu.memory_space<vmem>>, %arg6: memref<1x256xf32, #tpu.memory_space<vmem>>, %arg7: memref<1x256xf32, #tpu.memory_space<vmem>>, %arg8: memref<400x256xf32, #tpu.memory_space<vmem>>) attributes {dimension_semantics = [#tpu.dimension_semantics<arbitrary>], iteration_bounds = array<i64: 25>, scalar_prefetch = 0 : i64, scratch_operands = 3 : i64, tpu.core_type = #tpu.core_type<tc>, window_params = [{transform_indices = @transform_0, window_bounds = array<i64: 400, 1024>}, {pipeline_mode = #tpu.pipeline_mode<synchronous>, transform_indices = @transform_1, window_bounds = array<i64: 256, 1024>}, {pipeline_mode = #tpu.pipeline_mode<synchronous>, transform_indices = @transform_2, window_bounds = array<i64: 256, 128>}, {pipeline_mode = #tpu.pipeline_mode<synchronous>, transform_indices = @transform_3, window_bounds = array<i64: 1, 128>}, {transform_indices = @transform_4, window_bounds = array<i64: 400, 128>}]} {
    %eq3A = arith.constant 0 : i32
    %eq3A_0 = arith.cmpi eq, %arg0, %eq3A : i32
    %convert_element_type3A = arith.extui %eq3A_0 : i1 to i32
    %cond3A = arith.constant 0 : i32
    %cond3A_1 = arith.cmpi ne, %convert_element_type3A, %cond3A : i32
    scf.if %cond3A_1 {
      %broadcast_in_dim3A = arith.constant 0.000000e+00 : f32
      %broadcast_in_dim3A_36 = vector.broadcast %broadcast_in_dim3A : f32 to vector<1x256xf32>
      %swap3A_37 = arith.constant 0 : index
      %swap3A_38 = arith.constant 0 : index
      %swap3A_39 = vector.load %arg6[%swap3A_37, %swap3A_38] : memref<1x256xf32, #tpu.memory_space<vmem>>, vector<1x256xf32>
      tpu.vector_store %arg6[%swap3A_37, %swap3A_38], %broadcast_in_dim3A_36 {strides = array<i32>} : memref<1x256xf32, #tpu.memory_space<vmem>>, vector<1x256xf32>,
      %broadcast_in_dim3A_40 = arith.constant 0.000000e+00 : f32
      %broadcast_in_dim3A_41 = vector.broadcast %broadcast_in_dim3A_40 : f32 to vector<1x256xf32>
      %swap3A_42 = arith.constant 0 : index
      %swap3A_43 = arith.constant 0 : index
      %swap3A_44 = vector.load %arg7[%swap3A_42, %swap3A_43] : memref<1x256xf32, #tpu.memory_space<vmem>>, vector<1x256xf32>
      tpu.vector_store %arg7[%swap3A_42, %swap3A_43], %broadcast_in_dim3A_41 {strides = array<i32>} : memref<1x256xf32, #tpu.memory_space<vmem>>, vector<1x256xf32>,
    } else {
    }
    %get3A = arith.constant 0 : index
    %get3A_2 = arith.constant 0 : index
    %get3A_3 = vector.load %arg2[%get3A, %get3A_2] : memref<256x1024xbf16, #tpu.memory_space<vmem>>, vector<256x1024xbf16>
    %get3A_4 = arith.constant 0 : index
    %get3A_5 = arith.constant 0 : index
    %get3A_6 = vector.load %arg6[%get3A_4, %get3A_5] : memref<1x256xf32, #tpu.memory_space<vmem>>, vector<1x256xf32>
    %get3A_7 = arith.constant 0 : index
    %get3A_8 = arith.constant 0 : index
    %get3A_9 = vector.load %arg7[%get3A_7, %get3A_8] : memref<1x256xf32, #tpu.memory_space<vmem>>, vector<1x256xf32>
    %scan3A = arith.constant 0 : i32
    %scan3A_10 = arith.constant 400 : i32
    %scan3A_11 = arith.addi %scan3A, %scan3A_10 : i32
    %scan3A_12 = arith.constant 4 : i32
    %scan3A_13:2 = scf.for %scan3A_36 = %scan3A to %scan3A_11 step %scan3A_12 iter_args(%scan3A_37 = %get3A_6, %scan3A_38 = %get3A_9) -> (vector<1x256xf32>, vector<1x256xf32>)  : i32 {
      %convert_element_type3A_39 = arith.truncf %scan3A_37 : vector<1x256xf32> to vector<1x256xbf16>
      %get3A_40 = arith.index_cast %scan3A_36 : i32 to index
      %get3A_41 = arith.constant 0 : index
      %get3A_42 = vector.load %arg1[%get3A_40, %get3A_41] : memref<400x1024xf32, #tpu.memory_space<vmem>>, vector<1x1024xf32>
      %dot_general3A_43 = arith.constant dense<0.000000e+00> : vector<1x1024xf32>
      %dot_general3A_44 = tpu.matmul %convert_element_type3A_39, %get3A_3, %dot_general3A_43 {dimension_numbers = #tpu.dot_dimension_numbers<[1], [0], [0], [1], [0, 0, 1, 1], [], []>, transpose_lhs_hint = false} : vector<1x256xbf16>, vector<256x1024xbf16>, vector<1x1024xf32> -> vector<1x1024xf32>
      %add3A_45 = arith.addf %get3A_42, %dot_general3A_44 : vector<1x1024xf32>
      %slice3A = vector.extract_strided_slice %add3A_45 {offsets = [0, 0], sizes = [1, 256], strides = [1, 1]} : vector<1x1024xf32> to vector<1x256xf32>
      %logistic3A = arith.negf %slice3A : vector<1x256xf32>
      %logistic3A_46 = math.exp %logistic3A : vector<1x256xf32>
      %logistic3A_47 = arith.constant 1.000000e+00 : f32
      %logistic3A_48 = vector.broadcast %logistic3A_47 : f32 to vector<1x256xf32>
      %logistic3A_49 = arith.addf %logistic3A_48, %logistic3A_46 : vector<1x256xf32>
      %logistic3A_50 = arith.divf %logistic3A_48, %logistic3A_49 : vector<1x256xf32>
      %slice3A_51 = vector.extract_strided_slice %add3A_45 {offsets = [0, 256], sizes = [1, 256], strides = [1, 1]} : vector<1x1024xf32> to vector<1x256xf32>
      %logistic3A_52 = arith.negf %slice3A_51 : vector<1x256xf32>
      %logistic3A_53 = math.exp %logistic3A_52 : vector<1x256xf32>
      %logistic3A_54 = arith.constant 1.000000e+00 : f32
      %logistic3A_55 = vector.broadcast %logistic3A_54 : f32 to vector<1x256xf32>
      %logistic3A_56 = arith.addf %logistic3A_55, %logistic3A_53 : vector<1x256xf32>
      %logistic3A_57 = arith.divf %logistic3A_55, %logistic3A_56 : vector<1x256xf32>
      %slice3A_58 = vector.extract_strided_slice %add3A_45 {offsets = [0, 512], sizes = [1, 256], strides = [1, 1]} : vector<1x1024xf32> to vector<1x256xf32>
      %tanh3A = math.tanh %slice3A_58 : vector<1x256xf32>
      %slice3A_59 = vector.extract_strided_slice %add3A_45 {offsets = [0, 768], sizes = [1, 256], strides = [1, 1]} : vector<1x1024xf32> to vector<1x256xf32>
      %logistic3A_60 = arith.negf %slice3A_59 : vector<1x256xf32>
      %logistic3A_61 = math.exp %logistic3A_60 : vector<1x256xf32>
      %logistic3A_62 = arith.constant 1.000000e+00 : f32
      %logistic3A_63 = vector.broadcast %logistic3A_62 : f32 to vector<1x256xf32>
      %logistic3A_64 = arith.addf %logistic3A_63, %logistic3A_61 : vector<1x256xf32>
      %logistic3A_65 = arith.divf %logistic3A_63, %logistic3A_64 : vector<1x256xf32>
      %mul3A = arith.mulf %logistic3A_57, %scan3A_38 : vector<1x256xf32>
      %mul3A_66 = arith.mulf %logistic3A_50, %tanh3A : vector<1x256xf32>
      %add3A_67 = arith.addf %mul3A, %mul3A_66 : vector<1x256xf32>
      %tanh3A_68 = math.tanh %add3A_67 : vector<1x256xf32>
      %mul3A_69 = arith.mulf %logistic3A_65, %tanh3A_68 : vector<1x256xf32>
      %swap3A_70 = arith.index_cast %scan3A_36 : i32 to index
      %swap3A_71 = arith.constant 0 : index
      %swap3A_72 = vector.load %arg8[%swap3A_70, %swap3A_71] : memref<400x256xf32, #tpu.memory_space<vmem>>, vector<1x256xf32>
      tpu.vector_store %arg8[%swap3A_70, %swap3A_71], %mul3A_69 {strides = array<i32>} : memref<400x256xf32, #tpu.memory_space<vmem>>, vector<1x256xf32>,
      %scan3A_73 = arith.constant 1 : i32
      %scan3A_74 = arith.addi %scan3A_36, %scan3A_73 : i32
      %convert_element_type3A_75 = arith.truncf %mul3A_69 : vector<1x256xf32> to vector<1x256xbf16>
      %get3A_76 = arith.index_cast %scan3A_74 : i32 to index
      %get3A_77 = arith.constant 0 : index
      %get3A_78 = vector.load %arg1[%get3A_76, %get3A_77] : memref<400x1024xf32, #tpu.memory_space<vmem>>, vector<1x1024xf32>
      %dot_general3A_79 = arith.constant dense<0.000000e+00> : vector<1x1024xf32>
      %dot_general3A_80 = tpu.matmul %convert_element_type3A_75, %get3A_3, %dot_general3A_79 {dimension_numbers = #tpu.dot_dimension_numbers<[1], [0], [0], [1], [0, 0, 1, 1], [], []>, transpose_lhs_hint = false} : vector<1x256xbf16>, vector<256x1024xbf16>, vector<1x1024xf32> -> vector<1x1024xf32>
      %add3A_81 = arith.addf %get3A_78, %dot_general3A_80 : vector<1x1024xf32>
      %slice3A_82 = vector.extract_strided_slice %add3A_81 {offsets = [0, 0], sizes = [1, 256], strides = [1, 1]} : vector<1x1024xf32> to vector<1x256xf32>
      %logistic3A_83 = arith.negf %slice3A_82 : vector<1x256xf32>
      %logistic3A_84 = math.exp %logistic3A_83 : vector<1x256xf32>
      %logistic3A_85 = arith.constant 1.000000e+00 : f32
      %logistic3A_86 = vector.broadcast %logistic3A_85 : f32 to vector<1x256xf32>
      %logistic3A_87 = arith.addf %logistic3A_86, %logistic3A_84 : vector<1x256xf32>
      %logistic3A_88 = arith.divf %logistic3A_86, %logistic3A_87 : vector<1x256xf32>
      %slice3A_89 = vector.extract_strided_slice %add3A_81 {offsets = [0, 256], sizes = [1, 256], strides = [1, 1]} : vector<1x1024xf32> to vector<1x256xf32>
      %logistic3A_90 = arith.negf %slice3A_89 : vector<1x256xf32>
      %logistic3A_91 = math.exp %logistic3A_90 : vector<1x256xf32>
      %logistic3A_92 = arith.constant 1.000000e+00 : f32
      %logistic3A_93 = vector.broadcast %logistic3A_92 : f32 to vector<1x256xf32>
      %logistic3A_94 = arith.addf %logistic3A_93, %logistic3A_91 : vector<1x256xf32>
      %logistic3A_95 = arith.divf %logistic3A_93, %logistic3A_94 : vector<1x256xf32>
      %slice3A_96 = vector.extract_strided_slice %add3A_81 {offsets = [0, 512], sizes = [1, 256], strides = [1, 1]} : vector<1x1024xf32> to vector<1x256xf32>
      %tanh3A_97 = math.tanh %slice3A_96 : vector<1x256xf32>
      %slice3A_98 = vector.extract_strided_slice %add3A_81 {offsets = [0, 768], sizes = [1, 256], strides = [1, 1]} : vector<1x1024xf32> to vector<1x256xf32>
      %logistic3A_99 = arith.negf %slice3A_98 : vector<1x256xf32>
      %logistic3A_100 = math.exp %logistic3A_99 : vector<1x256xf32>
      %logistic3A_101 = arith.constant 1.000000e+00 : f32
      %logistic3A_102 = vector.broadcast %logistic3A_101 : f32 to vector<1x256xf32>
      %logistic3A_103 = arith.addf %logistic3A_102, %logistic3A_100 : vector<1x256xf32>
      %logistic3A_104 = arith.divf %logistic3A_102, %logistic3A_103 : vector<1x256xf32>
      %mul3A_105 = arith.mulf %logistic3A_95, %add3A_67 : vector<1x256xf32>
      %mul3A_106 = arith.mulf %logistic3A_88, %tanh3A_97 : vector<1x256xf32>
      %add3A_107 = arith.addf %mul3A_105, %mul3A_106 : vector<1x256xf32>
      %tanh3A_108 = math.tanh %add3A_107 : vector<1x256xf32>
      %mul3A_109 = arith.mulf %logistic3A_104, %tanh3A_108 : vector<1x256xf32>
      %swap3A_110 = arith.index_cast %scan3A_74 : i32 to index
      %swap3A_111 = arith.constant 0 : index
      %swap3A_112 = vector.load %arg8[%swap3A_110, %swap3A_111] : memref<400x256xf32, #tpu.memory_space<vmem>>, vector<1x256xf32>
      tpu.vector_store %arg8[%swap3A_110, %swap3A_111], %mul3A_109 {strides = array<i32>} : memref<400x256xf32, #tpu.memory_space<vmem>>, vector<1x256xf32>,
      %scan3A_113 = arith.constant 2 : i32
      %scan3A_114 = arith.addi %scan3A_36, %scan3A_113 : i32
      %convert_element_type3A_115 = arith.truncf %mul3A_109 : vector<1x256xf32> to vector<1x256xbf16>
      %get3A_116 = arith.index_cast %scan3A_114 : i32 to index
      %get3A_117 = arith.constant 0 : index
      %get3A_118 = vector.load %arg1[%get3A_116, %get3A_117] : memref<400x1024xf32, #tpu.memory_space<vmem>>, vector<1x1024xf32>
      %dot_general3A_119 = arith.constant dense<0.000000e+00> : vector<1x1024xf32>
      %dot_general3A_120 = tpu.matmul %convert_element_type3A_115, %get3A_3, %dot_general3A_119 {dimension_numbers = #tpu.dot_dimension_numbers<[1], [0], [0], [1], [0, 0, 1, 1], [], []>, transpose_lhs_hint = false} : vector<1x256xbf16>, vector<256x1024xbf16>, vector<1x1024xf32> -> vector<1x1024xf32>
      %add3A_121 = arith.addf %get3A_118, %dot_general3A_120 : vector<1x1024xf32>
      %slice3A_122 = vector.extract_strided_slice %add3A_121 {offsets = [0, 0], sizes = [1, 256], strides = [1, 1]} : vector<1x1024xf32> to vector<1x256xf32>
      %logistic3A_123 = arith.negf %slice3A_122 : vector<1x256xf32>
      %logistic3A_124 = math.exp %logistic3A_123 : vector<1x256xf32>
      %logistic3A_125 = arith.constant 1.000000e+00 : f32
      %logistic3A_126 = vector.broadcast %logistic3A_125 : f32 to vector<1x256xf32>
      %logistic3A_127 = arith.addf %logistic3A_126, %logistic3A_124 : vector<1x256xf32>
      %logistic3A_128 = arith.divf %logistic3A_126, %logistic3A_127 : vector<1x256xf32>
      %slice3A_129 = vector.extract_strided_slice %add3A_121 {offsets = [0, 256], sizes = [1, 256], strides = [1, 1]} : vector<1x1024xf32> to vector<1x256xf32>
      %logistic3A_130 = arith.negf %slice3A_129 : vector<1x256xf32>
      %logistic3A_131 = math.exp %logistic3A_130 : vector<1x256xf32>
      %logistic3A_132 = arith.constant 1.000000e+00 : f32
      %logistic3A_133 = vector.broadcast %logistic3A_132 : f32 to vector<1x256xf32>
      %logistic3A_134 = arith.addf %logistic3A_133, %logistic3A_131 : vector<1x256xf32>
      %logistic3A_135 = arith.divf %logistic3A_133, %logistic3A_134 : vector<1x256xf32>
      %slice3A_136 = vector.extract_strided_slice %add3A_121 {offsets = [0, 512], sizes = [1, 256], strides = [1, 1]} : vector<1x1024xf32> to vector<1x256xf32>
      %tanh3A_137 = math.tanh %slice3A_136 : vector<1x256xf32>
      %slice3A_138 = vector.extract_strided_slice %add3A_121 {offsets = [0, 768], sizes = [1, 256], strides = [1, 1]} : vector<1x1024xf32> to vector<1x256xf32>
      %logistic3A_139 = arith.negf %slice3A_138 : vector<1x256xf32>
      %logistic3A_140 = math.exp %logistic3A_139 : vector<1x256xf32>
      %logistic3A_141 = arith.constant 1.000000e+00 : f32
      %logistic3A_142 = vector.broadcast %logistic3A_141 : f32 to vector<1x256xf32>
      %logistic3A_143 = arith.addf %logistic3A_142, %logistic3A_140 : vector<1x256xf32>
      %logistic3A_144 = arith.divf %logistic3A_142, %logistic3A_143 : vector<1x256xf32>
      %mul3A_145 = arith.mulf %logistic3A_135, %add3A_107 : vector<1x256xf32>
      %mul3A_146 = arith.mulf %logistic3A_128, %tanh3A_137 : vector<1x256xf32>
      %add3A_147 = arith.addf %mul3A_145, %mul3A_146 : vector<1x256xf32>
      %tanh3A_148 = math.tanh %add3A_147 : vector<1x256xf32>
      %mul3A_149 = arith.mulf %logistic3A_144, %tanh3A_148 : vector<1x256xf32>
      %swap3A_150 = arith.index_cast %scan3A_114 : i32 to index
      %swap3A_151 = arith.constant 0 : index
      %swap3A_152 = vector.load %arg8[%swap3A_150, %swap3A_151] : memref<400x256xf32, #tpu.memory_space<vmem>>, vector<1x256xf32>
      tpu.vector_store %arg8[%swap3A_150, %swap3A_151], %mul3A_149 {strides = array<i32>} : memref<400x256xf32, #tpu.memory_space<vmem>>, vector<1x256xf32>,
      %scan3A_153 = arith.constant 3 : i32
      %scan3A_154 = arith.addi %scan3A_36, %scan3A_153 : i32
      %convert_element_type3A_155 = arith.truncf %mul3A_149 : vector<1x256xf32> to vector<1x256xbf16>
      %get3A_156 = arith.index_cast %scan3A_154 : i32 to index
      %get3A_157 = arith.constant 0 : index
      %get3A_158 = vector.load %arg1[%get3A_156, %get3A_157] : memref<400x1024xf32, #tpu.memory_space<vmem>>, vector<1x1024xf32>
      %dot_general3A_159 = arith.constant dense<0.000000e+00> : vector<1x1024xf32>
      %dot_general3A_160 = tpu.matmul %convert_element_type3A_155, %get3A_3, %dot_general3A_159 {dimension_numbers = #tpu.dot_dimension_numbers<[1], [0], [0], [1], [0, 0, 1, 1], [], []>, transpose_lhs_hint = false} : vector<1x256xbf16>, vector<256x1024xbf16>, vector<1x1024xf32> -> vector<1x1024xf32>
      %add3A_161 = arith.addf %get3A_158, %dot_general3A_160 : vector<1x1024xf32>
      %slice3A_162 = vector.extract_strided_slice %add3A_161 {offsets = [0, 0], sizes = [1, 256], strides = [1, 1]} : vector<1x1024xf32> to vector<1x256xf32>
      %logistic3A_163 = arith.negf %slice3A_162 : vector<1x256xf32>
      %logistic3A_164 = math.exp %logistic3A_163 : vector<1x256xf32>
      %logistic3A_165 = arith.constant 1.000000e+00 : f32
      %logistic3A_166 = vector.broadcast %logistic3A_165 : f32 to vector<1x256xf32>
      %logistic3A_167 = arith.addf %logistic3A_166, %logistic3A_164 : vector<1x256xf32>
      %logistic3A_168 = arith.divf %logistic3A_166, %logistic3A_167 : vector<1x256xf32>
      %slice3A_169 = vector.extract_strided_slice %add3A_161 {offsets = [0, 256], sizes = [1, 256], strides = [1, 1]} : vector<1x1024xf32> to vector<1x256xf32>
      %logistic3A_170 = arith.negf %slice3A_169 : vector<1x256xf32>
      %logistic3A_171 = math.exp %logistic3A_170 : vector<1x256xf32>
      %logistic3A_172 = arith.constant 1.000000e+00 : f32
      %logistic3A_173 = vector.broadcast %logistic3A_172 : f32 to vector<1x256xf32>
      %logistic3A_174 = arith.addf %logistic3A_173, %logistic3A_171 : vector<1x256xf32>
      %logistic3A_175 = arith.divf %logistic3A_173, %logistic3A_174 : vector<1x256xf32>
      %slice3A_176 = vector.extract_strided_slice %add3A_161 {offsets = [0, 512], sizes = [1, 256], strides = [1, 1]} : vector<1x1024xf32> to vector<1x256xf32>
      %tanh3A_177 = math.tanh %slice3A_176 : vector<1x256xf32>
      %slice3A_178 = vector.extract_strided_slice %add3A_161 {offsets = [0, 768], sizes = [1, 256], strides = [1, 1]} : vector<1x1024xf32> to vector<1x256xf32>
      %logistic3A_179 = arith.negf %slice3A_178 : vector<1x256xf32>
      %logistic3A_180 = math.exp %logistic3A_179 : vector<1x256xf32>
      %logistic3A_181 = arith.constant 1.000000e+00 : f32
      %logistic3A_182 = vector.broadcast %logistic3A_181 : f32 to vector<1x256xf32>
      %logistic3A_183 = arith.addf %logistic3A_182, %logistic3A_180 : vector<1x256xf32>
      %logistic3A_184 = arith.divf %logistic3A_182, %logistic3A_183 : vector<1x256xf32>
      %mul3A_185 = arith.mulf %logistic3A_175, %add3A_147 : vector<1x256xf32>
      %mul3A_186 = arith.mulf %logistic3A_168, %tanh3A_177 : vector<1x256xf32>
      %add3A_187 = arith.addf %mul3A_185, %mul3A_186 : vector<1x256xf32>
      %tanh3A_188 = math.tanh %add3A_187 : vector<1x256xf32>
      %mul3A_189 = arith.mulf %logistic3A_184, %tanh3A_188 : vector<1x256xf32>
      %swap3A_190 = arith.index_cast %scan3A_154 : i32 to index
      %swap3A_191 = arith.constant 0 : index
      %swap3A_192 = vector.load %arg8[%swap3A_190, %swap3A_191] : memref<400x256xf32, #tpu.memory_space<vmem>>, vector<1x256xf32>
      tpu.vector_store %arg8[%swap3A_190, %swap3A_191], %mul3A_189 {strides = array<i32>} : memref<400x256xf32, #tpu.memory_space<vmem>>, vector<1x256xf32>,
      scf.yield %mul3A_189, %add3A_187 : vector<1x256xf32>, vector<1x256xf32>
    }
    %scan3A_14 = arith.constant 400 : i32
    %swap3A = arith.constant 0 : index
    %swap3A_15 = arith.constant 0 : index
    %swap3A_16 = vector.load %arg6[%swap3A, %swap3A_15] : memref<1x256xf32, #tpu.memory_space<vmem>>, vector<1x256xf32>
    tpu.vector_store %arg6[%swap3A, %swap3A_15], %scan3A_13#0 {strides = array<i32>} : memref<1x256xf32, #tpu.memory_space<vmem>>, vector<1x256xf32>,
    %swap3A_17 = arith.constant 0 : index
    %swap3A_18 = arith.constant 0 : index
    %swap3A_19 = vector.load %arg7[%swap3A_17, %swap3A_18] : memref<1x256xf32, #tpu.memory_space<vmem>>, vector<1x256xf32>
    tpu.vector_store %arg7[%swap3A_17, %swap3A_18], %scan3A_13#1 {strides = array<i32>} : memref<1x256xf32, #tpu.memory_space<vmem>>, vector<1x256xf32>,
    %get3A_20 = arith.constant 0 : index
    %get3A_21 = arith.constant 0 : index
    %get3A_22 = vector.load %arg8[%get3A_20, %get3A_21] : memref<400x256xf32, #tpu.memory_space<vmem>>, vector<400x256xf32>
    %get3A_23 = arith.constant 0 : index
    %get3A_24 = arith.constant 0 : index
    %get3A_25 = vector.load %arg3[%get3A_23, %get3A_24] : memref<256x128xf32, #tpu.memory_space<vmem>>, vector<256x128xf32>
    %dot_general3A = arith.constant dense<0.000000e+00> : vector<400x128xf32>
    %dot_general3A_26 = tpu.matmul %get3A_22, %get3A_25, %dot_general3A {dimension_numbers = #tpu.dot_dimension_numbers<[1], [0], [0], [1], [0, 0, 1, 1], [], []>, transpose_lhs_hint = false} : vector<400x256xf32>, vector<256x128xf32>, vector<400x128xf32> -> vector<400x128xf32>
    %get3A_27 = arith.constant 0 : index
    %get3A_28 = arith.constant 0 : index
    %get3A_29 = vector.load %arg4[%get3A_27, %get3A_28] : memref<1x128xf32, #tpu.memory_space<vmem>>, vector<1x128xf32>
    %add3A = vector.broadcast %get3A_29 : vector<1x128xf32> to vector<400x128xf32>
    %add3A_30 = arith.addf %dot_general3A_26, %add3A : vector<400x128xf32>
    %max3A = arith.constant 0.000000e+00 : f32
    %max3A_31 = vector.broadcast %max3A : f32 to vector<400x128xf32>
    %max3A_32 = arith.maximumf %add3A_30, %max3A_31 : vector<400x128xf32>
    %swap3A_33 = arith.constant 0 : index
    %swap3A_34 = arith.constant 0 : index
    %swap3A_35 = vector.load %arg5[%swap3A_33, %swap3A_34] : memref<400x128xf32, #tpu.memory_space<vmem>>, vector<400x128xf32>
    tpu.vector_store %arg5[%swap3A_33, %swap3A_34], %max3A_32 {strides = array<i32>} : memref<400x128xf32, #tpu.memory_space<vmem>>, vector<400x128xf32>,
    return
  }
  func.func @transform_0(%arg0: i32) -> (i32, i32) {
    %c0_i32 = arith.constant 0 : i32
    %c0_i32_0 = arith.constant 0 : i32
    return %arg0, %c0_i32 : i32, i32
  }
  func.func @transform_1(%arg0: i32) -> (i32, i32) {
    %c0_i32 = arith.constant 0 : i32
    %c0_i32_0 = arith.constant 0 : i32
    %c0_i32_1 = arith.constant 0 : i32
    return %c0_i32, %c0_i32_0 : i32, i32
  }
  func.func @transform_2(%arg0: i32) -> (i32, i32) {
    %c0_i32 = arith.constant 0 : i32
    %c0_i32_0 = arith.constant 0 : i32
    %c0_i32_1 = arith.constant 0 : i32
    return %c0_i32, %c0_i32_0 : i32, i32
  }
  func.func @transform_3(%arg0: i32) -> (i32, i32) {
    %c0_i32 = arith.constant 0 : i32
    %c0_i32_0 = arith.constant 0 : i32
    %c0_i32_1 = arith.constant 0 : i32
    return %c0_i32, %c0_i32_0 : i32, i32
  }
  func.func @transform_4(%arg0: i32) -> (i32, i32) {
    %c0_i32 = arith.constant 0 : i32
    %c0_i32_0 = arith.constant 0 : i32
    return %arg0, %c0_i32 : i32, i32
  }
}

</mosaic_0001>

<sc_bundles>
// kernel: kernel.10.cloned.1.call-start
scs
__scs_entry_jumppad:
0x0: {  	(pc) =	sbr.rel $0x88, $3  }
0x1: {  	(tag) =	ssettag $0x0;
	lr =	simm.s32 $0x1  }
0x2: {  	[smem:$0x3F92] =	sst lr;
	_ =	strace $0xD0000000  }
0x3: {  	_ = 	snop  }
0x4: {  	_ = 	snop  }
0x5: {  	_ = 	snop  }
0x6: {  	_ = 	snop  }
0x7: {  	_ = 	snop  }
__scs_overlays_trampoline_lowered:
0x8: {  	[smem:$0x3FA1] =	sst s0  }
0x9: {  	[smem:$0x3FA2] =	sst s1  }
0xa: {  	[smem:$0x3FA3] =	sst s2  }
0xb: {  	[smem:$0x3FA4] =	sst s3  }
0xc: {  	[smem:$0x3FA5] =	sst s4  }
0xd: {  	[smem:$0x3FA6] =	sst s5  }
0xe: {  	[smem:$0x3FA7] =	sst s6  }
0xf: {  	[smem:$0x3FA8] =	sst s7  }
0x10: {  	[smem:$0x3FA9] =	sst s8  }
0x11: {  	[smem:$0x3FAA] =	sst s9;
	s0 =	simm.s32 @!p0 $0x0  }
0x12: {  	s1 =	sld [smem:$0x3F90];
	s0 =	simm.s32 @p0 $0x1  }
0x13: {  	[smem:$0x3FAB] =	sst s0;
	s0 =	simm.s32 @!p1 $0x0  }
0x14: {  	s2 =	sld [smem:$0x3F8F];
	s0 =	simm.s32 @p1 $0x1  }
0x15: {  	[smem:$0x3FAC] =	sst s0;
	s0 =	simm.s32 @!p2 $0x0  }
0x16: {  	s3 =	sld [smem:$0x3FDB];
	s0 =	simm.s32 @p2 $0x1  }
0x17: {  	s4 =	simm.s32 $0x1BF5;
	[smem:$0x3FAE] =	sst s0  }
0x18: {  	s0 =	sld [smem:$0x3F91];
	_ =	swait.ge [sflag:s4], $0x0  }
0x19: {  	s7 =	sld [smem:$0x3F92]  }
0x1a: {  	s8 =	sadd.s32 $0xFFFFE003, lr  }
0x1b: {  	s9 =	sadd.s32 $0xFFFFFEF7, lr;
	s5 =	simm.s32 $0xFFFFFFFF;
	p2 =	slt.u32 s8, $0xFFFFF086  }
0x1c: {  	p1 =	slt.u32 s9, $0xF7A;
	s5 =	simm.s32 @!p2 $0x0  }
0x1d: {  	s5 =	simm.s32 @p1 $0x1;
	p0 =	seq.s32 s7, s2  }
0x1e: {  	s7 =	smul.u32 @!p0 $0xF7A, s2;
	p2 =	seq.s32 @!p0 s5, $0x0  }
0x1f: {  	s9 =	smul.u32 $0xF7A, s1;
	s8 =	simm.s32 @!p0 $0x1BF5;
	p2 =	por !p2, p0  }
0x20: {  	[sflag:s8] =	ssyncset.s32 @!p0 $0xFFFFF086;
	s6 =	sadd.s32 @!p0 s3, s7;
	s7 =	simm.s32 @!p0 $0x108  }
0x21: {  	s3 =	sadd.s32 s3, s9;
	s6 =	sadd.s32 @!p0 $0x88, s6;
	s7 =	simm.s32 @p2 $0x1082  }
0x22: {  	[simem:s7], [sflag:s8] =	dma.local @!p0 [hbm:s6], $0xF7A  }
0x23: {  	s9 =	sor.u32 $0xD0000000, s2;
	s6 =	simm.s32 $0x108;
	_ =	swait.ge @!p0 [sflag:s8], $0x0  }
0x24: {  	s3 =	sadd.s32 $0x88, s3;
	s6 =	simm.s32 @!p1 $0x1082;
	[sflag:s4] =	ssyncset.s32 $0xFFFFF086  }
0x25: {  	[simem:s6], [sflag:s4] =	dma.local [hbm:s3], $0xF7A  }
0x26: {  	[smem:$0x3F92] =	sst s1;
	(tag) =	ssettag s2;
	_ =	strace s9  }
0x27: {  	s1 =	sld [smem:$0x3FA2]  }
0x28: {  	s2 =	sld [smem:$0x3FA3]  }
0x29: {  	s4 =	sld [smem:$0x3FA5]  }
0x2a: {  	p0 =	seq.s32 s5, $0x0;
	s5 =	sld [smem:$0x3FA6]  }
0x2b: {  	s6 =	sld [smem:$0x3FA7]  }
0x2c: {  	s7 =	sld [smem:$0x3FA8]  }
0x2d: {  	s3 =	simm.s32 $0x108;
	s8 =	sld [smem:$0x3FA9]  }
0x2e: {  	s3 =	simm.s32 @!p0 $0x1082;
	s9 =	sld [smem:$0x3FAA]  }
0x2f: {  	lr =	sadd.s32 s0, s3;
	s0 =	sld [smem:$0x3FA1]  }
0x30: {  	s3 =	sld [smem:$0x3FA4]  }
0x31: {  	[smem:$0x3FAD] =	sst s10  }
0x32: {  	s10 =	sld [smem:$0x3FAB];
	_ =	sdelay $0x3  }
0x33: {  	p0 =	seq.s32 s10, $0x1;
	s10 =	sld [smem:$0x3FAD];
	_ =	sdelay $0x3  }
0x34: {  	[smem:$0x3FAD] =	sst s10  }
0x35: {  	s10 =	sld [smem:$0x3FAC];
	_ =	sdelay $0x3  }
0x36: {  	p1 =	seq.s32 s10, $0x1;
	s10 =	sld [smem:$0x3FAD];
	_ =	sdelay $0x3  }
0x37: {  	[smem:$0x3FAD] =	sst s10  }
0x38: {  	s10 =	sld [smem:$0x3FAE]  }
0x39: {  	_ = 	snop;
	(pc) =	sbr.ind lr, $3  }
0x3a: {  	_ = 	snop  }
0x3b: {  	_ = 	snop  }
0x3c: {  	p2 =	seq.s32 s10, $0x1;
	s10 =	sld [smem:$0x3FAD]  }
0x3d: {  	_ =	shalt  }
0x3e: {  	_ =	shalt  }
0x3f: {  	_ =	shalt  }
0x40: {  	_ =	shalt  }
0x41: {  	_ =	shalt  }
0x42: {  	_ =	shalt  }
0x43: {  	_ =	shalt  }
0x44: {  	_ =	shalt  }
0x45: {  	_ =	shalt  }
0x46: {  	_ =	shalt  }
0x47: {  	_ =	shalt  }
0x48: {  	_ =	shalt  }
0x49: {  	_ =	shalt  }
0x4a: {  	_ =	shalt  }
0x4b: {  	_ =	shalt  }
0x4c: {  	_ =	shalt  }
0x4d: {  	_ =	shalt  }
0x4e: {  	_ =	shalt  }
0x4f: {  	_ =	shalt  }
0x50: {  	_ =	shalt  }
0x51: {  	_ =	shalt  }
0x52: {  	_ =	shalt  }
0x53: {  	_ =	shalt  }
0x54: {  	_ =	shalt  }
0x55: {  	_ =	shalt  }
0x56: {  	_ =	shalt  }
0x57: {  	_ =	shalt  }
0x58: {  	_ =	shalt  }
0x59: {  	_ =	shalt  }
0x5a: {  	_ =	shalt  }
0x5b: {  	_ =	shalt  }
0x5c: {  	_ =	shalt  }
0x5d: {  	_ =	shalt  }
0x5e: {  	_ =	shalt  }
0x5f: {  	_ =	shalt  }
0x60: {  	_ =	shalt  }
0x61: {  	_ =	shalt  }
0x62: {  	_ =	shalt  }
0x63: {  	_ =	shalt  }
0x64: {  	_ =	shalt  }
0x65: {  	_ =	shalt  }
0x66: {  	_ =	shalt  }
0x67: {  	_ =	shalt  }
0x68: {  	_ =	shalt  }
0x69: {  	_ =	shalt  }
0x6a: {  	_ =	shalt  }
0x6b: {  	_ =	shalt  }
0x6c: {  	_ =	shalt  }
0x6d: {  	_ =	shalt  }
0x6e: {  	_ =	shalt  }
0x6f: {  	_ =	shalt  }
0x70: {  	_ =	shalt  }
0x71: {  	_ =	shalt  }
0x72: {  	_ =	shalt  }
0x73: {  	_ =	shalt  }
0x74: {  	_ =	shalt  }
0x75: {  	_ =	shalt  }
0x76: {  	_ =	shalt  }
0x77: {  	_ =	shalt  }
0x78: {  	_ =	shalt  }
0x79: {  	_ =	shalt  }
0x7a: {  	_ =	shalt  }
0x7b: {  	_ =	shalt  }
0x7c: {  	_ =	shalt  }
0x7d: {  	_ =	shalt  }
0x7e: {  	_ =	shalt  }
0x7f: {  	_ =	shalt  }
0x80: {  	_ =	shalt  }
0x81: {  	_ =	shalt  }
0x82: {  	_ =	shalt  }
0x83: {  	_ =	shalt  }
0x84: {  	_ =	shalt  }
0x85: {  	_ =	shalt  }
0x86: {  	_ =	shalt  }
0x87: {  	_ =	shalt  }
.Lfunc_end0:
.L_simem_size_0:
called_computation.1_lowered:
.L_overlay_start_0:
0x88: {  	s2 =	sld [smem:$0x3FD9]  }
0x89: {  	s3 =	sld [smem:$0x3FFE];
	_ =	sdelay $0x1  }
0x8a: {  	s1 =	srdreg.scid  }
0x8b: {  	s0 =	sand.u32 $0x1, s1  }
0x8c: {  	s17 =	sshll.u32 s0, $0xA;
	s2 =	sadd.s32 s3, s2  }
0x8d: {  	s2 =	sadd.s32 s2, s17  }
0x8e: {  	[smem:$0x3FB9] =	sst s2  }
0x8f: {  	_ = 	snop  }
0x90: {  	s2 =	sld [smem:$0x3FD0];
	(tm) =	ssettm $0x1  }
0x91: {  	s18 =	sld [smem:$0x3FFB];
	_ =	sdelay $0x3  }
0x92: {  	_ =	strace s18  }
0x93: {  	s3 =	sld [smem:$0x3FFC];
	_ =	sdelay $0x3  }
0x94: {  	_ =	strace s3  }
0x95: {  	s3 =	sld [smem:$0x3FFD];
	_ =	sdelay $0x3  }
0x96: {  	_ =	strace s3  }
0x97: {  	_ =	strace $0x8FFFFFFF  }
0x98: {  	s19 =	sld [smem:$0x3FDB];
	_ =	sdelay $0x1  }
0x99: {  	s4 =	simm.s32 $_scs_section_size  }
0x9a: {  	s5 =	simm.s32 $_size__tile_overlayer_lowered;
	s6 =	simm.s32 $_tile_overlayer_lowered  }
0x9b: {  	s22 =	simm.s32 $0x1BFF;
	s21 =	sshll.u32 s6, $0x1;
	s3 =	sadd.s32 s4, s19  }
0x9c: {  	s7 =	simm.s32 $0x0;
	s20 =	sshll.u32 s5, $0x1;
	s5 =	sadd.s32 s21, s3  }
0x9d: {  	[timem:s7], [sflag:s22] =	dma.local [hbm:s5], s20  }
0x9e: {  	_ =	swait.ge [sflag:s22], s20  }
0x9f: {  	s4 =	ssub.s32 $0x0, s20;
	[sflag:s22] =	ssyncset.done $0x0  }
0xa0: {  	[sflag:s22] =	ssyncadd.s32 s4;
	_ =	sdelay $0x1  }
0xa1: {  	s23 =	simm.s32 $0x1B8B  }
0xa2: {  	_ =	swait.ge [sflag:s23], $0x1  }
0xa3: {  	[sflag:s23] =	ssyncset.done $0x0  }
0xa4: {  	s25 =	simm.s32 $0x1B8E;
	s24 =	sld [smem:$0x3FFE];
	[sflag:s23] =	ssyncadd.s32 $0xFFFFFFFF  }
0xa5: {  	s26 =	simm.s32 $execute0_lowered;
	[smem:$0x3FD2] =	sst s25  }
0xa6: {  	s5 =	sshll.u32 s26, $0x1;
	_ =	strace $0x80000049;
	[dreg:$0x1] =	wrdreg $0xFFFFFFFF  }
0xa7: {  	s28 =	simm.s32 $_size_execute0_lowered;
	s3 =	sadd.s32 s3, s5;
	[dreg:$0x0] =	wrdreg $0x0  }
0xa8: {  	s5 =	sshll.u32 s28, $0x1;
	[dreg:$0x2] =	wrdreg s3  }
0xa9: {  	[dreg:$0x3] =	wrdreg s5  }
0xaa: {  	[dreg:$0x4] =	wrdreg $0xC0  }
0xab: {  	_ =	task [dreg:s7], $0x5FFFF  }
0xac: {  	[dreg:$0x1] =	wrdreg $0xFFFFFFFF  }
0xad: {  	[dreg:$0x0] =	wrdreg $0x60  }
0xae: {  	[dreg:$0x2] =	wrdreg s24  }
0xaf: {  	[dreg:$0x3] =	wrdreg s2  }
0xb0: {  	[dreg:$0x4] =	wrdreg $0xB8000  }
0xb1: {  	[dreg:$0x5] =	wrdreg $0x9  }
0xb2: {  	_ =	task.clear_ibuf [dreg:s7], $0x6FFFF;
	_ =	strace $0x90000049  }
0xb3: {  	s29 =	simm.s32 $0x9;
	_ =	strace $0x8000004B  }
0xb4: {  	_ =	swait.ge [sflag:s29], $0x1  }
0xb5: {  	[sflag:s29] =	ssyncadd.s32 $0xFFFFFFFF  }
0xb6: {  	_ =	strace $0x9000004B  }
0xb7: {  	_ =	sfence  }
0xb8: {  	s30 =	sld [smem:$0x0];
	_ =	sdelay $0x2  }
0xb9: {  	s31 =	sshll.u32 s1, $0xD;
	s1 =	sshrl.u32 s1, $0x2  }
0xba: {  	s3 =	sand.u32 $0x4000, s31;
	s1 =	sadd.s32 s1, s30  }
0xbb: {  	s0 =	sor.u32 s3, s0;
	s1 =	sshll.u32 s1, $0x11  }
0xbc: {  	s0 =	sor.u32 s1, s0  }
0xbd: {  	s0 =	sadd.s32 $0x8F2B, s0  }
0xbe: {  	[sflag:s0] =	ssyncadd.remote.s32 $0x1  }
0xbf: {  	_ =	sfence.sel $0xFFFF  }
0xc0: {  	[dreg:$0x0] =	wrdreg $0xFFFFFFFF;
	(pc) =	sbr.abs _section_cstart, $3  }
0xc1: {  	[dreg:$0x1] =	wrdreg $0xFFFFFFFF  }
0xc2: {  	_ =	task.clear_ibuf [dreg:s7], $0x2FFFF;
	_ =	strace $0x9FFFFFFF  }
0xc3: {  	(tm) =	ssettm $0x7FFFFFFF  }
tec
execute0_lowered:
.L_overlay_start_1:
0x0: {  	(tag) =	ssettag $0x1  }
0x1: {  	s1 =	srdreg.scid;
	s5 =	rddreg [dreg:$0x0]  }
0x2: {  	s0 =	stileid.u32;
	s2 =	rddreg [dreg:$0x1]  }
0x3: {  	s3 =	rddreg [dreg:$0x2];
	s4 =	simm.s32 $0x0;
	s14 =	simm.s32 $0x2800  }
0x4: {  	s15 =	simm.s32 $0x5000;
	s16 =	simm.s32 $0x80;
	s17 =	simm.s32 $0x7800  }
0x5: {  	s18 =	simm.s32 $0x1;
	s19 =	simm.s32 $0x0;
	s8 =	smul.u32 $0x14000, s0  }
0x6: {  	s6 =	sand.u32 $0x1, s1;
	s25 =	sshll.u32 s0, $0x1;
	s28 =	smul.u32 $0x50000, s0  }
0x7: {  	[smem:$0x7FF] =	sst s4;
	s1 =	sor.u32 s6, s25;
	s9 =	smul.u32 $0x140000, s6  }
0x8: {  	s31 =	sshll.u32 s0, $0x6;
	s6 =	ssub.s32 $0x2, s6;
	s7 =	smul.u32 $0x500, s1  }
0x9: {  	s1 =	rddreg [dreg:$0x3];
	_ =	strace $0x8000004A;
	s26 =	sshrl.u32 s8, $0x3  }
0xa: {  	s29 =	sshrl.u32 s6, $0x1;
	s30 =	sshrl.u32 s28, $0x2;
	s8 =	sadd.s32 s8, s9  }
0xb: {  	s12 =	ssub.s32 s6, s29;
	s13 =	sadd.s32 s30, s3;
	s6 =	sor.u32 $0x1C02, s31  }
0xc: {  	s10 =	sadd.s32 s7, s5;
	s7 =	sadd.s32 s26, s5;
	s8 =	sshrl.u32 s8, $0x3  }
0xd: {  	s11 =	sadd.s32 s8, s5;
	s5 =	sadd.s32 $0x21600, s7;
	s7 =	sadd.s32 $0x17600, s10  }
0xe: {  	s8 =	sadd.s32 $0x3000, s10;
	s9 =	sadd.s32 $0xD000, s10;
	s10 =	sadd.s32 $0x49600, s11  }
0xf: {  	s11 =	smax.u32 s12, $0x1;
	s12 =	sshrl.u32 s13, $0x3;
	s13 =	simm.s32 $0x2  }
.LBB2_1:
0x10: {  	[spmem:s12], [sflag:s6] =	dma.local [hbm:s5], $0x2800  }
0x11: {  	_ =	swait.ge [sflag:s13], $0x2800  }
0x12: {  	[sflag:s13] =	ssyncset.done $0x0  }
0x13: {  	[sflag:s13] =	ssyncadd.s32 $0xFFFFD800  }
0x14: {  	[bflag:$0x0] =	sbarrier.arrive $0xFFFF  }
0x15: {  	[tilespmem:s4], [sflag:$0x2] =	stream.linear.gather [hbm4b:s7+s4], $0x2780, $0x38;
	[tilespmem:$0x1F800] =	vst v63  }
0x16: {  	_ =	swait.ge [sflag:s13], $0x2780  }
0x17: {  	[sflag:s13] =	ssyncset.done $0x0  }
0x18: {  	[sflag:s13] =	ssyncadd.s32 $0xFFFFD880  }
0x19: {  	[tilespmem:s14], [sflag:$0x2] =	stream.linear.gather [hbm4b:s8+s4], $0x2780, $0x38;
	[tilespmem:$0x1F800] =	vst v63  }
0x1a: {  	_ =	swait.ge [sflag:s13], $0x2780  }
0x1b: {  	[sflag:s13] =	ssyncset.done $0x0  }
0x1c: {  	[sflag:s13] =	ssyncadd.s32 $0xFFFFD880  }
0x1d: {  	[tilespmem:s15], [sflag:$0x2] =	stream.linear.gather [hbm4b:s9+s4], $0x2780, $0x38;
	[tilespmem:$0x1F800] =	vst v63  }
0x1e: {  	_ =	swait.ge [sflag:s13], $0x2780  }
0x1f: {  	[sflag:s13] =	ssyncset.done $0x0  }
0x20: {  	s20 =	simm.s32 $0x0;
	[sflag:s13] =	ssyncadd.s32 $0xFFFFD880  }
.LBB2_2:
0x21: {  	s21 =	sshll.u32 s20, $0x7  }
0x22: {  	s22 =	sadd.s32 $0x5000, s21  }
0x23: {  	v0 =	vmov s22  }
0x24: {  	[tilespmem:s17], [sflag:$0x1] =	stream.indirect.gather [hbm4b:s2+s16], $0x80, s21, s16, $0xb8;
	[tilespmem:$0x1F800] =	vst v63  }
0x25: {  	_ =	swait.ge [sflag:s18], $0x4000  }
0x26: {  	s31 =	simm.s32 $0x0;
	[sflag:s18] =	ssyncset.done $0x0  }
0x27: {  	s22 =	sand.u32 $0x3FFFFFF0, s31;
	[sflag:s18] =	ssyncadd.s32 $0xFFFFC000  }
0x28: {  	s23 =	simm.s32 $0x0;
	v1 =	vld.idx.msk [tilespmem:v0+s22+$0x0 ss:$0x1], $0xffff  }
0x29: {  	s22 =	sand.u32 $0x3FFFF800, s23  }
0x2a: {  	v3 =	vld [tilespmem:s22+$0x7820]  }
0x2b: {  	v4 =	vld [tilespmem:s22+$0x7830]  }
0x2c: {  	v10 =	vld [tilespmem:s22+$0x7860]  }
0x2d: {  	v11 =	vld [tilespmem:s22+$0x7870];
	v2 =	vbroadcast v1, $0x0  }
0x2e: {  	v12 =	vld [tilespmem:s22+$0x7880]  }
0x2f: {  	v13 =	vld [tilespmem:s22+$0x7890];
	v3 =	vmul.f32 v3, v2  }
0x30: {  	v14 =	vld [tilespmem:s22+$0x78A0];
	v4 =	vmul.f32 v4, v2  }
0x31: {  	v9 =	vld [tilespmem:s22+$0x78B0];
	v23 =	vbroadcast v1, $0x1;
	v22 =	vmul.f32 v10, v2;
	[tilespmem:s22+$0x7820] =	vst v3  }
0x32: {  	v7 =	vld [tilespmem:s22+$0x78C0];
	v11 =	vmul.f32 v11, v2;
	[tilespmem:s22+$0x7830] =	vst v4  }
0x33: {  	v8 =	vld [tilespmem:s22+$0x78D0];
	v12 =	vmul.f32 v12, v23;
	[tilespmem:s22+$0x7860] =	vst v22  }
0x34: {  	v25 =	vld [tilespmem:s22+$0x78F0];
	v13 =	vmul.f32 v13, v23;
	[tilespmem:s22+$0x7870] =	vst v11  }
0x35: {  	v26 =	vld [tilespmem:s22+$0x7900];
	v14 =	vmul.f32 v14, v23;
	[tilespmem:s22+$0x7880] =	vst v12  }
0x36: {  	v27 =	vld [tilespmem:s22+$0x7910];
	v9 =	vmul.f32 v9, v23;
	[tilespmem:s22+$0x7890] =	vst v13  }
0x37: {  	v6 =	vld [tilespmem:s22+$0x7D70];
	v7 =	vmul.f32 v7, v23;
	[tilespmem:s22+$0x78A0] =	vst v14  }
0x38: {  	v24 =	vld [tilespmem:s22+$0x78E0];
	v15 =	vbroadcast v1, $0x2;
	v8 =	vmul.f32 v8, v23;
	[tilespmem:s22+$0x78B0] =	vst v9  }
0x39: {  	v28 =	vld [tilespmem:s22+$0x7920];
	v10 =	vmul.f32 v25, v23;
	[tilespmem:s22+$0x78C0] =	vst v7  }
0x3a: {  	v29 =	vld [tilespmem:s22+$0x7930];
	v5 =	vbroadcast v1, $0xA;
	v32 =	vmul.f32 v26, v15;
	[tilespmem:s22+$0x78D0] =	vst v8  }
0x3b: {  	v30 =	vld [tilespmem:s22+$0x7940];
	v34 =	vmul.f32 v27, v15;
	[tilespmem:s22+$0x78F0] =	vst v10  }
0x3c: {  	v33 =	vld [tilespmem:s22+$0x7960];
	v3 =	vmul.f32 v6, v5;
	[tilespmem:s22+$0x7900] =	vst v32  }
0x3d: {  	v35 =	vld [tilespmem:s22+$0x7970];
	v11 =	vmul.f32 v24, v23;
	[tilespmem:s22+$0x7910] =	vst v34  }
0x3e: {  	v36 =	vld [tilespmem:s22+$0x7980];
	v9 =	vmul.f32 v28, v15;
	[tilespmem:s22+$0x7D70] =	vst v3  }
0x3f: {  	v31 =	vld [tilespmem:s22+$0x7950];
	v7 =	vmul.f32 v29, v15;
	[tilespmem:s22+$0x78E0] =	vst v11  }
0x40: {  	v37 =	vld [tilespmem:s22+$0x7990];
	v8 =	vmul.f32 v30, v15;
	[tilespmem:s22+$0x7920] =	vst v9  }
0x41: {  	v38 =	vld [tilespmem:s22+$0x79A0];
	v41 =	vbroadcast v1, $0x3;
	v10 =	vmul.f32 v33, v15;
	[tilespmem:s22+$0x7930] =	vst v7  }
0x42: {  	v39 =	vld [tilespmem:s22+$0x79B0];
	v12 =	vmul.f32 v35, v15;
	[tilespmem:s22+$0x7940] =	vst v8  }
0x43: {  	v42 =	vld [tilespmem:s22+$0x79D0];
	v13 =	vmul.f32 v36, v41;
	[tilespmem:s22+$0x7960] =	vst v10  }
0x44: {  	v43 =	vld [tilespmem:s22+$0x79E0];
	v11 =	vmul.f32 v31, v15;
	[tilespmem:s22+$0x7970] =	vst v12  }
0x45: {  	v44 =	vld [tilespmem:s22+$0x79F0];
	v9 =	vmul.f32 v37, v41;
	[tilespmem:s22+$0x7980] =	vst v13  }
0x46: {  	v40 =	vld [tilespmem:s22+$0x79C0];
	v7 =	vmul.f32 v38, v41;
	[tilespmem:s22+$0x7950] =	vst v11  }
0x47: {  	v45 =	vld [tilespmem:s22+$0x7A00];
	v8 =	vmul.f32 v39, v41;
	[tilespmem:s22+$0x7990] =	vst v9  }
0x48: {  	v46 =	vld [tilespmem:s22+$0x7A10];
	v10 =	vmul.f32 v42, v41;
	[tilespmem:s22+$0x79A0] =	vst v7  }
0x49: {  	v47 =	vld [tilespmem:s22+$0x7A20];
	v12 =	vmul.f32 v43, v41;
	[tilespmem:s22+$0x79B0] =	vst v8  }
0x4a: {  	v49 =	vld [tilespmem:s22+$0x7A40];
	v50 =	vbroadcast v1, $0x4;
	v13 =	vmul.f32 v44, v41;
	[tilespmem:s22+$0x79D0] =	vst v10  }
0x4b: {  	v51 =	vld [tilespmem:s22+$0x7A50];
	v11 =	vmul.f32 v40, v41;
	[tilespmem:s22+$0x79E0] =	vst v12  }
0x4c: {  	v52 =	vld [tilespmem:s22+$0x7A60];
	v9 =	vmul.f32 v45, v50;
	[tilespmem:s22+$0x79F0] =	vst v13  }
0x4d: {  	v48 =	vld [tilespmem:s22+$0x7A30];
	v7 =	vmul.f32 v46, v50;
	[tilespmem:s22+$0x79C0] =	vst v11  }
0x4e: {  	v53 =	vld [tilespmem:s22+$0x7A70];
	v8 =	vmul.f32 v47, v50;
	[tilespmem:s22+$0x7A00] =	vst v9  }
0x4f: {  	v54 =	vld [tilespmem:s22+$0x7A80];
	v10 =	vmul.f32 v49, v50;
	[tilespmem:s22+$0x7A10] =	vst v7  }
0x50: {  	v55 =	vld [tilespmem:s22+$0x7A90];
	v12 =	vmul.f32 v51, v50;
	[tilespmem:s22+$0x7A20] =	vst v8  }
0x51: {  	v57 =	vld [tilespmem:s22+$0x7AB0];
	v13 =	vmul.f32 v52, v50;
	[tilespmem:s22+$0x7A40] =	vst v10  }
0x52: {  	v58 =	vld [tilespmem:s22+$0x7AC0];
	v59 =	vbroadcast v1, $0x5;
	v11 =	vmul.f32 v48, v50;
	[tilespmem:s22+$0x7A50] =	vst v12  }
0x53: {  	v60 =	vld [tilespmem:s22+$0x7AD0];
	v9 =	vmul.f32 v53, v50;
	[tilespmem:s22+$0x7A60] =	vst v13  }
0x54: {  	v56 =	vld [tilespmem:s22+$0x7AA0];
	v7 =	vmul.f32 v54, v59;
	[tilespmem:s22+$0x7A30] =	vst v11  }
0x55: {  	v61 =	vld [tilespmem:s22+$0x7AE0];
	v8 =	vmul.f32 v55, v59;
	[tilespmem:s22+$0x7A70] =	vst v9  }
0x56: {  	v62 =	vld [tilespmem:s22+$0x7AF0];
	v10 =	vmul.f32 v57, v59;
	[tilespmem:s22+$0x7A80] =	vst v7  }
0x57: {  	v63 =	vld [tilespmem:s22+$0x7B00];
	v12 =	vmul.f32 v58, v59;
	[tilespmem:s22+$0x7A90] =	vst v8  }
0x58: {  	v19 =	vld [tilespmem:s22+$0x7B20];
	v13 =	vmul.f32 v60, v59;
	[tilespmem:s22+$0x7AB0] =	vst v10  }
0x59: {  	v20 =	vld [tilespmem:s22+$0x7B30];
	v11 =	vmul.f32 v56, v59;
	[tilespmem:s22+$0x7AC0] =	vst v12  }
0x5a: {  	v21 =	vld [tilespmem:s22+$0x7B40];
	v22 =	vbroadcast v1, $0x6;
	v9 =	vmul.f32 v61, v59;
	[tilespmem:s22+$0x7AD0] =	vst v13  }
0x5b: {  	v18 =	vld [tilespmem:s22+$0x7B10];
	v7 =	vmul.f32 v62, v59;
	[tilespmem:s22+$0x7AA0] =	vst v11  }
0x5c: {  	v23 =	vld [tilespmem:s22+$0x7B50];
	v8 =	vmul.f32 v63, v22;
	[tilespmem:s22+$0x7AE0] =	vst v9  }
0x5d: {  	v24 =	vld [tilespmem:s22+$0x7B60];
	v10 =	vmul.f32 v19, v22;
	[tilespmem:s22+$0x7AF0] =	vst v7  }
0x5e: {  	v25 =	vld [tilespmem:s22+$0x7B70];
	v12 =	vmul.f32 v20, v22;
	[tilespmem:s22+$0x7B00] =	vst v8  }
0x5f: {  	v27 =	vld [tilespmem:s22+$0x7B90];
	v13 =	vmul.f32 v21, v22;
	[tilespmem:s22+$0x7B20] =	vst v10  }
0x60: {  	v28 =	vld [tilespmem:s22+$0x7BA0];
	v11 =	vmul.f32 v18, v22;
	[tilespmem:s22+$0x7B30] =	vst v12  }
0x61: {  	v29 =	vld [tilespmem:s22+$0x7BB0];
	v9 =	vmul.f32 v23, v22;
	[tilespmem:s22+$0x7B40] =	vst v13  }
0x62: {  	v31 =	vbroadcast v1, $0x7;
	v53 =	vld [tilespmem:s22+$0x7D00];
	v7 =	vmul.f32 v24, v22;
	[tilespmem:s22+$0x7B10] =	vst v11  }
0x63: {  	v57 =	vld [tilespmem:s22+$0x7D40];
	v8 =	vmul.f32 v25, v22;
	[tilespmem:s22+$0x7B50] =	vst v9  }
0x64: {  	v58 =	vld [tilespmem:s22+$0x7D50];
	v10 =	vmul.f32 v27, v31;
	[tilespmem:s22+$0x7B60] =	vst v7  }
0x65: {  	v26 =	vld [tilespmem:s22+$0x7B80];
	v12 =	vmul.f32 v28, v31;
	[tilespmem:s22+$0x7B70] =	vst v8  }
0x66: {  	v30 =	vld [tilespmem:s22+$0x7BC0];
	v13 =	vmul.f32 v29, v31;
	[tilespmem:s22+$0x7B90] =	vst v10  }
0x67: {  	v32 =	vld [tilespmem:s22+$0x7BD0];
	v59 =	vmul.f32 v53, v5;
	[tilespmem:s22+$0x7BA0] =	vst v12  }
0x68: {  	v33 =	vld [tilespmem:s22+$0x7BE0];
	v18 =	vmul.f32 v57, v5;
	[tilespmem:s22+$0x7BB0] =	vst v13  }
0x69: {  	v35 =	vld [tilespmem:s22+$0x7C00];
	v20 =	vmul.f32 v58, v5;
	[tilespmem:s22+$0x7D00] =	vst v59  }
0x6a: {  	v36 =	vld [tilespmem:s22+$0x7C10];
	v11 =	vmul.f32 v26, v31;
	[tilespmem:s22+$0x7D40] =	vst v18  }
0x6b: {  	v37 =	vld [tilespmem:s22+$0x7C20];
	v9 =	vmul.f32 v30, v31;
	[tilespmem:s22+$0x7D50] =	vst v20  }
0x6c: {  	v4 =	vld [tilespmem:s22+$0x7D80];
	v40 =	vbroadcast v1, $0x8;
	v7 =	vmul.f32 v32, v31;
	[tilespmem:s22+$0x7B80] =	vst v11  }
0x6d: {  	v6 =	vld [tilespmem:s22+$0x7D90];
	v8 =	vmul.f32 v33, v31;
	[tilespmem:s22+$0x7BC0] =	vst v9  }
0x6e: {  	v3 =	vld [tilespmem:s22+$0x7FD0];
	v10 =	vmul.f32 v35, v40;
	[tilespmem:s22+$0x7BD0] =	vst v7  }
0x6f: {  	v61 =	vld [tilespmem:s22+$0x7800];
	v23 =	vbroadcast v1, $0xB;
	v12 =	vmul.f32 v36, v40;
	[tilespmem:s22+$0x7BE0] =	vst v8  }
0x70: {  	v34 =	vld [tilespmem:s22+$0x7BF0];
	v13 =	vmul.f32 v37, v40;
	[tilespmem:s22+$0x7C00] =	vst v10  }
0x71: {  	v38 =	vld [tilespmem:s22+$0x7C30];
	v27 =	vbroadcast v1, $0xF;
	v4 =	vmul.f32 v4, v23;
	[tilespmem:s22+$0x7C10] =	vst v12  }
0x72: {  	v39 =	vld [tilespmem:s22+$0x7C40];
	v6 =	vmul.f32 v6, v23;
	[tilespmem:s22+$0x7C20] =	vst v13  }
0x73: {  	v41 =	vld [tilespmem:s22+$0x7C50];
	v3 =	vmul.f32 v3, v27;
	[tilespmem:s22+$0x7D80] =	vst v4  }
0x74: {  	v43 =	vld [tilespmem:s22+$0x7C70];
	v24 =	vmul.f32 v2, v61;
	[tilespmem:s22+$0x7D90] =	vst v6  }
0x75: {  	v44 =	vld [tilespmem:s22+$0x7C80];
	v11 =	vmul.f32 v34, v31;
	[tilespmem:s22+$0x7FD0] =	vst v3  }
0x76: {  	v45 =	vld [tilespmem:s22+$0x7C90];
	v9 =	vmul.f32 v38, v40;
	[tilespmem:s22+$0x7800] =	vst v24  }
0x77: {  	v63 =	vld [tilespmem:s22+$0x7840];
	v7 =	vmul.f32 v39, v40;
	[tilespmem:s22+$0x7BF0] =	vst v11  }
0x78: {  	v49 =	vbroadcast v1, $0x9;
	v29 =	vld [tilespmem:s22+$0x7DF0];
	v8 =	vmul.f32 v41, v40;
	[tilespmem:s22+$0x7C30] =	vst v9  }
0x79: {  	v42 =	vld [tilespmem:s22+$0x7C60];
	v10 =	vmul.f32 v43, v40;
	[tilespmem:s22+$0x7C40] =	vst v7  }
0x7a: {  	v46 =	vld [tilespmem:s22+$0x7CA0];
	v12 =	vmul.f32 v44, v49;
	[tilespmem:s22+$0x7C50] =	vst v8  }
0x7b: {  	v47 =	vld [tilespmem:s22+$0x7CB0];
	v13 =	vmul.f32 v45, v49;
	[tilespmem:s22+$0x7C70] =	vst v10  }
0x7c: {  	v48 =	vld [tilespmem:s22+$0x7CC0];
	v3 =	vmul.f32 v63, v2;
	[tilespmem:s22+$0x7C80] =	vst v12  }
0x7d: {  	v51 =	vld [tilespmem:s22+$0x7CE0];
	v6 =	vmul.f32 v29, v23;
	[tilespmem:s22+$0x7C90] =	vst v13  }
0x7e: {  	v52 =	vld [tilespmem:s22+$0x7CF0];
	v11 =	vmul.f32 v42, v40;
	[tilespmem:s22+$0x7840] =	vst v3  }
0x7f: {  	v28 =	vld [tilespmem:s22+$0x7DE0];
	v9 =	vmul.f32 v46, v49;
	[tilespmem:s22+$0x7DF0] =	vst v6  }
0x80: {  	v26 =	vld [tilespmem:s22+$0x7DD0];
	v7 =	vmul.f32 v47, v49;
	[tilespmem:s22+$0x7C60] =	vst v11  }
0x81: {  	v30 =	vld [tilespmem:s22+$0x7E00];
	v8 =	vmul.f32 v48, v49;
	[tilespmem:s22+$0x7CA0] =	vst v9  }
0x82: {  	v50 =	vld [tilespmem:s22+$0x7CD0];
	v10 =	vmul.f32 v51, v49;
	[tilespmem:s22+$0x7CB0] =	vst v7  }
0x83: {  	v54 =	vld [tilespmem:s22+$0x7D10];
	v12 =	vmul.f32 v52, v49;
	[tilespmem:s22+$0x7CC0] =	vst v8  }
0x84: {  	v55 =	vld [tilespmem:s22+$0x7D20];
	v35 =	vbroadcast v1, $0xC;
	v40 =	vmul.f32 v28, v23;
	[tilespmem:s22+$0x7CE0] =	vst v10  }
0x85: {  	v56 =	vld [tilespmem:s22+$0x7D30];
	v32 =	vmul.f32 v26, v23;
	[tilespmem:s22+$0x7CF0] =	vst v12  }
0x86: {  	v60 =	vld [tilespmem:s22+$0x7D60];
	v15 =	vmul.f32 v30, v35;
	[tilespmem:s22+$0x7DE0] =	vst v40  }
0x87: {  	v62 =	vld [tilespmem:s22+$0x7810];
	v11 =	vmul.f32 v50, v49;
	[tilespmem:s22+$0x7DD0] =	vst v32  }
0x88: {  	v19 =	vld [tilespmem:s22+$0x7850];
	v9 =	vmul.f32 v54, v5;
	[tilespmem:s22+$0x7E00] =	vst v15  }
0x89: {  	v33 =	vld [tilespmem:s22+$0x7E30];
	v7 =	vmul.f32 v55, v5;
	[tilespmem:s22+$0x7CD0] =	vst v11  }
0x8a: {  	v61 =	vld [tilespmem:s22+$0x7FF0];
	v8 =	vmul.f32 v56, v5;
	[tilespmem:s22+$0x7D10] =	vst v9  }
0x8b: {  	v38 =	vld [tilespmem:s22+$0x7E70];
	v5 =	vmul.f32 v60, v5;
	[tilespmem:s22+$0x7D20] =	vst v7  }
0x8c: {  	v21 =	vld [tilespmem:s22+$0x7DA0];
	v12 =	vmul.f32 v62, v2;
	[tilespmem:s22+$0x7D30] =	vst v8  }
0x8d: {  	v22 =	vld [tilespmem:s22+$0x7DB0];
	v2 =	vmul.f32 v19, v2;
	[tilespmem:s22+$0x7D60] =	vst v5  }
0x8e: {  	v25 =	vld [tilespmem:s22+$0x7DC0];
	v62 =	vmul.f32 v33, v35;
	[tilespmem:s22+$0x7810] =	vst v12  }
0x8f: {  	v31 =	vld [tilespmem:s22+$0x7E10];
	v63 =	vmul.f32 v61, v27;
	[tilespmem:s22+$0x7850] =	vst v2  }
0x90: {  	v34 =	vld [tilespmem:s22+$0x7E40];
	v15 =	vmul.f32 v38, v35;
	[tilespmem:s22+$0x7E30] =	vst v62  }
0x91: {  	v41 =	vld [tilespmem:s22+$0x7EA0];
	v7 =	vmul.f32 v21, v23;
	[tilespmem:s22+$0x7FF0] =	vst v63  }
0x92: {  	v46 =	vld [tilespmem:s22+$0x7EE0];
	v8 =	vmul.f32 v22, v23;
	[tilespmem:s22+$0x7E70] =	vst v15  }
0x93: {  	v36 =	vld [tilespmem:s22+$0x7E50];
	v5 =	vmul.f32 v25, v23;
	[tilespmem:s22+$0x7DA0] =	vst v7  }
0x94: {  	v44 =	vbroadcast v1, $0xD;
	v9 =	vmul.f32 v31, v35;
	v2 =	vld [tilespmem:s22+$0x7E90];
	[tilespmem:s22+$0x7DB0] =	vst v8  }
0x95: {  	v37 =	vld [tilespmem:s22+$0x7E60];
	v12 =	vmul.f32 v34, v35;
	[tilespmem:s22+$0x7DC0] =	vst v5  }
0x96: {  	v39 =	vld [tilespmem:s22+$0x7E80];
	v11 =	vmul.f32 v41, v44;
	[tilespmem:s22+$0x7E10] =	vst v9  }
0x97: {  	v42 =	vld [tilespmem:s22+$0x7EB0];
	v51 =	vmul.f32 v46, v44;
	[tilespmem:s22+$0x7E40] =	vst v12  }
0x98: {  	v48 =	vld [tilespmem:s22+$0x7F10];
	v8 =	vmul.f32 v36, v35;
	[tilespmem:s22+$0x7EA0] =	vst v11  }
0x99: {  	v49 =	vld [tilespmem:s22+$0x7F20];
	[tilespmem:s22+$0x7EE0] =	vst v51;
	v2 =	vmul.f32 v2, v44  }
0x9a: {  	v50 =	vld [tilespmem:s22+$0x7F30];
	v5 =	vmul.f32 v37, v35;
	[tilespmem:s22+$0x7E50] =	vst v8  }
0x9b: {  	v1 =	vbroadcast v1, $0xE;
	v9 =	vmul.f32 v39, v44;
	[tilespmem:s22+$0x7E90] =	vst v2;
	v2 =	vld [tilespmem:s22+$0x7F00]  }
0x9c: {  	v60 =	vld [tilespmem:s22+$0x7FE0];
	v12 =	vmul.f32 v42, v44;
	[tilespmem:s22+$0x7E60] =	vst v5  }
0x9d: {  	v45 =	vld [tilespmem:s22+$0x7ED0];
	v11 =	vmul.f32 v48, v1;
	[tilespmem:s22+$0x7E80] =	vst v9  }
0x9e: {  	v47 =	vld [tilespmem:s22+$0x7EF0];
	v10 =	vmul.f32 v49, v1;
	[tilespmem:s22+$0x7EB0] =	vst v12  }
0x9f: {  	v43 =	vld [tilespmem:s22+$0x7EC0];
	v6 =	vmul.f32 v50, v1;
	[tilespmem:s22+$0x7F10] =	vst v11  }
0xa0: {  	v55 =	vld [tilespmem:s22+$0x7F80];
	[tilespmem:s22+$0x7F20] =	vst v10;
	v2 =	vmul.f32 v2, v1  }
0xa1: {  	v57 =	vld [tilespmem:s22+$0x7FA0];
	v4 =	vmul.f32 v60, v27;
	[tilespmem:s22+$0x7F30] =	vst v6  }
0xa2: {  	v5 =	vmul.f32 v45, v44;
	[tilespmem:s22+$0x7F00] =	vst v2;
	v2 =	vld [tilespmem:s22+$0x7F70]  }
0xa3: {  	v52 =	vld [tilespmem:s22+$0x7F40];
	v9 =	vmul.f32 v47, v44;
	[tilespmem:s22+$0x7FE0] =	vst v4  }
0xa4: {  	v56 =	vld [tilespmem:s22+$0x7F90];
	v8 =	vmul.f32 v43, v44;
	[tilespmem:s22+$0x7ED0] =	vst v5  }
0xa5: {  	v54 =	vld [tilespmem:s22+$0x7F60];
	v11 =	vmul.f32 v55, v27;
	[tilespmem:s22+$0x7EF0] =	vst v9  }
0xa6: {  	v58 =	vld [tilespmem:s22+$0x7FB0];
	v6 =	vmul.f32 v57, v27;
	[tilespmem:s22+$0x7EC0] =	vst v8  }
0xa7: {  	v53 =	vld [tilespmem:s22+$0x7F50];
	[tilespmem:s22+$0x7F80] =	vst v11;
	v2 =	vmul.f32 v2, v1  }
0xa8: {  	v59 =	vld [tilespmem:s22+$0x7FC0];
	v5 =	vmul.f32 v52, v1;
	[tilespmem:s22+$0x7FA0] =	vst v6  }
0xa9: {  	[tilespmem:s22+$0x7F70] =	vst v2;
	v2 =	vmul.f32 v56, v27  }
0xaa: {  	v3 =	vld [tilespmem:s22+$0x7E20];
	v9 =	vmul.f32 v54, v1;
	[tilespmem:s22+$0x7F40] =	vst v5  }
0xab: {  	[tilespmem:s22+$0x7F90] =	vst v2;
	v2 =	vmul.f32 v58, v27  }
0xac: {  	[tilespmem:s22+$0x7F60] =	vst v9;
	v1 =	vmul.f32 v53, v1  }
0xad: {  	[tilespmem:s22+$0x7FB0] =	vst v2;
	v2 =	vmul.f32 v59, v27  }
0xae: {  	[tilespmem:s22+$0x7F50] =	vst v1  }
0xaf: {  	s23 =	simm.s32 $0x1;
	[tilespmem:s22+$0x7FC0] =	vst v2;
	v2 =	vmul.f32 v3, v35  }
.LBB2_3:
0xb0: {  	s24 =	sshll.u32 s23, $0x4  }
0xb1: {  	p0 =	sne.s32 s23, $0x7;
	[tilespmem:s22+$0x7E20] =	vst v2;
	s22 =	smov.u32 s23;
	s23 =	sadd.s32 $0x1, s23  }
0xb2: {  	s24 =	sand.u32 $0x3FFFFFF0, s24  }
0xb3: {  	v1 =	vld.idx.msk [tilespmem:v0+s24+$0x0 ss:$0x1], $0xffff  }
0xb4: {  	s22 =	sshll.u32 s22, $0xB  }
0xb5: {  	s22 =	sand.u32 $0x3FFFF800, s22  }
0xb6: {  	v8 =	vld [tilespmem:s22+$0x78C0]  }
0xb7: {  	v9 =	vld [tilespmem:s22+$0x78D0]  }
0xb8: {  	v10 =	vld [tilespmem:s22+$0x78B0]  }
0xb9: {  	v2 =	vbroadcast v1, $0x0;
	v7 =	vbroadcast v1, $0x4;
	v3 =	vld [tilespmem:s22+$0x7820]  }
0xba: {  	v5 =	vld [tilespmem:s22+$0x7830]  }
0xbb: {  	v6 =	vld [tilespmem:s22+$0x7D70]  }
0xbc: {  	v11 =	vld [tilespmem:s22+$0x7860]  }
0xbd: {  	v12 =	vld [tilespmem:s22+$0x7870]  }
0xbe: {  	v4 =	vbroadcast v1, $0xA;
	v3 =	vmul.f32 v3, v2;
	v13 =	vld [tilespmem:s22+$0x7880]  }
0xbf: {  	v5 =	vmul.f32 v5, v2;
	v14 =	vld [tilespmem:s22+$0x7890]  }
0xc0: {  	[tilespmem:s22+$0x7820] =	vst v3;
	v15 =	vld [tilespmem:s22+$0x78A0];
	v3 =	vmul.f32 v6, v4  }
0xc1: {  	[tilespmem:s22+$0x7830] =	vst v5;
	v6 =	vmul.f32 v11, v2;
	v11 =	vbroadcast v1, $0x1;
	v5 =	vld [tilespmem:s22+$0x7D80]  }
0xc2: {  	v12 =	vmul.f32 v12, v2;
	[tilespmem:s22+$0x7D70] =	vst v3;
	v3 =	vld [tilespmem:s22+$0x7FD0]  }
0xc3: {  	[tilespmem:s22+$0x7860] =	vst v6;
	v13 =	vmul.f32 v13, v11;
	v6 =	vld [tilespmem:s22+$0x7D90]  }
0xc4: {  	[tilespmem:s22+$0x7870] =	vst v12;
	v12 =	vmul.f32 v14, v11;
	v14 =	vld [tilespmem:s22+$0x78E0]  }
0xc5: {  	[tilespmem:s22+$0x7880] =	vst v13;
	v13 =	vmul.f32 v15, v11;
	v15 =	vld [tilespmem:s22+$0x78F0]  }
0xc6: {  	v10 =	vmul.f32 v10, v11;
	[tilespmem:s22+$0x7890] =	vst v12;
	v12 =	vld [tilespmem:s22+$0x7900]  }
0xc7: {  	v8 =	vmul.f32 v8, v11;
	[tilespmem:s22+$0x78A0] =	vst v13;
	v13 =	vld [tilespmem:s22+$0x7910]  }
0xc8: {  	v9 =	vmul.f32 v9, v11;
	[tilespmem:s22+$0x78B0] =	vst v10;
	v10 =	vld [tilespmem:s22+$0x7920]  }
0xc9: {  	[tilespmem:s22+$0x78C0] =	vst v8;
	v8 =	vmul.f32 v14, v11;
	v14 =	vbroadcast v1, $0x2;
	v16 =	vld [tilespmem:s22+$0x7930]  }
0xca: {  	[tilespmem:s22+$0x78D0] =	vst v9;
	v9 =	vmul.f32 v15, v11;
	v11 =	vld [tilespmem:s22+$0x7940]  }
0xcb: {  	[tilespmem:s22+$0x78E0] =	vst v8;
	v8 =	vmul.f32 v12, v14;
	v12 =	vld [tilespmem:s22+$0x7950]  }
0xcc: {  	[tilespmem:s22+$0x78F0] =	vst v9;
	v9 =	vmul.f32 v13, v14;
	v13 =	vld [tilespmem:s22+$0x7960]  }
0xcd: {  	[tilespmem:s22+$0x7900] =	vst v8;
	v8 =	vmul.f32 v10, v14;
	v10 =	vld [tilespmem:s22+$0x7970]  }
0xce: {  	[tilespmem:s22+$0x7910] =	vst v9;
	v9 =	vmul.f32 v16, v14;
	v15 =	vld [tilespmem:s22+$0x7980]  }
0xcf: {  	[tilespmem:s22+$0x7920] =	vst v8;
	v8 =	vmul.f32 v11, v14;
	v11 =	vld [tilespmem:s22+$0x7990]  }
0xd0: {  	[tilespmem:s22+$0x7930] =	vst v9;
	v9 =	vmul.f32 v12, v14;
	v12 =	vld [tilespmem:s22+$0x79A0]  }
0xd1: {  	[tilespmem:s22+$0x7940] =	vst v8;
	v8 =	vmul.f32 v13, v14;
	v13 =	vbroadcast v1, $0x3;
	v16 =	vld [tilespmem:s22+$0x79B0]  }
0xd2: {  	[tilespmem:s22+$0x7950] =	vst v9;
	v9 =	vmul.f32 v10, v14;
	v10 =	vld [tilespmem:s22+$0x79C0]  }
0xd3: {  	[tilespmem:s22+$0x7960] =	vst v8;
	v8 =	vmul.f32 v15, v13;
	v14 =	vld [tilespmem:s22+$0x79D0]  }
0xd4: {  	[tilespmem:s22+$0x7970] =	vst v9;
	v9 =	vmul.f32 v11, v13;
	v11 =	vld [tilespmem:s22+$0x79E0]  }
0xd5: {  	[tilespmem:s22+$0x7980] =	vst v8;
	v8 =	vmul.f32 v12, v13;
	v12 =	vld [tilespmem:s22+$0x79F0]  }
0xd6: {  	[tilespmem:s22+$0x7990] =	vst v9;
	v9 =	vmul.f32 v16, v13;
	v15 =	vld [tilespmem:s22+$0x7A00]  }
0xd7: {  	[tilespmem:s22+$0x79A0] =	vst v8;
	v8 =	vmul.f32 v10, v13;
	v10 =	vld [tilespmem:s22+$0x7A10]  }
0xd8: {  	[tilespmem:s22+$0x79B0] =	vst v9;
	v9 =	vmul.f32 v14, v13;
	v14 =	vld [tilespmem:s22+$0x7A20]  }
0xd9: {  	[tilespmem:s22+$0x79C0] =	vst v8;
	v8 =	vmul.f32 v11, v13;
	v11 =	vld [tilespmem:s22+$0x7A30]  }
0xda: {  	[tilespmem:s22+$0x79D0] =	vst v9;
	v9 =	vmul.f32 v12, v13;
	v12 =	vld [tilespmem:s22+$0x7A40]  }
0xdb: {  	[tilespmem:s22+$0x79E0] =	vst v8;
	v8 =	vmul.f32 v15, v7;
	v13 =	vld [tilespmem:s22+$0x7A50]  }
0xdc: {  	[tilespmem:s22+$0x79F0] =	vst v9;
	v9 =	vmul.f32 v10, v7;
	v10 =	vld [tilespmem:s22+$0x7A60]  }
0xdd: {  	[tilespmem:s22+$0x7A00] =	vst v8;
	v8 =	vmul.f32 v14, v7;
	v14 =	vld [tilespmem:s22+$0x7A70]  }
0xde: {  	[tilespmem:s22+$0x7A10] =	vst v9;
	v9 =	vmul.f32 v11, v7;
	v11 =	vld [tilespmem:s22+$0x7A80]  }
0xdf: {  	[tilespmem:s22+$0x7A20] =	vst v8;
	v8 =	vmul.f32 v12, v7;
	v12 =	vld [tilespmem:s22+$0x7A90]  }
0xe0: {  	[tilespmem:s22+$0x7A30] =	vst v9;
	v9 =	vmul.f32 v13, v7;
	v13 =	vld [tilespmem:s22+$0x7AA0]  }
0xe1: {  	[tilespmem:s22+$0x7A40] =	vst v8;
	v8 =	vmul.f32 v10, v7;
	v10 =	vbroadcast v1, $0x5;
	v15 =	vld [tilespmem:s22+$0x7AB0]  }
0xe2: {  	[tilespmem:s22+$0x7A50] =	vst v9;
	v7 =	vmul.f32 v14, v7;
	v9 =	vld [tilespmem:s22+$0x7AC0]  }
0xe3: {  	[tilespmem:s22+$0x7A60] =	vst v8;
	v8 =	vmul.f32 v11, v10;
	v11 =	vld [tilespmem:s22+$0x7AD0]  }
0xe4: {  	[tilespmem:s22+$0x7A70] =	vst v7;
	v7 =	vmul.f32 v12, v10;
	v12 =	vld [tilespmem:s22+$0x7AE0]  }
0xe5: {  	[tilespmem:s22+$0x7A80] =	vst v8;
	v8 =	vmul.f32 v13, v10;
	v13 =	vld [tilespmem:s22+$0x7AF0]  }
0xe6: {  	[tilespmem:s22+$0x7A90] =	vst v7;
	v7 =	vmul.f32 v15, v10;
	v14 =	vld [tilespmem:s22+$0x7B00]  }
0xe7: {  	[tilespmem:s22+$0x7AA0] =	vst v8;
	v8 =	vmul.f32 v9, v10;
	v9 =	vld [tilespmem:s22+$0x7B10]  }
0xe8: {  	[tilespmem:s22+$0x7AB0] =	vst v7;
	v7 =	vmul.f32 v11, v10;
	v11 =	vld [tilespmem:s22+$0x7B20]  }
0xe9: {  	[tilespmem:s22+$0x7AC0] =	vst v8;
	v8 =	vmul.f32 v12, v10;
	v12 =	vbroadcast v1, $0x6;
	v15 =	vld [tilespmem:s22+$0x7B30]  }
0xea: {  	[tilespmem:s22+$0x7AD0] =	vst v7;
	v7 =	vmul.f32 v13, v10;
	v10 =	vld [tilespmem:s22+$0x7B40]  }
0xeb: {  	[tilespmem:s22+$0x7AE0] =	vst v8;
	v8 =	vmul.f32 v14, v12;
	v13 =	vld [tilespmem:s22+$0x7B50]  }
0xec: {  	[tilespmem:s22+$0x7AF0] =	vst v7;
	v7 =	vmul.f32 v9, v12;
	v9 =	vld [tilespmem:s22+$0x7B60]  }
0xed: {  	[tilespmem:s22+$0x7B00] =	vst v8;
	v8 =	vmul.f32 v11, v12;
	v11 =	vld [tilespmem:s22+$0x7B70]  }
0xee: {  	[tilespmem:s22+$0x7B10] =	vst v7;
	v7 =	vmul.f32 v15, v12;
	v14 =	vld [tilespmem:s22+$0x7B80]  }
0xef: {  	[tilespmem:s22+$0x7B20] =	vst v8;
	v8 =	vmul.f32 v10, v12;
	v10 =	vld [tilespmem:s22+$0x7B90]  }
0xf0: {  	[tilespmem:s22+$0x7B30] =	vst v7;
	v7 =	vmul.f32 v13, v12;
	v13 =	vld [tilespmem:s22+$0x7BA0]  }
0xf1: {  	[tilespmem:s22+$0x7B40] =	vst v8;
	v8 =	vmul.f32 v9, v12;
	v9 =	vbroadcast v1, $0x7;
	v15 =	vld [tilespmem:s22+$0x7BB0]  }
0xf2: {  	[tilespmem:s22+$0x7B50] =	vst v7;
	v7 =	vmul.f32 v11, v12;
	v11 =	vld [tilespmem:s22+$0x7BC0]  }
0xf3: {  	[tilespmem:s22+$0x7B60] =	vst v8;
	v8 =	vmul.f32 v14, v9;
	v12 =	vld [tilespmem:s22+$0x7BD0]  }
0xf4: {  	[tilespmem:s22+$0x7B70] =	vst v7;
	v7 =	vmul.f32 v10, v9;
	v10 =	vld [tilespmem:s22+$0x7BE0]  }
0xf5: {  	[tilespmem:s22+$0x7B80] =	vst v8;
	v8 =	vmul.f32 v13, v9;
	v13 =	vld [tilespmem:s22+$0x7BF0]  }
0xf6: {  	[tilespmem:s22+$0x7B90] =	vst v7;
	v7 =	vmul.f32 v15, v9;
	v14 =	vld [tilespmem:s22+$0x7C00]  }
0xf7: {  	[tilespmem:s22+$0x7BA0] =	vst v8;
	v8 =	vmul.f32 v11, v9;
	v11 =	vld [tilespmem:s22+$0x7C10]  }
0xf8: {  	[tilespmem:s22+$0x7BB0] =	vst v7;
	v7 =	vmul.f32 v12, v9;
	v12 =	vld [tilespmem:s22+$0x7C20]  }
0xf9: {  	[tilespmem:s22+$0x7BC0] =	vst v8;
	v8 =	vmul.f32 v10, v9;
	v10 =	vbroadcast v1, $0x8;
	v15 =	vld [tilespmem:s22+$0x7C30]  }
0xfa: {  	[tilespmem:s22+$0x7BD0] =	vst v7;
	v7 =	vmul.f32 v13, v9;
	v9 =	vld [tilespmem:s22+$0x7C40]  }
0xfb: {  	[tilespmem:s22+$0x7BE0] =	vst v8;
	v8 =	vmul.f32 v14, v10;
	v13 =	vld [tilespmem:s22+$0x7C50]  }
0xfc: {  	[tilespmem:s22+$0x7BF0] =	vst v7;
	v7 =	vmul.f32 v11, v10;
	v11 =	vld [tilespmem:s22+$0x7C60]  }
0xfd: {  	[tilespmem:s22+$0x7C00] =	vst v8;
	v8 =	vmul.f32 v12, v10;
	v12 =	vld [tilespmem:s22+$0x7C70]  }
0xfe: {  	[tilespmem:s22+$0x7C10] =	vst v7;
	v7 =	vmul.f32 v15, v10;
	v14 =	vld [tilespmem:s22+$0x7C80]  }
0xff: {  	[tilespmem:s22+$0x7C20] =	vst v8;
	v8 =	vmul.f32 v9, v10;
	v9 =	vld [tilespmem:s22+$0x7C90]  }
0x100: {  	[tilespmem:s22+$0x7C30] =	vst v7;
	v7 =	vmul.f32 v13, v10;
	v13 =	vld [tilespmem:s22+$0x7CA0]  }
0x101: {  	[tilespmem:s22+$0x7C40] =	vst v8;
	v8 =	vmul.f32 v11, v10;
	v11 =	vbroadcast v1, $0x9;
	v15 =	vld [tilespmem:s22+$0x7CB0]  }
0x102: {  	[tilespmem:s22+$0x7C50] =	vst v7;
	v7 =	vmul.f32 v12, v10;
	v10 =	vld [tilespmem:s22+$0x7CC0]  }
0x103: {  	[tilespmem:s22+$0x7C60] =	vst v8;
	v8 =	vmul.f32 v14, v11;
	v12 =	vld [tilespmem:s22+$0x7CD0]  }
0x104: {  	[tilespmem:s22+$0x7C70] =	vst v7;
	v7 =	vmul.f32 v9, v11;
	v9 =	vld [tilespmem:s22+$0x7CE0]  }
0x105: {  	[tilespmem:s22+$0x7C80] =	vst v8;
	v8 =	vmul.f32 v13, v11;
	v13 =	vld [tilespmem:s22+$0x7CF0]  }
0x106: {  	[tilespmem:s22+$0x7C90] =	vst v7;
	v7 =	vmul.f32 v15, v11;
	v14 =	vld [tilespmem:s22+$0x7D00]  }
0x107: {  	[tilespmem:s22+$0x7CA0] =	vst v8;
	v8 =	vmul.f32 v10, v11;
	v10 =	vld [tilespmem:s22+$0x7D10]  }
0x108: {  	[tilespmem:s22+$0x7CB0] =	vst v7;
	v7 =	vmul.f32 v12, v11;
	v12 =	vld [tilespmem:s22+$0x7D20]  }
0x109: {  	[tilespmem:s22+$0x7CC0] =	vst v8;
	v8 =	vmul.f32 v9, v11;
	v9 =	vld [tilespmem:s22+$0x7D30]  }
0x10a: {  	[tilespmem:s22+$0x7CD0] =	vst v7;
	v7 =	vmul.f32 v13, v11;
	v11 =	vld [tilespmem:s22+$0x7D40]  }
0x10b: {  	[tilespmem:s22+$0x7CE0] =	vst v8;
	v8 =	vmul.f32 v14, v4;
	v13 =	vld [tilespmem:s22+$0x7D50]  }
0x10c: {  	[tilespmem:s22+$0x7CF0] =	vst v7;
	v7 =	vmul.f32 v10, v4;
	v10 =	vld [tilespmem:s22+$0x7D60]  }
0x10d: {  	v14 =	vld [tilespmem:s22+$0x7800];
	[tilespmem:s22+$0x7D00] =	vst v8;
	v8 =	vmul.f32 v12, v4  }
0x10e: {  	v12 =	vld [tilespmem:s22+$0x7810];
	[tilespmem:s22+$0x7D10] =	vst v7;
	v7 =	vmul.f32 v9, v4  }
0x10f: {  	v9 =	vld [tilespmem:s22+$0x7840];
	[tilespmem:s22+$0x7D20] =	vst v8;
	v8 =	vmul.f32 v11, v4  }
0x110: {  	v11 =	vld [tilespmem:s22+$0x7850];
	[tilespmem:s22+$0x7D30] =	vst v7;
	v7 =	vmul.f32 v13, v4  }
0x111: {  	[tilespmem:s22+$0x7D40] =	vst v8;
	v8 =	vmul.f32 v10, v4;
	v10 =	vbroadcast v1, $0xB;
	v13 =	vld [tilespmem:s22+$0x7DA0]  }
0x112: {  	v4 =	vbroadcast v1, $0xF;
	v14 =	vmul.f32 v2, v14;
	[tilespmem:s22+$0x7D50] =	vst v7;
	v7 =	vld [tilespmem:s22+$0x7DB0]  }
0x113: {  	v12 =	vmul.f32 v12, v2;
	[tilespmem:s22+$0x7D60] =	vst v8;
	v5 =	vmul.f32 v5, v10;
	v8 =	vld [tilespmem:s22+$0x7DC0]  }
0x114: {  	v6 =	vmul.f32 v6, v10;
	[tilespmem:s22+$0x7800] =	vst v14;
	v9 =	vmul.f32 v9, v2;
	v14 =	vld [tilespmem:s22+$0x7DD0]  }
0x115: {  	v3 =	vmul.f32 v3, v4;
	v11 =	vmul.f32 v11, v2;
	[tilespmem:s22+$0x7D80] =	vst v5;
	v2 =	vld [tilespmem:s22+$0x7DE0]  }
0x116: {  	[tilespmem:s22+$0x7D90] =	vst v6;
	v5 =	vmul.f32 v13, v10;
	v6 =	vld [tilespmem:s22+$0x7DF0]  }
0x117: {  	v7 =	vmul.f32 v7, v10;
	v13 =	vld [tilespmem:s22+$0x7E00];
	[tilespmem:s22+$0x7FD0] =	vst v3  }
0x118: {  	[tilespmem:s22+$0x7810] =	vst v12;
	v3 =	vmul.f32 v8, v10;
	v8 =	vld [tilespmem:s22+$0x7E10]  }
0x119: {  	[tilespmem:s22+$0x7840] =	vst v9;
	v9 =	vmul.f32 v14, v10;
	v12 =	vld [tilespmem:s22+$0x7E20]  }
0x11a: {  	v14 =	vbroadcast v1, $0xC;
	[tilespmem:s22+$0x7DA0] =	vst v5;
	v5 =	vmul.f32 v2, v10;
	v15 =	vld [tilespmem:s22+$0x7E30]  }
0x11b: {  	[tilespmem:s22+$0x7DD0] =	vst v9;
	v6 =	vmul.f32 v6, v10;
	v9 =	vld [tilespmem:s22+$0x7E40]  }
0x11c: {  	[tilespmem:s22+$0x7DB0] =	vst v7;
	v2 =	vmul.f32 v13, v14;
	v7 =	vld [tilespmem:s22+$0x7E50]  }
0x11d: {  	[tilespmem:s22+$0x7DC0] =	vst v3;
	v3 =	vmul.f32 v8, v14;
	v8 =	vld [tilespmem:s22+$0x7E60]  }
0x11e: {  	[tilespmem:s22+$0x7E00] =	vst v2;
	v2 =	vmul.f32 v12, v14;
	v10 =	vld [tilespmem:s22+$0x7E70]  }
0x11f: {  	[tilespmem:s22+$0x7E10] =	vst v3;
	v3 =	vld [tilespmem:s22+$0x7E80]  }
0x120: {  	[tilespmem:s22+$0x7850] =	vst v11;
	v9 =	vmul.f32 v9, v14;
	v11 =	vld [tilespmem:s22+$0x7E90]  }
0x121: {  	[tilespmem:s22+$0x7DE0] =	vst v5;
	v5 =	vmul.f32 v7, v14;
	v7 =	vld [tilespmem:s22+$0x7EA0]  }
0x122: {  	[tilespmem:s22+$0x7E40] =	vst v9;
	v8 =	vmul.f32 v8, v14;
	v9 =	vbroadcast v1, $0xD;
	v12 =	vld [tilespmem:s22+$0x7EB0]  }
0x123: {  	[tilespmem:s22+$0x7E50] =	vst v5;
	v5 =	vmul.f32 v10, v14;
	v10 =	vld [tilespmem:s22+$0x7EC0]  }
0x124: {  	[tilespmem:s22+$0x7E60] =	vst v8;
	v3 =	vmul.f32 v3, v9;
	v8 =	vld [tilespmem:s22+$0x7ED0]  }
0x125: {  	[tilespmem:s22+$0x7E70] =	vst v5;
	v5 =	vmul.f32 v11, v9;
	v11 =	vld [tilespmem:s22+$0x7EE0]  }
0x126: {  	[tilespmem:s22+$0x7E80] =	vst v3;
	v3 =	vmul.f32 v7, v9;
	v7 =	vld [tilespmem:s22+$0x7EF0]  }
0x127: {  	[tilespmem:s22+$0x7E90] =	vst v5;
	v5 =	vmul.f32 v12, v9;
	v12 =	vld [tilespmem:s22+$0x7F00]  }
0x128: {  	[tilespmem:s22+$0x7EA0] =	vst v3;
	v3 =	vmul.f32 v10, v9;
	v10 =	vld [tilespmem:s22+$0x7F10]  }
0x129: {  	[tilespmem:s22+$0x7EB0] =	vst v5;
	v5 =	vmul.f32 v8, v9;
	v8 =	vld [tilespmem:s22+$0x7F20]  }
0x12a: {  	v1 =	vbroadcast v1, $0xE;
	[tilespmem:s22+$0x7DF0] =	vst v6;
	v6 =	vmul.f32 v11, v9;
	v11 =	vld [tilespmem:s22+$0x7F30]  }
0x12b: {  	[tilespmem:s22+$0x7ED0] =	vst v5;
	v5 =	vmul.f32 v7, v9;
	v7 =	vld [tilespmem:s22+$0x7F40]  }
0x12c: {  	[tilespmem:s22+$0x7EE0] =	vst v6;
	v6 =	vmul.f32 v12, v1;
	v9 =	vld [tilespmem:s22+$0x7F50]  }
0x12d: {  	[tilespmem:s22+$0x7EF0] =	vst v5;
	v5 =	vmul.f32 v10, v1;
	v10 =	vld [tilespmem:s22+$0x7F60]  }
0x12e: {  	[tilespmem:s22+$0x7F00] =	vst v6;
	v6 =	vmul.f32 v8, v1;
	v8 =	vld [tilespmem:s22+$0x7F70]  }
0x12f: {  	[tilespmem:s22+$0x7F10] =	vst v5;
	v5 =	vmul.f32 v11, v1;
	v11 =	vld [tilespmem:s22+$0x7F80]  }
0x130: {  	[tilespmem:s22+$0x7F20] =	vst v6;
	v6 =	vmul.f32 v7, v1;
	v7 =	vld [tilespmem:s22+$0x7F90]  }
0x131: {  	[tilespmem:s22+$0x7F30] =	vst v5;
	v5 =	vmul.f32 v9, v1;
	v9 =	vld [tilespmem:s22+$0x7FA0]  }
0x132: {  	[tilespmem:s22+$0x7F40] =	vst v6;
	v6 =	vmul.f32 v10, v1;
	v10 =	vld [tilespmem:s22+$0x7FB0]  }
0x133: {  	[tilespmem:s22+$0x7EC0] =	vst v3;
	v1 =	vmul.f32 v8, v1;
	v3 =	vld [tilespmem:s22+$0x7FC0]  }
0x134: {  	[tilespmem:s22+$0x7F60] =	vst v6;
	v6 =	vmul.f32 v11, v4;
	v8 =	vld [tilespmem:s22+$0x7FE0]  }
0x135: {  	[tilespmem:s22+$0x7F70] =	vst v1;
	v1 =	vmul.f32 v7, v4;
	v7 =	vld [tilespmem:s22+$0x7FF0]  }
0x136: {  	[tilespmem:s22+$0x7F80] =	vst v6;
	v6 =	vmul.f32 v9, v4  }
0x137: {  	[tilespmem:s22+$0x7F90] =	vst v1;
	v1 =	vmul.f32 v10, v4  }
0x138: {  	v9 =	vmul.f32 v15, v14;
	[tilespmem:s22+$0x7FA0] =	vst v6  }
0x139: {  	[tilespmem:s22+$0x7FB0] =	vst v1;
	v1 =	vmul.f32 v3, v4  }
.Ltmp0:
0x13a: {  	[tilespmem:s22+$0x7E30] =	vst v9;
	v3 =	vmul.f32 v7, v4;
	(pc) =	sbr.rel @p0 .LBB2_3-.Ltmp0, $4  }
0x13b: {  	[tilespmem:s22+$0x7FC0] =	vst v1  }
0x13c: {  	v1 =	vmul.f32 v8, v4;
	[tilespmem:s22+$0x7FF0] =	vst v3  }
0x13d: {  	[tilespmem:s22+$0x7F50] =	vst v5  }
0x13e: {  	[tilespmem:s22+$0x7FE0] =	vst v1  }
0x13f: {  	s20 =	sadd.s32 $0x1, s20  }
0x140: {  	p0 =	sne.s32 s20, $0x4F  }
.Ltmp1:
0x141: {  	[tilespmem:s22+$0x7E20] =	vst v2;
	s21 =	sadd.s32 $0x2800, s21;
	(pc) =	sbr.rel @p0 .LBB2_2-.Ltmp1, $4  }
0x142: {  	[spmem:s3] =	stream.indirect.scatter.add.f32 [tilespmem:s17], [sflag:$0x2], $0x80, s21, s16, $0xb8;
	[tilespmem:$0x1F800] =	vst v63  }
0x143: {  	_ =	swait.ge [sflag:s13], $0x4000  }
0x144: {  	[sflag:s13] =	ssyncset.done $0x0  }
0x145: {  	[sflag:s13] =	ssyncadd.s32 $0xFFFFC000  }
0x146: {  	s19 =	sadd.s32 $0x1, s19  }
0x147: {  	p0 =	sne.s32 s19, s11  }
.Ltmp2:
0x148: {  	[bflag:$0x0] =	sbarrier.arrive $0xFFFF;
	(pc) =	sbr.rel @p0 .LBB2_1-.Ltmp2, $4  }
0x149: {  	[hbm:s10], [sflag:s6] =	dma.local [spmem:s12], $0x2800  }
0x14a: {  	_ =	swait.ge [sflag:s13], $0x2800  }
0x14b: {  	[sflag:s13] =	ssyncset.done $0x0  }
0x14c: {  	[sflag:s13] =	ssyncadd.s32 $0xFFFFD800  }
0x14d: {  	_ =	sfence.sel $0x180000  }
0x14e: {  	[bflag:$0x0] =	sbarrier.arrive $0xFFFF  }
0x14f: {  	p0 =	sne.s32 s0, $0x0;
	_ =	strace $0x9000004A  }
0x150: {  	s0 =	sadd.s32 @!p0 $0x100000, s1;
	[bflag:$0x2] =	sbarrier.arrive $0xFFFF  }
0x151: {  	[sflag:s0] =	ssyncadd.tile.s32 @!p0 $0x1;
	_ =	shalt  }
.Lfunc_end2:
_tile_overlayer_lowered:
.L_overlay_start_2:
0x152: {  	(tag) =	ssettag $0x2  }
0x153: {  	s0 =	rddreg [dreg:$0x0];
	s2 =	stileid.u32  }
0x154: {  	s1 =	rddreg [dreg:$0x1];
	p0 =	sne.s32 s2, $0x0  }
0x155: {  	s3 =	rddreg [dreg:$0x2];
	[bflag:$0x3] =	sbarrier.arrive $0xFFFF;
	s2 =	simm.s32 @!p0 $0x1C02  }
0x156: {  	[timem:s3], [sflag:s2] =	dma.local @!p0 [hbm:s0], s1  }
0x157: {  	s0 =	simm.s32 @!p0 $0x2  }
0x158: {  	_ =	swait.ge @!p0 [sflag:s0], s1  }
0x159: {  	s1 =	ssub.s32 @!p0 $0x0, s1;
	[sflag:s0] =	ssyncset.done @!p0 $0x0  }
0x15a: {  	[sflag:s0] =	ssyncadd.s32 @!p0 s1  }
0x15b: {  	[bflag:$0x3] =	sbarrier.arrive $0xFFFF  }
0x15c: {  	_ =	shalt  }

// kernel: kernel.7.cloned.1.call-start
scs
__scs_entry_jumppad:
0x0: {  	(pc) =	sbr.rel $0x88, $3  }
0x1: {  	(tag) =	ssettag $0x0;
	lr =	simm.s32 $0x1  }
0x2: {  	[smem:$0x3F92] =	sst lr;
	_ =	strace $0xD0000000  }
0x3: {  	_ = 	snop  }
0x4: {  	_ = 	snop  }
0x5: {  	_ = 	snop  }
0x6: {  	_ = 	snop  }
0x7: {  	_ = 	snop  }
__scs_overlays_trampoline_lowered:
0x8: {  	[smem:$0x3FA1] =	sst s0  }
0x9: {  	[smem:$0x3FA2] =	sst s1  }
0xa: {  	[smem:$0x3FA3] =	sst s2  }
0xb: {  	[smem:$0x3FA4] =	sst s3  }
0xc: {  	[smem:$0x3FA5] =	sst s4  }
0xd: {  	[smem:$0x3FA6] =	sst s5  }
0xe: {  	[smem:$0x3FA7] =	sst s6  }
0xf: {  	[smem:$0x3FA8] =	sst s7  }
0x10: {  	[smem:$0x3FA9] =	sst s8  }
0x11: {  	[smem:$0x3FAA] =	sst s9;
	s0 =	simm.s32 @!p0 $0x0  }
0x12: {  	s1 =	sld [smem:$0x3F90];
	s0 =	simm.s32 @p0 $0x1  }
0x13: {  	[smem:$0x3FAB] =	sst s0;
	s0 =	simm.s32 @!p1 $0x0  }
0x14: {  	s2 =	sld [smem:$0x3F8F];
	s0 =	simm.s32 @p1 $0x1  }
0x15: {  	[smem:$0x3FAC] =	sst s0;
	s0 =	simm.s32 @!p2 $0x0  }
0x16: {  	s3 =	sld [smem:$0x3FDB];
	s0 =	simm.s32 @p2 $0x1  }
0x17: {  	s4 =	simm.s32 $0x1BF5;
	[smem:$0x3FAE] =	sst s0  }
0x18: {  	s0 =	sld [smem:$0x3F91];
	_ =	swait.ge [sflag:s4], $0x0  }
0x19: {  	s7 =	sld [smem:$0x3F92]  }
0x1a: {  	s8 =	sadd.s32 $0xFFFFE003, lr  }
0x1b: {  	s9 =	sadd.s32 $0xFFFFFEF7, lr;
	s5 =	simm.s32 $0xFFFFFFFF;
	p2 =	slt.u32 s8, $0xFFFFF086  }
0x1c: {  	p1 =	slt.u32 s9, $0xF7A;
	s5 =	simm.s32 @!p2 $0x0  }
0x1d: {  	s5 =	simm.s32 @p1 $0x1;
	p0 =	seq.s32 s7, s2  }
0x1e: {  	s7 =	smul.u32 @!p0 $0xF7A, s2;
	p2 =	seq.s32 @!p0 s5, $0x0  }
0x1f: {  	s9 =	smul.u32 $0xF7A, s1;
	s8 =	simm.s32 @!p0 $0x1BF5;
	p2 =	por !p2, p0  }
0x20: {  	[sflag:s8] =	ssyncset.s32 @!p0 $0xFFFFF086;
	s6 =	sadd.s32 @!p0 s3, s7;
	s7 =	simm.s32 @!p0 $0x108  }
0x21: {  	s3 =	sadd.s32 s3, s9;
	s6 =	sadd.s32 @!p0 $0x88, s6;
	s7 =	simm.s32 @p2 $0x1082  }
0x22: {  	[simem:s7], [sflag:s8] =	dma.local @!p0 [hbm:s6], $0xF7A  }
0x23: {  	s9 =	sor.u32 $0xD0000000, s2;
	s6 =	simm.s32 $0x108;
	_ =	swait.ge @!p0 [sflag:s8], $0x0  }
0x24: {  	s3 =	sadd.s32 $0x88, s3;
	s6 =	simm.s32 @!p1 $0x1082;
	[sflag:s4] =	ssyncset.s32 $0xFFFFF086  }
0x25: {  	[simem:s6], [sflag:s4] =	dma.local [hbm:s3], $0xF7A  }
0x26: {  	[smem:$0x3F92] =	sst s1;
	(tag) =	ssettag s2;
	_ =	strace s9  }
0x27: {  	s1 =	sld [smem:$0x3FA2]  }
0x28: {  	s2 =	sld [smem:$0x3FA3]  }
0x29: {  	s4 =	sld [smem:$0x3FA5]  }
0x2a: {  	p0 =	seq.s32 s5, $0x0;
	s5 =	sld [smem:$0x3FA6]  }
0x2b: {  	s6 =	sld [smem:$0x3FA7]  }
0x2c: {  	s7 =	sld [smem:$0x3FA8]  }
0x2d: {  	s3 =	simm.s32 $0x108;
	s8 =	sld [smem:$0x3FA9]  }
0x2e: {  	s3 =	simm.s32 @!p0 $0x1082;
	s9 =	sld [smem:$0x3FAA]  }
0x2f: {  	lr =	sadd.s32 s0, s3;
	s0 =	sld [smem:$0x3FA1]  }
0x30: {  	s3 =	sld [smem:$0x3FA4]  }
0x31: {  	[smem:$0x3FAD] =	sst s10  }
0x32: {  	s10 =	sld [smem:$0x3FAB];
	_ =	sdelay $0x3  }
0x33: {  	p0 =	seq.s32 s10, $0x1;
	s10 =	sld [smem:$0x3FAD];
	_ =	sdelay $0x3  }
0x34: {  	[smem:$0x3FAD] =	sst s10  }
0x35: {  	s10 =	sld [smem:$0x3FAC];
	_ =	sdelay $0x3  }
0x36: {  	p1 =	seq.s32 s10, $0x1;
	s10 =	sld [smem:$0x3FAD];
	_ =	sdelay $0x3  }
0x37: {  	[smem:$0x3FAD] =	sst s10  }
0x38: {  	s10 =	sld [smem:$0x3FAE]  }
0x39: {  	_ = 	snop;
	(pc) =	sbr.ind lr, $3  }
0x3a: {  	_ = 	snop  }
0x3b: {  	_ = 	snop  }
0x3c: {  	p2 =	seq.s32 s10, $0x1;
	s10 =	sld [smem:$0x3FAD]  }
0x3d: {  	_ =	shalt  }
0x3e: {  	_ =	shalt  }
0x3f: {  	_ =	shalt  }
0x40: {  	_ =	shalt  }
0x41: {  	_ =	shalt  }
0x42: {  	_ =	shalt  }
0x43: {  	_ =	shalt  }
0x44: {  	_ =	shalt  }
0x45: {  	_ =	shalt  }
0x46: {  	_ =	shalt  }
0x47: {  	_ =	shalt  }
0x48: {  	_ =	shalt  }
0x49: {  	_ =	shalt  }
0x4a: {  	_ =	shalt  }
0x4b: {  	_ =	shalt  }
0x4c: {  	_ =	shalt  }
0x4d: {  	_ =	shalt  }
0x4e: {  	_ =	shalt  }
0x4f: {  	_ =	shalt  }
0x50: {  	_ =	shalt  }
0x51: {  	_ =	shalt  }
0x52: {  	_ =	shalt  }
0x53: {  	_ =	shalt  }
0x54: {  	_ =	shalt  }
0x55: {  	_ =	shalt  }
0x56: {  	_ =	shalt  }
0x57: {  	_ =	shalt  }
0x58: {  	_ =	shalt  }
0x59: {  	_ =	shalt  }
0x5a: {  	_ =	shalt  }
0x5b: {  	_ =	shalt  }
0x5c: {  	_ =	shalt  }
0x5d: {  	_ =	shalt  }
0x5e: {  	_ =	shalt  }
0x5f: {  	_ =	shalt  }
0x60: {  	_ =	shalt  }
0x61: {  	_ =	shalt  }
0x62: {  	_ =	shalt  }
0x63: {  	_ =	shalt  }
0x64: {  	_ =	shalt  }
0x65: {  	_ =	shalt  }
0x66: {  	_ =	shalt  }
0x67: {  	_ =	shalt  }
0x68: {  	_ =	shalt  }
0x69: {  	_ =	shalt  }
0x6a: {  	_ =	shalt  }
0x6b: {  	_ =	shalt  }
0x6c: {  	_ =	shalt  }
0x6d: {  	_ =	shalt  }
0x6e: {  	_ =	shalt  }
0x6f: {  	_ =	shalt  }
0x70: {  	_ =	shalt  }
0x71: {  	_ =	shalt  }
0x72: {  	_ =	shalt  }
0x73: {  	_ =	shalt  }
0x74: {  	_ =	shalt  }
0x75: {  	_ =	shalt  }
0x76: {  	_ =	shalt  }
0x77: {  	_ =	shalt  }
0x78: {  	_ =	shalt  }
0x79: {  	_ =	shalt  }
0x7a: {  	_ =	shalt  }
0x7b: {  	_ =	shalt  }
0x7c: {  	_ =	shalt  }
0x7d: {  	_ =	shalt  }
0x7e: {  	_ =	shalt  }
0x7f: {  	_ =	shalt  }
0x80: {  	_ =	shalt  }
0x81: {  	_ =	shalt  }
0x82: {  	_ =	shalt  }
0x83: {  	_ =	shalt  }
0x84: {  	_ =	shalt  }
0x85: {  	_ =	shalt  }
0x86: {  	_ =	shalt  }
0x87: {  	_ =	shalt  }
.Lfunc_end0:
.L_simem_size_0:
called_computation_lowered:
.L_overlay_start_0:
0x88: {  	s2 =	sld [smem:$0x3FD9]  }
0x89: {  	s3 =	sld [smem:$0x3FFE];
	_ =	sdelay $0x1  }
0x8a: {  	s1 =	srdreg.scid  }
0x8b: {  	s0 =	sand.u32 $0x1, s1  }
0x8c: {  	s17 =	sshll.u32 s0, $0xA;
	s2 =	sadd.s32 s3, s2  }
0x8d: {  	s2 =	sadd.s32 s2, s17  }
0x8e: {  	[smem:$0x3FB9] =	sst s2  }
0x8f: {  	_ = 	snop  }
0x90: {  	s2 =	sld [smem:$0x3FD0];
	(tm) =	ssettm $0x1  }
0x91: {  	s18 =	sld [smem:$0x3FFB];
	_ =	sdelay $0x3  }
0x92: {  	_ =	strace s18  }
0x93: {  	s3 =	sld [smem:$0x3FFC];
	_ =	sdelay $0x3  }
0x94: {  	_ =	strace s3  }
0x95: {  	s3 =	sld [smem:$0x3FFD];
	_ =	sdelay $0x3  }
0x96: {  	_ =	strace s3  }
0x97: {  	_ =	strace $0x8FFFFFFF  }
0x98: {  	s19 =	sld [smem:$0x3FDB];
	_ =	sdelay $0x1  }
0x99: {  	s4 =	simm.s32 $_scs_section_size  }
0x9a: {  	s5 =	simm.s32 $_size__tile_overlayer_lowered;
	s6 =	simm.s32 $_tile_overlayer_lowered  }
0x9b: {  	s22 =	simm.s32 $0x1BFF;
	s21 =	sshll.u32 s6, $0x1;
	s3 =	sadd.s32 s4, s19  }
0x9c: {  	s7 =	simm.s32 $0x0;
	s20 =	sshll.u32 s5, $0x1;
	s5 =	sadd.s32 s21, s3  }
0x9d: {  	[timem:s7], [sflag:s22] =	dma.local [hbm:s5], s20  }
0x9e: {  	_ =	swait.ge [sflag:s22], s20  }
0x9f: {  	s4 =	ssub.s32 $0x0, s20;
	[sflag:s22] =	ssyncset.done $0x0  }
0xa0: {  	[sflag:s22] =	ssyncadd.s32 s4;
	_ =	sdelay $0x1  }
0xa1: {  	s23 =	simm.s32 $0x1B8B  }
0xa2: {  	_ =	swait.ge [sflag:s23], $0x1  }
0xa3: {  	[sflag:s23] =	ssyncset.done $0x0  }
0xa4: {  	s25 =	simm.s32 $0x1B8E;
	s24 =	sld [smem:$0x3FFE];
	[sflag:s23] =	ssyncadd.s32 $0xFFFFFFFF  }
0xa5: {  	s26 =	simm.s32 $execute0_lowered;
	[smem:$0x3FD2] =	sst s25  }
0xa6: {  	s5 =	sshll.u32 s26, $0x1;
	_ =	strace $0x80000046;
	[dreg:$0x1] =	wrdreg $0xFFFFFFFF  }
0xa7: {  	s28 =	simm.s32 $_size_execute0_lowered;
	s3 =	sadd.s32 s3, s5;
	[dreg:$0x0] =	wrdreg $0x0  }
0xa8: {  	s5 =	sshll.u32 s28, $0x1;
	[dreg:$0x2] =	wrdreg s3  }
0xa9: {  	[dreg:$0x3] =	wrdreg s5  }
0xaa: {  	[dreg:$0x4] =	wrdreg $0xC0  }
0xab: {  	_ =	task [dreg:s7], $0x5FFFF  }
0xac: {  	[dreg:$0x1] =	wrdreg $0xFFFFFFFF  }
0xad: {  	[dreg:$0x0] =	wrdreg $0x60  }
0xae: {  	[dreg:$0x2] =	wrdreg s24  }
0xaf: {  	[dreg:$0x3] =	wrdreg s2  }
0xb0: {  	[dreg:$0x4] =	wrdreg $0x50000  }
0xb1: {  	[dreg:$0x5] =	wrdreg $0x9  }
0xb2: {  	_ =	task.clear_ibuf [dreg:s7], $0x6FFFF;
	_ =	strace $0x90000046  }
0xb3: {  	s29 =	simm.s32 $0x9;
	_ =	strace $0x80000048  }
0xb4: {  	_ =	swait.ge [sflag:s29], $0x1  }
0xb5: {  	[sflag:s29] =	ssyncadd.s32 $0xFFFFFFFF  }
0xb6: {  	_ =	strace $0x90000048  }
0xb7: {  	_ =	sfence  }
0xb8: {  	s30 =	sld [smem:$0x0];
	_ =	sdelay $0x2  }
0xb9: {  	s31 =	sshll.u32 s1, $0xD;
	s1 =	sshrl.u32 s1, $0x2  }
0xba: {  	s3 =	sand.u32 $0x4000, s31;
	s1 =	sadd.s32 s1, s30  }
0xbb: {  	s0 =	sor.u32 s3, s0;
	s1 =	sshll.u32 s1, $0x11  }
0xbc: {  	s0 =	sor.u32 s1, s0  }
0xbd: {  	s0 =	sadd.s32 $0x8F2B, s0  }
0xbe: {  	[sflag:s0] =	ssyncadd.remote.s32 $0x1  }
0xbf: {  	_ =	sfence.sel $0xFFFF  }
0xc0: {  	[dreg:$0x0] =	wrdreg $0xFFFFFFFF;
	(pc) =	sbr.abs _section_cstart, $3  }
0xc1: {  	[dreg:$0x1] =	wrdreg $0xFFFFFFFF  }
0xc2: {  	_ =	task.clear_ibuf [dreg:s7], $0x2FFFF;
	_ =	strace $0x9FFFFFFF  }
0xc3: {  	(tm) =	ssettm $0x7FFFFFFF  }
tec
execute0_lowered:
.L_overlay_start_1:
0x0: {  	(tag) =	ssettag $0x1  }
0x1: {  	s4 =	rddreg [dreg:$0x0]  }
0x2: {  	s1 =	srdreg.scid;
	s8 =	rddreg [dreg:$0x1]  }
0x3: {  	s0 =	stileid.u32;
	s2 =	rddreg [dreg:$0x2];
	s3 =	simm.s32 $0x0  }
0x4: {  	s13 =	simm.s32 $0x80;
	s14 =	simm.s32 $0x20;
	s15 =	simm.s32 $0x10  }
0x5: {  	s16 =	simm.s32 $0x0;
	s5 =	sand.u32 $0x1, s1;
	s1 =	rddreg [dreg:$0x3]  }
0x6: {  	s25 =	sshll.u32 s0, $0x1;
	[smem:$0x7FF] =	sst s3;
	s7 =	smul.u32 $0x280, s0  }
0x7: {  	s28 =	smul.u32 $0x500, s0;
	s30 =	sshll.u32 s0, $0x6;
	s6 =	sor.u32 s5, s25  }
0x8: {  	_ =	strace $0x80000047;
	s9 =	ssub.s32 $0x2, s5;
	s12 =	sshll.u32 s5, $0x7  }
0x9: {  	s5 =	sor.u32 $0x1C01, s30;
	s6 =	smul.u32 $0x500, s6;
	s26 =	sshrl.u32 s7, $0x3  }
0xa: {  	s11 =	sshrl.u32 s9, $0x1;
	s29 =	sadd.s32 s7, s2;
	s12 =	sor.u32 s12, s28  }
0xb: {  	s9 =	ssub.s32 s9, s11;
	s31 =	sshrl.u32 s12, $0x3;
	s11 =	simm.s32 $0x1  }
0xc: {  	s12 =	simm.s32 $0x2800;
	s10 =	sadd.s32 s6, s4;
	s4 =	sadd.s32 s26, s4  }
0xd: {  	s8 =	sadd.s32 s8, s31;
	s9 =	smax.u32 s9, $0x1;
	s4 =	sadd.s32 $0x17000, s4  }
0xe: {  	s6 =	sadd.s32 $0x3000, s10;
	s7 =	sadd.s32 $0xD000, s10;
	s10 =	sshrl.u32 s29, $0x3  }
.LBB2_1:
0xf: {  	[spmem:s10], [sflag:s5] =	dma.local [hbm:s4], $0x50  }
0x10: {  	_ =	swait.ge [sflag:s11], $0x50  }
0x11: {  	[sflag:s11] =	ssyncset.done $0x0  }
0x12: {  	[sflag:s11] =	ssyncadd.s32 $0xFFFFFFB0  }
0x13: {  	[bflag:$0x0] =	sbarrier.arrive $0xFFFF  }
0x14: {  	[tilespmem:s3], [sflag:$0x1] =	stream.linear.gather [hbm4b:s6+s3], $0x2780, $0x38;
	[tilespmem:$0x5280] =	vst v63  }
0x15: {  	_ =	swait.ge [sflag:s11], $0x2780  }
0x16: {  	[sflag:s11] =	ssyncset.done $0x0  }
0x17: {  	[sflag:s11] =	ssyncadd.s32 $0xFFFFD880  }
0x18: {  	[tilespmem:s12], [sflag:$0x1] =	stream.linear.gather [hbm4b:s7+s3], $0x2780, $0x38;
	[tilespmem:$0x5280] =	vst v63  }
0x19: {  	_ =	swait.ge [sflag:s11], $0x2780  }
0x1a: {  	[sflag:s11] =	ssyncset.done $0x0  }
0x1b: {  	s17 =	simm.s32 $0x0;
	s18 =	simm.s32 $0x2800;
	[sflag:s11] =	ssyncadd.s32 $0xFFFFD880  }
0x1c: {  	[spmem:s2] =	stream.indirect.scatter.add.f32 [tilespmem:s18], [sflag:$0x1], $0x1, s17, s13, $0xb8;
	[tilespmem:$0x5280] =	vst v63  }
0x1d: {  	s17 =	simm.s32 $0x200;
	_ =	swait.ge [sflag:s11], $0x80  }
.LBB2_2:
0x1e: {  	s18 =	sshra.s32 s17, $0x2;
	[sflag:s11] =	ssyncset.done $0x0;
	p0 =	sne.s32 s17, $0x9C00  }
.Ltmp0:
0x1f: {  	s19 =	sadd.s32 $0x2800, s18;
	[sflag:s11] =	ssyncadd.s32 $0xFFFFFF80;
	(pc) =	sbr.rel @p0 .LBB2_2-.Ltmp0, $3  }
0x20: {  	[spmem:s2] =	stream.indirect.scatter.add.f32 [tilespmem:s19], [sflag:$0x1], $0x1, s18, s13, $0xb8;
	[tilespmem:$0x5280] =	vst v63  }
0x21: {  	s17 =	sadd.s32 $0x200, s17;
	_ =	sdelay $0x1  }
0x22: {  	_ =	swait.ge [sflag:s11], $0x80  }
0x23: {  	[sflag:s11] =	ssyncset.done $0x0;
	s16 =	sadd.s32 $0x1, s16  }
0x24: {  	[sflag:s11] =	ssyncadd.s32 $0xFFFFFF80;
	p0 =	sne.s32 s16, s9  }
.Ltmp1:
0x25: {  	[bflag:$0x0] =	sbarrier.arrive $0xFFFF;
	(pc) =	sbr.rel @p0 .LBB2_1-.Ltmp1, $4  }
0x26: {  	[hbm:s8@s14], [sflag:s5] =	dma.strided [spmem:s10@s15], $0x50, s11, $0x10   }
0x27: {  	_ =	swait.ge [sflag:s11], $0x50  }
0x28: {  	[sflag:s11] =	ssyncset.done $0x0  }
0x29: {  	[sflag:s11] =	ssyncadd.s32 $0xFFFFFFB0  }
0x2a: {  	_ =	sfence.sel $0x180000  }
0x2b: {  	[bflag:$0x0] =	sbarrier.arrive $0xFFFF  }
0x2c: {  	p0 =	sne.s32 s0, $0x0;
	_ =	strace $0x90000047  }
0x2d: {  	s0 =	sadd.s32 @!p0 $0x100000, s1;
	[bflag:$0x2] =	sbarrier.arrive $0xFFFF  }
0x2e: {  	[sflag:s0] =	ssyncadd.tile.s32 @!p0 $0x1;
	_ =	shalt  }
.Lfunc_end2:
_tile_overlayer_lowered:
.L_overlay_start_2:
0x2f: {  	(tag) =	ssettag $0x2  }
0x30: {  	s0 =	rddreg [dreg:$0x0];
	s2 =	stileid.u32  }
0x31: {  	s1 =	rddreg [dreg:$0x1];
	p0 =	sne.s32 s2, $0x0  }
0x32: {  	s3 =	rddreg [dreg:$0x2];
	[bflag:$0x3] =	sbarrier.arrive $0xFFFF;
	s2 =	simm.s32 @!p0 $0x1C01  }
0x33: {  	[timem:s3], [sflag:s2] =	dma.local @!p0 [hbm:s0], s1  }
0x34: {  	s0 =	simm.s32 @!p0 $0x1  }
0x35: {  	_ =	swait.ge @!p0 [sflag:s0], s1  }
0x36: {  	s1 =	ssub.s32 @!p0 $0x0, s1;
	[sflag:s0] =	ssyncset.done @!p0 $0x0  }
0x37: {  	[sflag:s0] =	ssyncadd.s32 @!p0 s1  }
0x38: {  	[bflag:$0x3] =	sbarrier.arrive $0xFFFF  }
0x39: {  	_ =	shalt  }

</sc_bundles>
